<compile_context>
chip_gen: v7x
topology: tpu7x:2x2x1
jax: 0.10.2.dev20260603
libtpu: 0.0.44.dev20260713+nightly
codegen_flags: <defaults>
</compile_context>

<pallas_src>
import jax
import jax.numpy as jnp
from jax import lax
from jax.experimental import pallas as pl
from jax.experimental.pallas import tpu as pltpu
from jax.experimental.pallas import tpu_sc as plsc

B = 16384
FANOUT = 16
EV = B * FANOUT
N = 100000
D = 128
H = 128
TS_RANGE = 86400.0

NC = 2
NS = 16
NW = NC * NS
EV_PER_W = EV // NW
P1C = 256
NP1 = EV_PER_W // P1C
CH = 128
NCHUNK = EV_PER_W // CH
SCH = 128
SEEDS_PER_W = B // NW


def _precompute_body(src_ref, dst_ref, wes_ref, wed_ref, ps_ref, pd_ref):
    dn = (((1,), (1,)), ((), ()))
    ps_ref[...] = lax.dot_general(src_ref[...], wes_ref[...], dn,
                                  preferred_element_type=jnp.float32)
    pd_ref[...] = lax.dot_general(dst_ref[...], wed_ref[...], dn,
                                  preferred_element_type=jnp.float32)


def _precompute_tables(src_emb, dst_emb, wes, wed):
    rb = 4096
    nblk = (N + rb - 1) // rb
    return pl.pallas_call(
        _precompute_body,
        grid=(nblk,),
        in_specs=[
            pl.BlockSpec((rb, D), lambda i: (i, 0)),
            pl.BlockSpec((rb, D), lambda i: (i, 0)),
            pl.BlockSpec((H, D), lambda i: (0, 0)),
            pl.BlockSpec((H, D), lambda i: (0, 0)),
        ],
        out_specs=[
            pl.BlockSpec((rb, H), lambda i: (i, 0)),
            pl.BlockSpec((rb, H), lambda i: (i, 0)),
        ],
        out_shape=[
            jax.ShapeDtypeStruct((N, H), jnp.float32),
            jax.ShapeDtypeStruct((N, H), jnp.float32),
        ],
    )(src_emb, dst_emb, wes, wed)


def _add_rows(dst, src):
    def addrow(r, carry):
        for c in range(H // 16):
            sl = pl.ds(c * 16, 16)
            dst[r, sl] = dst[r, sl] + src[r, sl]
        return carry

    lax.fori_loop(0, dst.shape[0], addrow, 0, unroll=2)


def _sc_body(ev_hbm, seeds_hbm, esrc_hbm, edst_hbm, ets_hbm, ew_hbm,
             psrc_hbm, pdst_hbm, semb_hbm,
             g_out, ts_out, w_out, self_out,
             sidx_all, didx_all, ts_all, w_all,
             rows_a0, rows_b0, rows_a1, rows_b1, self_v, ev_c, ev_c2,
             sem_s, sem_s2, sem_g0, sem_g1, sem_w0, sem_w1, sem_w):
    wid = lax.axis_index("c") * NS + lax.axis_index("s")
    base = wid * EV_PER_W

    evs = ((ev_c, sem_s), (ev_c2, sem_s2))

    def p1_issue(q, s):
        evb, sem = evs[s]
        sl = pl.ds(q * P1C, P1C)
        pltpu.sync_copy(ev_hbm.at[pl.ds(base + q * P1C, P1C)], evb)
        pltpu.async_copy(esrc_hbm.at[evb], sidx_all.at[sl], sem)
        pltpu.async_copy(edst_hbm.at[evb], didx_all.at[sl], sem)
        pltpu.async_copy(ets_hbm.at[evb], ts_all.at[sl], sem)
        pltpu.async_copy(ew_hbm.at[evb], w_all.at[sl], sem)

    def p1_drain(s):
        evb, sem = evs[s]
        sl = pl.ds(0, P1C)
        pltpu.make_async_copy(esrc_hbm.at[evb], sidx_all.at[sl], sem).wait()
        pltpu.make_async_copy(edst_hbm.at[evb], didx_all.at[sl], sem).wait()
        pltpu.make_async_copy(ets_hbm.at[evb], ts_all.at[sl], sem).wait()
        pltpu.make_async_copy(ew_hbm.at[evb], w_all.at[sl], sem).wait()

    p1_issue(0, 0)

    def p1_super(k, carry):
        q0 = 2 * k
        p1_issue(q0 + 1, 1)
        p1_drain(0)

        @pl.when(q0 + 2 < NP1)
        def _():
            p1_issue(q0 + 2, 0)

        p1_drain(1)
        return carry

    lax.fori_loop(0, NP1 // 2, p1_super, 0)
    cw1 = pltpu.async_copy(ts_all, ts_out.at[pl.ds(base, EV_PER_W)], sem_w)
    cw2 = pltpu.async_copy(w_all, w_out.at[pl.ds(base, EV_PER_W)], sem_w)

    slots = ((rows_a0, rows_b0, sem_g0, sem_w0),
             (rows_a1, rows_b1, sem_g1, sem_w1))

    def issue_g(i, slot):
        ra, rb, sg, _ = slots[slot]
        sl = pl.ds(i * CH, CH)
        pltpu.async_copy(psrc_hbm.at[sidx_all.at[sl]], ra, sg)
        pltpu.async_copy(pdst_hbm.at[didx_all.at[sl]], rb, sg)

    def drain_g(slot):
        ra, rb, sg, _ = slots[slot]
        sl = pl.ds(0, CH)
        pltpu.make_async_copy(psrc_hbm.at[sidx_all.at[sl]], ra, sg).wait()
        pltpu.make_async_copy(pdst_hbm.at[didx_all.at[sl]], rb, sg).wait()

    def finish(i, slot):
        ra, rb, _, sw = slots[slot]
        _add_rows(ra, rb)
        pltpu.async_copy(ra, g_out.at[pl.ds(base + i * CH, CH)], sw)

    def drain_w(slot):
        ra, _, _, sw = slots[slot]
        pltpu.make_async_copy(ra, g_out.at[pl.ds(0, CH)], sw).wait()

    issue_g(0, 0)
    issue_g(1, 1)

    def super_iter(k, carry):
        i0 = 2 * k
        drain_g(0)
        finish(i0, 0)
        drain_g(1)
        finish(i0 + 1, 1)
        drain_w(0)

        @pl.when(k < NCHUNK // 2 - 1)
        def _():
            issue_g(i0 + 2, 0)

        drain_w(1)

        @pl.when(k < NCHUNK // 2 - 1)
        def _():
            issue_g(i0 + 3, 1)

        return carry

    lax.fori_loop(0, NCHUNK // 2, super_iter, 0)

    cw1.wait()
    cw2.wait()

    sbase = wid * SEEDS_PER_W
    for j in range(SEEDS_PER_W // SCH):
        soff = sbase + j * SCH
        sg = slots[j % 2][2]
        pltpu.sync_copy(seeds_hbm.at[pl.ds(soff, SCH)],
                        sidx_all.at[pl.ds(0, SCH)])
        pltpu.async_copy(semb_hbm.at[sidx_all.at[pl.ds(0, SCH)]], self_v,
                         sg).wait()
        pltpu.sync_copy(self_v, self_out.at[pl.ds(soff, SCH)])


def _sc_gather(ev, seeds, esrc, edst, ets, ew, psrc, pdst, semb):
    mesh = plsc.VectorSubcoreMesh(core_axis_name="c", subcore_axis_name="s")
    fn = pl.kernel(
        _sc_body,
        out_type=[
            jax.ShapeDtypeStruct((EV, H), jnp.float32),
            jax.ShapeDtypeStruct((EV,), jnp.float32),
            jax.ShapeDtypeStruct((EV,), jnp.float32),
            jax.ShapeDtypeStruct((B, D), jnp.float32),
        ],
        mesh=mesh,
        scratch_types=[
            pltpu.VMEM((EV_PER_W,), jnp.int32),
            pltpu.VMEM((EV_PER_W,), jnp.int32),
            pltpu.VMEM((EV_PER_W,), jnp.float32),
            pltpu.VMEM((EV_PER_W,), jnp.float32),
            pltpu.VMEM((CH, H), jnp.float32),
            pltpu.VMEM((CH, H), jnp.float32),
            pltpu.VMEM((CH, H), jnp.float32),
            pltpu.VMEM((CH, H), jnp.float32),
            pltpu.VMEM((SCH, D), jnp.float32),
            pltpu.VMEM((P1C,), jnp.int32),
            pltpu.VMEM((P1C,), jnp.int32),
            pltpu.SemaphoreType.DMA,
            pltpu.SemaphoreType.DMA,
            pltpu.SemaphoreType.DMA,
            pltpu.SemaphoreType.DMA,
            pltpu.SemaphoreType.DMA,
            pltpu.SemaphoreType.DMA,
            pltpu.SemaphoreType.DMA,
        ],
    )
    return fn(ev, seeds, esrc, edst, ets, ew, psrc, pdst, semb)


def _finish_body(g_ref, ts_ref, w_ref, self_ref, w1t_ref, b1_ref,
                 w2_ref, b2_ref, wself_ref, wneigh_ref, out_ref):
    dn = (((1,), (1,)), ((), ()))
    ts_t = jnp.transpose(ts_ref[...]) * (1.0 / TS_RANGE)
    wv_t = jnp.log1p(jnp.transpose(w_ref[...]))
    nsub = ts_t.shape[1]
    w1a = w1t_ref[0:1, :]
    w1b = w1t_ref[1:2, :]
    b1v = b1_ref[...]
    pieces = [
        jnp.maximum(ts_t[:, r:r + 1] * w1a + wv_t[:, r:r + 1] * w1b + b1v,
                    0.0)
        for r in range(nsub)
    ]
    h1 = jnp.concatenate(pieces, axis=0)
    mlp = lax.dot_general(h1, w2_ref[...], dn,
                          preferred_element_type=jnp.float32) + b2_ref[...]
    evh = jnp.maximum(mlp + g_ref[...], 0.0)
    sb = evh.shape[0] // FANOUT
    neigh = jnp.mean(evh.reshape(sb, FANOUT, H), axis=1)
    out = lax.dot_general(self_ref[...], wself_ref[...], dn,
                          preferred_element_type=jnp.float32)
    out += lax.dot_general(neigh, wneigh_ref[...], dn,
                           preferred_element_type=jnp.float32)
    out_ref[...] = jnp.maximum(out, 0.0)


def _finish(g, ts, w, self_rows, w1t, b1, w2, b2, wself, wneigh):
    sb = 256
    eb = sb * FANOUT
    nblk = B // sb
    return pl.pallas_call(
        _finish_body,
        grid=(nblk,),
        in_specs=[
            pl.BlockSpec((eb, H), lambda i: (i, 0)),
            pl.BlockSpec((eb // 128, 128), lambda i: (i, 0)),
            pl.BlockSpec((eb // 128, 128), lambda i: (i, 0)),
            pl.BlockSpec((sb, D), lambda i: (i, 0)),
            pl.BlockSpec((2, H), lambda i: (0, 0)),
            pl.BlockSpec((1, H), lambda i: (0, 0)),
            pl.BlockSpec((H, H), lambda i: (0, 0)),
            pl.BlockSpec((1, H), lambda i: (0, 0)),
            pl.BlockSpec((H, D), lambda i: (0, 0)),
            pl.BlockSpec((H, H), lambda i: (0, 0)),
        ],
        out_specs=pl.BlockSpec((sb, H), lambda i: (i, 0)),
        out_shape=jax.ShapeDtypeStruct((B, H), jnp.float32),
    )(g, ts, w, self_rows, w1t, b1, w2, b2, wself, wneigh)


def kernel(seeds, nbr_ev, event_src, event_dst, event_ts_s, event_w,
           src_emb, dst_emb, W1, b1, W2, b2,
           W_event_src, W_event_dst, W_self, W_neigh):
    ev = nbr_ev.reshape(EV).astype(jnp.int32)
    seeds32 = seeds.astype(jnp.int32)
    psrc, pdst = _precompute_tables(src_emb, dst_emb, W_event_src,
                                    W_event_dst)
    g, ts_g, w_g, self_rows = _sc_gather(
        ev, seeds32, event_src, event_dst, event_ts_s, event_w,
        psrc, pdst, src_emb)
    out = _finish(g,
                  ts_g.reshape(EV // 128, 128), w_g.reshape(EV // 128, 128),
                  self_rows,
                  W1.T, b1.reshape(1, H), W2, b2.reshape(1, H),
                  W_self, W_neigh)
    return out

# --- scband reference (transcript-rebuilt; emitter-appended) ---
"""Pipeline reference for scband-rel-event-sage-15590731284984 (READ-ONLY COPY).

The authoritative reference and input builder live on the scoring server;
editing this copy changes nothing except your own understanding.
"""

import jax, jax.numpy as jnp
import numpy as np

B = 16384
FANOUT = 16
E = 3200000
N = 100000
D = 128
H = 128
TS_MIN = 0
TS_RANGE = 86400


def setup_inputs(seed: int = 0) -> dict:
    key = jax.random.key(seed)
    ks = jax.random.split(key, 16)
    seeds = jax.random.randint(ks[0], (B,), 0, N, dtype=jnp.int64 if jax.config.jax_enable_x64 else jnp.int32)
    nbr_ev = jax.random.randint(ks[1], (B, FANOUT), 0, E, dtype=jnp.int32)
    event_src = jax.random.randint(ks[2], (E,), 0, N, dtype=jnp.int32)
    event_dst = jax.random.randint(ks[3], (E,), 0, N, dtype=jnp.int32)
    event_ts_s = jax.random.uniform(ks[4], (E,), dtype=jnp.float32) * float(TS_RANGE)
    event_w = jax.random.uniform(ks[5], (E,), dtype=jnp.float32)
    src_emb = jax.random.normal(ks[6], (N, D), dtype=jnp.float32) * 0.02
    dst_emb = jax.random.normal(ks[7], (N, D), dtype=jnp.float32) * 0.02
    # event_mlp: Linear(2,H) -> ReLU -> Linear(H,H); torch Linear weights are [out,in]
    W1 = jax.random.normal(ks[8], (H, 2), dtype=jnp.float32) * (6.0 ** 0.5 / (2 + H) ** 0.5)
    b1 = jnp.zeros((H,), dtype=jnp.float32)
    W2 = jax.random.normal(ks[9], (H, H), dtype=jnp.float32) * (6.0 ** 0.5 / (2 * H) ** 0.5)
    b2 = jnp.zeros((H,), dtype=jnp.float32)
    W_event_src = jax.random.normal(ks[10], (H, D), dtype=jnp.float32) * (6.0 ** 0.5 / (D + H) ** 0.5)
    W_event_dst = jax.random.normal(ks[11], (H, D), dtype=jnp.float32) * (6.0 ** 0.5 / (D + H) ** 0.5)
    W_self = jax.random.normal(ks[12], (H, D), dtype=jnp.float32) * (6.0 ** 0.5 / (D + H) ** 0.5)
    W_neigh = jax.random.normal(ks[13], (H, H), dtype=jnp.float32) * (6.0 ** 0.5 / (2 * H) ** 0.5)
    return {
        "seeds": seeds,
        "nbr_ev": nbr_ev,
        "event_src": event_src,
        "event_dst": event_dst,
        "event_ts_s": event_ts_s,
        "event_w": event_w,
        "src_emb": src_emb,
        "dst_emb": dst_emb,
        "W1": W1,
        "b1": b1,
        "W2": W2,
        "b2": b2,
        "W_event_src": W_event_src,
        "W_event_dst": W_event_dst,
        "W_self": W_self,
        "W_neigh": W_neigh,
    }


def reference(seeds, nbr_ev, event_src, event_dst, event_ts_s, event_w,
              src_emb, dst_emb, W1, b1, W2, b2,
              W_event_src, W_event_dst, W_self, W_neigh):
    # encode_src path of RelEventSAGE (bipartite; dropout in eval mode = identity).
    ev_flat = nbr_ev.reshape(-1)
    valid = ev_flat >= 0
    ev = jnp.where(valid, ev_flat, 0)
    # _event_repr: gather per-event endpoints + features (SparseCore gathers)
    src = jnp.take(event_src, ev, axis=0)
    dst = jnp.take(event_dst, ev, axis=0)
    src_e = jnp.take(src_emb, src, axis=0)
    dst_e = jnp.take(dst_emb, dst, axis=0)
    ts = jnp.take(event_ts_s, ev, axis=0)
    w = jnp.log1p(jnp.take(event_w, ev, axis=0))
    ts_norm = (ts - float(TS_MIN)) / float(TS_RANGE)
    feat = jnp.stack([ts_norm, w], axis=1)
    mlp_h = jax.nn.relu(feat @ W1.T + b1) @ W2.T + b2
    ev_h = jax.nn.relu(mlp_h + src_e @ W_event_src.T + dst_e @ W_event_dst.T)
    ev_h = jnp.where(valid[:, None], ev_h, 0.0)
    ev_h = ev_h.reshape(seeds.shape[0], FANOUT, H)
    neigh = ev_h.mean(axis=1)
    self_h = jnp.take(src_emb, seeds, axis=0)
    out = jax.nn.relu(self_h @ W_self.T + neigh @ W_neigh.T)
    return out

if __name__ == "__main__":
    import jax
    _d = setup_inputs()
    print(jax.jit(kernel)(*tuple(_d.values())))

</pallas_src>

<mosaic_0001>
#map = affine_map<(d0, d1) -> (0)>
#map1 = affine_map<(d0, d1) -> (0, 0)>
module attributes {stable_mosaic.version = 14 : i64} {
  func.func @_sc_body(%arg0: i32, %arg1: i32, %arg2: memref<262144xi32, #tpu.memory_space<hbm>>, %arg3: memref<16384xi32, #tpu.memory_space<hbm>>, %arg4: memref<3200000xi32, #tpu.memory_space<hbm>>, %arg5: memref<3200000xi32, #tpu.memory_space<hbm>>, %arg6: memref<3200000xf32, #tpu.memory_space<hbm>>, %arg7: memref<3200000xf32, #tpu.memory_space<hbm>>, %arg8: memref<100000x128xf32, #tpu.memory_space<hbm>>, %arg9: memref<100000x128xf32, #tpu.memory_space<hbm>>, %arg10: memref<100000x128xf32, #tpu.memory_space<hbm>>, %arg11: memref<262144x128xf32, #tpu.memory_space<hbm>>, %arg12: memref<262144xf32, #tpu.memory_space<hbm>>, %arg13: memref<262144xf32, #tpu.memory_space<hbm>>, %arg14: memref<16384x128xf32, #tpu.memory_space<hbm>>, %arg15: memref<8192xi32, #tpu.memory_space<vmem>>, %arg16: memref<8192xi32, #tpu.memory_space<vmem>>, %arg17: memref<8192xf32, #tpu.memory_space<vmem>>, %arg18: memref<8192xf32, #tpu.memory_space<vmem>>, %arg19: memref<128x128xf32, #tpu.memory_space<vmem>>, %arg20: memref<128x128xf32, #tpu.memory_space<vmem>>, %arg21: memref<128x128xf32, #tpu.memory_space<vmem>>, %arg22: memref<128x128xf32, #tpu.memory_space<vmem>>, %arg23: memref<128x128xf32, #tpu.memory_space<vmem>>, %arg24: memref<256xi32, #tpu.memory_space<vmem>>, %arg25: memref<256xi32, #tpu.memory_space<vmem>>, %arg26: memref<!tpu.dma_semaphore, #tpu.memory_space<semaphore_mem>>, %arg27: memref<!tpu.dma_semaphore, #tpu.memory_space<semaphore_mem>>, %arg28: memref<!tpu.dma_semaphore, #tpu.memory_space<semaphore_mem>>, %arg29: memref<!tpu.dma_semaphore, #tpu.memory_space<semaphore_mem>>, %arg30: memref<!tpu.dma_semaphore, #tpu.memory_space<semaphore_mem>>, %arg31: memref<!tpu.dma_semaphore, #tpu.memory_space<semaphore_mem>>, %arg32: memref<!tpu.dma_semaphore, #tpu.memory_space<semaphore_mem>>) attributes {dimension_semantics = [#tpu.dimension_semantics<core_parallel>, #tpu.dimension_semantics<subcore_parallel>], iteration_bounds = array<i64: 2, 16>, scalar_prefetch = 0 : i64, scratch_operands = 18 : i64, tpu.core_type = #tpu.core_type<sc_vector_subcore>, window_params = [{transform_indices = #map}, {transform_indices = #map}, {transform_indices = #map}, {transform_indices = #map}, {transform_indices = #map}, {transform_indices = #map}, {transform_indices = #map1}, {transform_indices = #map1}, {transform_indices = #map1}, {transform_indices = #map1}, {transform_indices = #map}, {transform_indices = #map}, {transform_indices = #map1}]} {
    %mul3A = arith.constant 16 : i32
    %mul3A_0 = arith.muli %arg0, %mul3A : i32
    %add3A = arith.addi %mul3A_0, %arg1 : i32
    %mul3A_1 = arith.constant 8192 : i32
    %mul3A_2 = arith.muli %add3A, %mul3A_1 : i32
    %add3A_3 = arith.constant 0 : i32
    %add3A_4 = arith.addi %mul3A_2, %add3A_3 : i32
    "tpu.region"() ({
      %run_scoped3A = tpu.sem_alloc : memref<!tpu.dma_semaphore, #tpu.memory_space<semaphore_mem>>
      %dma_start3A_108 = tpu.memref_slice %arg2[%add3A_4] : memref<262144xi32, #tpu.memory_space<hbm>> -> memref<256xi32, #tpu.memory_space<hbm>>
      %dma_start3A_109 = tpu.memref_slice %arg2[%add3A_4] : memref<262144xi32, #tpu.memory_space<hbm>> -> memref<256xi32, #tpu.memory_space<hbm>>
      tpu.enqueue_dma source(%dma_start3A_109 : memref<256xi32, #tpu.memory_space<hbm>>) target(%arg24 : memref<256xi32, #tpu.memory_space<vmem>>) target_semaphore(%run_scoped3A : memref<!tpu.dma_semaphore, #tpu.memory_space<semaphore_mem>>)
      %dma_wait3A_110 = tpu.memref_slice %arg2[%add3A_4] : memref<262144xi32, #tpu.memory_space<hbm>> -> memref<256xi32, #tpu.memory_space<hbm>>
      %dma_wait3A_111 = tpu.memref_slice %arg2[%add3A_4] : memref<262144xi32, #tpu.memory_space<hbm>> -> memref<256xi32, #tpu.memory_space<hbm>>
      tpu.wait_dma2 semaphore(%run_scoped3A : memref<!tpu.dma_semaphore, #tpu.memory_space<semaphore_mem>>) src(%dma_wait3A_111 : memref<256xi32, #tpu.memory_space<hbm>>) dst(%arg24 : memref<256xi32, #tpu.memory_space<vmem>>)
      tpu.yield
    }) : () -> ()
    %dma_start3A = arith.constant 0 : i32
    %dma_start3A_5 = tpu.memref_slice %arg15[%dma_start3A] : memref<8192xi32, #tpu.memory_space<vmem>> -> memref<256xi32, #tpu.memory_space<vmem>>
    %dma_start3A_6 = arith.constant 0 : i32
    %dma_start3A_7 = tpu.memref_slice %arg4[%dma_start3A_6] : memref<3200000xi32, #tpu.memory_space<hbm>> -> memref<3200000xi32, #tpu.memory_space<hbm>>
    tpu.enqueue_indirect_dma source(%dma_start3A_7 : memref<3200000xi32, #tpu.memory_space<hbm>>) target(%dma_start3A_5 : memref<256xi32, #tpu.memory_space<vmem>>) offsets(%arg24 : memref<256xi32, #tpu.memory_space<vmem>>) semaphore(%arg26 : memref<!tpu.dma_semaphore, #tpu.memory_space<semaphore_mem>>)
    %dma_start3A_8 = arith.constant 0 : i32
    %dma_start3A_9 = tpu.memref_slice %arg16[%dma_start3A_8] : memref<8192xi32, #tpu.memory_space<vmem>> -> memref<256xi32, #tpu.memory_space<vmem>>
    %dma_start3A_10 = arith.constant 0 : i32
    %dma_start3A_11 = tpu.memref_slice %arg5[%dma_start3A_10] : memref<3200000xi32, #tpu.memory_space<hbm>> -> memref<3200000xi32, #tpu.memory_space<hbm>>
    tpu.enqueue_indirect_dma source(%dma_start3A_11 : memref<3200000xi32, #tpu.memory_space<hbm>>) target(%dma_start3A_9 : memref<256xi32, #tpu.memory_space<vmem>>) offsets(%arg24 : memref<256xi32, #tpu.memory_space<vmem>>) semaphore(%arg26 : memref<!tpu.dma_semaphore, #tpu.memory_space<semaphore_mem>>)
    %dma_start3A_12 = arith.constant 0 : i32
    %dma_start3A_13 = tpu.memref_slice %arg17[%dma_start3A_12] : memref<8192xf32, #tpu.memory_space<vmem>> -> memref<256xf32, #tpu.memory_space<vmem>>
    %dma_start3A_14 = arith.constant 0 : i32
    %dma_start3A_15 = tpu.memref_slice %arg6[%dma_start3A_14] : memref<3200000xf32, #tpu.memory_space<hbm>> -> memref<3200000xf32, #tpu.memory_space<hbm>>
    tpu.enqueue_indirect_dma source(%dma_start3A_15 : memref<3200000xf32, #tpu.memory_space<hbm>>) target(%dma_start3A_13 : memref<256xf32, #tpu.memory_space<vmem>>) offsets(%arg24 : memref<256xi32, #tpu.memory_space<vmem>>) semaphore(%arg26 : memref<!tpu.dma_semaphore, #tpu.memory_space<semaphore_mem>>)
    %dma_start3A_16 = arith.constant 0 : i32
    %dma_start3A_17 = tpu.memref_slice %arg18[%dma_start3A_16] : memref<8192xf32, #tpu.memory_space<vmem>> -> memref<256xf32, #tpu.memory_space<vmem>>
    %dma_start3A_18 = arith.constant 0 : i32
    %dma_start3A_19 = tpu.memref_slice %arg7[%dma_start3A_18] : memref<3200000xf32, #tpu.memory_space<hbm>> -> memref<3200000xf32, #tpu.memory_space<hbm>>
    tpu.enqueue_indirect_dma source(%dma_start3A_19 : memref<3200000xf32, #tpu.memory_space<hbm>>) target(%dma_start3A_17 : memref<256xf32, #tpu.memory_space<vmem>>) offsets(%arg24 : memref<256xi32, #tpu.memory_space<vmem>>) semaphore(%arg26 : memref<!tpu.dma_semaphore, #tpu.memory_space<semaphore_mem>>)
    %scan3A = arith.constant 0 : i32
    %scan3A_20 = arith.constant 0 : i32
    %scan3A_21 = arith.constant 16 : i32
    %scan3A_22 = arith.addi %scan3A_20, %scan3A_21 : i32
    %scan3A_23 = arith.constant 1 : i32
    scf.for %scan3A_108 = %scan3A_20 to %scan3A_22 step %scan3A_23  : i32 {
      %mul3A_109 = arith.constant 2 : i32
      %mul3A_110 = arith.muli %mul3A_109, %scan3A_108 : i32
      %add3A_111 = arith.constant 1 : i32
      %add3A_112 = arith.addi %mul3A_110, %add3A_111 : i32
      %mul3A_113 = arith.constant 256 : i32
      %mul3A_114 = arith.muli %add3A_112, %mul3A_113 : i32
      %mul3A_115 = arith.constant 256 : i32
      %mul3A_116 = arith.muli %add3A_112, %mul3A_115 : i32
      %add3A_117 = arith.addi %mul3A_2, %mul3A_116 : i32
      "tpu.region"() ({
        %run_scoped3A = tpu.sem_alloc : memref<!tpu.dma_semaphore, #tpu.memory_space<semaphore_mem>>
        %dma_start3A_166 = tpu.memref_slice %arg2[%add3A_117] : memref<262144xi32, #tpu.memory_space<hbm>> -> memref<256xi32, #tpu.memory_space<hbm>>
        %dma_start3A_167 = tpu.memref_slice %arg2[%add3A_117] : memref<262144xi32, #tpu.memory_space<hbm>> -> memref<256xi32, #tpu.memory_space<hbm>>
        tpu.enqueue_dma source(%dma_start3A_167 : memref<256xi32, #tpu.memory_space<hbm>>) target(%arg25 : memref<256xi32, #tpu.memory_space<vmem>>) target_semaphore(%run_scoped3A : memref<!tpu.dma_semaphore, #tpu.memory_space<semaphore_mem>>)
        %dma_wait3A_168 = tpu.memref_slice %arg2[%add3A_117] : memref<262144xi32, #tpu.memory_space<hbm>> -> memref<256xi32, #tpu.memory_space<hbm>>
        %dma_wait3A_169 = tpu.memref_slice %arg2[%add3A_117] : memref<262144xi32, #tpu.memory_space<hbm>> -> memref<256xi32, #tpu.memory_space<hbm>>
        tpu.wait_dma2 semaphore(%run_scoped3A : memref<!tpu.dma_semaphore, #tpu.memory_space<semaphore_mem>>) src(%dma_wait3A_169 : memref<256xi32, #tpu.memory_space<hbm>>) dst(%arg25 : memref<256xi32, #tpu.memory_space<vmem>>)
        tpu.yield
      }) : () -> ()
      %dma_start3A_118 = tpu.memref_slice %arg15[%mul3A_114] : memref<8192xi32, #tpu.memory_space<vmem>> -> memref<256xi32, #tpu.memory_space<vmem>>
      %dma_start3A_119 = arith.constant 0 : i32
      %dma_start3A_120 = tpu.memref_slice %arg4[%dma_start3A_119] : memref<3200000xi32, #tpu.memory_space<hbm>> -> memref<3200000xi32, #tpu.memory_space<hbm>>
      tpu.enqueue_indirect_dma source(%dma_start3A_120 : memref<3200000xi32, #tpu.memory_space<hbm>>) target(%dma_start3A_118 : memref<256xi32, #tpu.memory_space<vmem>>) offsets(%arg25 : memref<256xi32, #tpu.memory_space<vmem>>) semaphore(%arg27 : memref<!tpu.dma_semaphore, #tpu.memory_space<semaphore_mem>>)
      %dma_start3A_121 = tpu.memref_slice %arg16[%mul3A_114] : memref<8192xi32, #tpu.memory_space<vmem>> -> memref<256xi32, #tpu.memory_space<vmem>>
      %dma_start3A_122 = arith.constant 0 : i32
      %dma_start3A_123 = tpu.memref_slice %arg5[%dma_start3A_122] : memref<3200000xi32, #tpu.memory_space<hbm>> -> memref<3200000xi32, #tpu.memory_space<hbm>>
      tpu.enqueue_indirect_dma source(%dma_start3A_123 : memref<3200000xi32, #tpu.memory_space<hbm>>) target(%dma_start3A_121 : memref<256xi32, #tpu.memory_space<vmem>>) offsets(%arg25 : memref<256xi32, #tpu.memory_space<vmem>>) semaphore(%arg27 : memref<!tpu.dma_semaphore, #tpu.memory_space<semaphore_mem>>)
      %dma_start3A_124 = tpu.memref_slice %arg17[%mul3A_114] : memref<8192xf32, #tpu.memory_space<vmem>> -> memref<256xf32, #tpu.memory_space<vmem>>
      %dma_start3A_125 = arith.constant 0 : i32
      %dma_start3A_126 = tpu.memref_slice %arg6[%dma_start3A_125] : memref<3200000xf32, #tpu.memory_space<hbm>> -> memref<3200000xf32, #tpu.memory_space<hbm>>
      tpu.enqueue_indirect_dma source(%dma_start3A_126 : memref<3200000xf32, #tpu.memory_space<hbm>>) target(%dma_start3A_124 : memref<256xf32, #tpu.memory_space<vmem>>) offsets(%arg25 : memref<256xi32, #tpu.memory_space<vmem>>) semaphore(%arg27 : memref<!tpu.dma_semaphore, #tpu.memory_space<semaphore_mem>>)
      %dma_start3A_127 = tpu.memref_slice %arg18[%mul3A_114] : memref<8192xf32, #tpu.memory_space<vmem>> -> memref<256xf32, #tpu.memory_space<vmem>>
      %dma_start3A_128 = arith.constant 0 : i32
      %dma_start3A_129 = tpu.memref_slice %arg7[%dma_start3A_128] : memref<3200000xf32, #tpu.memory_space<hbm>> -> memref<3200000xf32, #tpu.memory_space<hbm>>
      tpu.enqueue_indirect_dma source(%dma_start3A_129 : memref<3200000xf32, #tpu.memory_space<hbm>>) target(%dma_start3A_127 : memref<256xf32, #tpu.memory_space<vmem>>) offsets(%arg25 : memref<256xi32, #tpu.memory_space<vmem>>) semaphore(%arg27 : memref<!tpu.dma_semaphore, #tpu.memory_space<semaphore_mem>>)
      %dma_wait3A_130 = arith.constant 0 : i32
      %dma_wait3A_131 = tpu.memref_slice %arg15[%dma_wait3A_130] : memref<8192xi32, #tpu.memory_space<vmem>> -> memref<256xi32, #tpu.memory_space<vmem>>
      %dma_wait3A_132 = arith.constant 0 : i32
      %dma_wait3A_133 = tpu.memref_slice %arg4[%dma_wait3A_132] : memref<3200000xi32, #tpu.memory_space<hbm>> -> memref<3200000xi32, #tpu.memory_space<hbm>>
      tpu.wait_indirect_dma semaphore(%arg26 : memref<!tpu.dma_semaphore, #tpu.memory_space<semaphore_mem>>) src(%dma_wait3A_133 : memref<3200000xi32, #tpu.memory_space<hbm>>) dst(%dma_wait3A_131 : memref<256xi32, #tpu.memory_space<vmem>>)
      %dma_wait3A_134 = arith.constant 0 : i32
      %dma_wait3A_135 = tpu.memref_slice %arg16[%dma_wait3A_134] : memref<8192xi32, #tpu.memory_space<vmem>> -> memref<256xi32, #tpu.memory_space<vmem>>
      %dma_wait3A_136 = arith.constant 0 : i32
      %dma_wait3A_137 = tpu.memref_slice %arg5[%dma_wait3A_136] : memref<3200000xi32, #tpu.memory_space<hbm>> -> memref<3200000xi32, #tpu.memory_space<hbm>>
      tpu.wait_indirect_dma semaphore(%arg26 : memref<!tpu.dma_semaphore, #tpu.memory_space<semaphore_mem>>) src(%dma_wait3A_137 : memref<3200000xi32, #tpu.memory_space<hbm>>) dst(%dma_wait3A_135 : memref<256xi32, #tpu.memory_space<vmem>>)
      %dma_wait3A_138 = arith.constant 0 : i32
      %dma_wait3A_139 = tpu.memref_slice %arg17[%dma_wait3A_138] : memref<8192xf32, #tpu.memory_space<vmem>> -> memref<256xf32, #tpu.memory_space<vmem>>
      %dma_wait3A_140 = arith.constant 0 : i32
      %dma_wait3A_141 = tpu.memref_slice %arg6[%dma_wait3A_140] : memref<3200000xf32, #tpu.memory_space<hbm>> -> memref<3200000xf32, #tpu.memory_space<hbm>>
      tpu.wait_indirect_dma semaphore(%arg26 : memref<!tpu.dma_semaphore, #tpu.memory_space<semaphore_mem>>) src(%dma_wait3A_141 : memref<3200000xf32, #tpu.memory_space<hbm>>) dst(%dma_wait3A_139 : memref<256xf32, #tpu.memory_space<vmem>>)
      %dma_wait3A_142 = arith.constant 0 : i32
      %dma_wait3A_143 = tpu.memref_slice %arg18[%dma_wait3A_142] : memref<8192xf32, #tpu.memory_space<vmem>> -> memref<256xf32, #tpu.memory_space<vmem>>
      %dma_wait3A_144 = arith.constant 0 : i32
      %dma_wait3A_145 = tpu.memref_slice %arg7[%dma_wait3A_144] : memref<3200000xf32, #tpu.memory_space<hbm>> -> memref<3200000xf32, #tpu.memory_space<hbm>>
      tpu.wait_indirect_dma semaphore(%arg26 : memref<!tpu.dma_semaphore, #tpu.memory_space<semaphore_mem>>) src(%dma_wait3A_145 : memref<3200000xf32, #tpu.memory_space<hbm>>) dst(%dma_wait3A_143 : memref<256xf32, #tpu.memory_space<vmem>>)
      %add3A_146 = arith.constant 2 : i32
      %add3A_147 = arith.addi %mul3A_110, %add3A_146 : i32
      %lt3A = arith.constant 32 : i32
      %lt3A_148 = arith.cmpi slt, %add3A_147, %lt3A : i32
      %convert_element_type3A = arith.extui %lt3A_148 : i1 to i32
      %cond3A = arith.constant 0 : i32
      %cond3A_149 = arith.cmpi ne, %convert_element_type3A, %cond3A : i32
      scf.if %cond3A_149 {
        %add3A_166 = arith.constant 2 : i32
        %add3A_167 = arith.addi %mul3A_110, %add3A_166 : i32
        %mul3A_168 = arith.constant 256 : i32
        %mul3A_169 = arith.muli %add3A_167, %mul3A_168 : i32
        %mul3A_170 = arith.constant 256 : i32
        %mul3A_171 = arith.muli %add3A_167, %mul3A_170 : i32
        %add3A_172 = arith.addi %mul3A_2, %mul3A_171 : i32
        "tpu.region"() ({
          %run_scoped3A = tpu.sem_alloc : memref<!tpu.dma_semaphore, #tpu.memory_space<semaphore_mem>>
          %dma_start3A_185 = tpu.memref_slice %arg2[%add3A_172] : memref<262144xi32, #tpu.memory_space<hbm>> -> memref<256xi32, #tpu.memory_space<hbm>>
          %dma_start3A_186 = tpu.memref_slice %arg2[%add3A_172] : memref<262144xi32, #tpu.memory_space<hbm>> -> memref<256xi32, #tpu.memory_space<hbm>>
          tpu.enqueue_dma source(%dma_start3A_186 : memref<256xi32, #tpu.memory_space<hbm>>) target(%arg24 : memref<256xi32, #tpu.memory_space<vmem>>) target_semaphore(%run_scoped3A : memref<!tpu.dma_semaphore, #tpu.memory_space<semaphore_mem>>)
          %dma_wait3A_187 = tpu.memref_slice %arg2[%add3A_172] : memref<262144xi32, #tpu.memory_space<hbm>> -> memref<256xi32, #tpu.memory_space<hbm>>
          %dma_wait3A_188 = tpu.memref_slice %arg2[%add3A_172] : memref<262144xi32, #tpu.memory_space<hbm>> -> memref<256xi32, #tpu.memory_space<hbm>>
          tpu.wait_dma2 semaphore(%run_scoped3A : memref<!tpu.dma_semaphore, #tpu.memory_space<semaphore_mem>>) src(%dma_wait3A_188 : memref<256xi32, #tpu.memory_space<hbm>>) dst(%arg24 : memref<256xi32, #tpu.memory_space<vmem>>)
          tpu.yield
        }) : () -> ()
        %dma_start3A_173 = tpu.memref_slice %arg15[%mul3A_169] : memref<8192xi32, #tpu.memory_space<vmem>> -> memref<256xi32, #tpu.memory_space<vmem>>
        %dma_start3A_174 = arith.constant 0 : i32
        %dma_start3A_175 = tpu.memref_slice %arg4[%dma_start3A_174] : memref<3200000xi32, #tpu.memory_space<hbm>> -> memref<3200000xi32, #tpu.memory_space<hbm>>
        tpu.enqueue_indirect_dma source(%dma_start3A_175 : memref<3200000xi32, #tpu.memory_space<hbm>>) target(%dma_start3A_173 : memref<256xi32, #tpu.memory_space<vmem>>) offsets(%arg24 : memref<256xi32, #tpu.memory_space<vmem>>) semaphore(%arg26 : memref<!tpu.dma_semaphore, #tpu.memory_space<semaphore_mem>>)
        %dma_start3A_176 = tpu.memref_slice %arg16[%mul3A_169] : memref<8192xi32, #tpu.memory_space<vmem>> -> memref<256xi32, #tpu.memory_space<vmem>>
        %dma_start3A_177 = arith.constant 0 : i32
        %dma_start3A_178 = tpu.memref_slice %arg5[%dma_start3A_177] : memref<3200000xi32, #tpu.memory_space<hbm>> -> memref<3200000xi32, #tpu.memory_space<hbm>>
        tpu.enqueue_indirect_dma source(%dma_start3A_178 : memref<3200000xi32, #tpu.memory_space<hbm>>) target(%dma_start3A_176 : memref<256xi32, #tpu.memory_space<vmem>>) offsets(%arg24 : memref<256xi32, #tpu.memory_space<vmem>>) semaphore(%arg26 : memref<!tpu.dma_semaphore, #tpu.memory_space<semaphore_mem>>)
        %dma_start3A_179 = tpu.memref_slice %arg17[%mul3A_169] : memref<8192xf32, #tpu.memory_space<vmem>> -> memref<256xf32, #tpu.memory_space<vmem>>
        %dma_start3A_180 = arith.constant 0 : i32
        %dma_start3A_181 = tpu.memref_slice %arg6[%dma_start3A_180] : memref<3200000xf32, #tpu.memory_space<hbm>> -> memref<3200000xf32, #tpu.memory_space<hbm>>
        tpu.enqueue_indirect_dma source(%dma_start3A_181 : memref<3200000xf32, #tpu.memory_space<hbm>>) target(%dma_start3A_179 : memref<256xf32, #tpu.memory_space<vmem>>) offsets(%arg24 : memref<256xi32, #tpu.memory_space<vmem>>) semaphore(%arg26 : memref<!tpu.dma_semaphore, #tpu.memory_space<semaphore_mem>>)
        %dma_start3A_182 = tpu.memref_slice %arg18[%mul3A_169] : memref<8192xf32, #tpu.memory_space<vmem>> -> memref<256xf32, #tpu.memory_space<vmem>>
        %dma_start3A_183 = arith.constant 0 : i32
        %dma_start3A_184 = tpu.memref_slice %arg7[%dma_start3A_183] : memref<3200000xf32, #tpu.memory_space<hbm>> -> memref<3200000xf32, #tpu.memory_space<hbm>>
        tpu.enqueue_indirect_dma source(%dma_start3A_184 : memref<3200000xf32, #tpu.memory_space<hbm>>) target(%dma_start3A_182 : memref<256xf32, #tpu.memory_space<vmem>>) offsets(%arg24 : memref<256xi32, #tpu.memory_space<vmem>>) semaphore(%arg26 : memref<!tpu.dma_semaphore, #tpu.memory_space<semaphore_mem>>)
      } else {
      }
      %dma_wait3A_150 = arith.constant 0 : i32
      %dma_wait3A_151 = tpu.memref_slice %arg15[%dma_wait3A_150] : memref<8192xi32, #tpu.memory_space<vmem>> -> memref<256xi32, #tpu.memory_space<vmem>>
      %dma_wait3A_152 = arith.constant 0 : i32
      %dma_wait3A_153 = tpu.memref_slice %arg4[%dma_wait3A_152] : memref<3200000xi32, #tpu.memory_space<hbm>> -> memref<3200000xi32, #tpu.memory_space<hbm>>
      tpu.wait_indirect_dma semaphore(%arg27 : memref<!tpu.dma_semaphore, #tpu.memory_space<semaphore_mem>>) src(%dma_wait3A_153 : memref<3200000xi32, #tpu.memory_space<hbm>>) dst(%dma_wait3A_151 : memref<256xi32, #tpu.memory_space<vmem>>)
      %dma_wait3A_154 = arith.constant 0 : i32
      %dma_wait3A_155 = tpu.memref_slice %arg16[%dma_wait3A_154] : memref<8192xi32, #tpu.memory_space<vmem>> -> memref<256xi32, #tpu.memory_space<vmem>>
      %dma_wait3A_156 = arith.constant 0 : i32
      %dma_wait3A_157 = tpu.memref_slice %arg5[%dma_wait3A_156] : memref<3200000xi32, #tpu.memory_space<hbm>> -> memref<3200000xi32, #tpu.memory_space<hbm>>
      tpu.wait_indirect_dma semaphore(%arg27 : memref<!tpu.dma_semaphore, #tpu.memory_space<semaphore_mem>>) src(%dma_wait3A_157 : memref<3200000xi32, #tpu.memory_space<hbm>>) dst(%dma_wait3A_155 : memref<256xi32, #tpu.memory_space<vmem>>)
      %dma_wait3A_158 = arith.constant 0 : i32
      %dma_wait3A_159 = tpu.memref_slice %arg17[%dma_wait3A_158] : memref<8192xf32, #tpu.memory_space<vmem>> -> memref<256xf32, #tpu.memory_space<vmem>>
      %dma_wait3A_160 = arith.constant 0 : i32
      %dma_wait3A_161 = tpu.memref_slice %arg6[%dma_wait3A_160] : memref<3200000xf32, #tpu.memory_space<hbm>> -> memref<3200000xf32, #tpu.memory_space<hbm>>
      tpu.wait_indirect_dma semaphore(%arg27 : memref<!tpu.dma_semaphore, #tpu.memory_space<semaphore_mem>>) src(%dma_wait3A_161 : memref<3200000xf32, #tpu.memory_space<hbm>>) dst(%dma_wait3A_159 : memref<256xf32, #tpu.memory_space<vmem>>)
      %dma_wait3A_162 = arith.constant 0 : i32
      %dma_wait3A_163 = tpu.memref_slice %arg18[%dma_wait3A_162] : memref<8192xf32, #tpu.memory_space<vmem>> -> memref<256xf32, #tpu.memory_space<vmem>>
      %dma_wait3A_164 = arith.constant 0 : i32
      %dma_wait3A_165 = tpu.memref_slice %arg7[%dma_wait3A_164] : memref<3200000xf32, #tpu.memory_space<hbm>> -> memref<3200000xf32, #tpu.memory_space<hbm>>
      tpu.wait_indirect_dma semaphore(%arg27 : memref<!tpu.dma_semaphore, #tpu.memory_space<semaphore_mem>>) src(%dma_wait3A_165 : memref<3200000xf32, #tpu.memory_space<hbm>>) dst(%dma_wait3A_163 : memref<256xf32, #tpu.memory_space<vmem>>)
    }
    %scan3A_24 = arith.constant 16 : i32
    %dma_start3A_25 = tpu.memref_slice %arg12[%mul3A_2] : memref<262144xf32, #tpu.memory_space<hbm>> -> memref<8192xf32, #tpu.memory_space<hbm>>
    %dma_start3A_26 = tpu.memref_slice %arg12[%mul3A_2] : memref<262144xf32, #tpu.memory_space<hbm>> -> memref<8192xf32, #tpu.memory_space<hbm>>
    tpu.enqueue_dma source(%arg17 : memref<8192xf32, #tpu.memory_space<vmem>>) target(%dma_start3A_26 : memref<8192xf32, #tpu.memory_space<hbm>>) target_semaphore(%arg32 : memref<!tpu.dma_semaphore, #tpu.memory_space<semaphore_mem>>)
    %dma_start3A_27 = tpu.memref_slice %arg13[%mul3A_2] : memref<262144xf32, #tpu.memory_space<hbm>> -> memref<8192xf32, #tpu.memory_space<hbm>>
    %dma_start3A_28 = tpu.memref_slice %arg13[%mul3A_2] : memref<262144xf32, #tpu.memory_space<hbm>> -> memref<8192xf32, #tpu.memory_space<hbm>>
    tpu.enqueue_dma source(%arg18 : memref<8192xf32, #tpu.memory_space<vmem>>) target(%dma_start3A_28 : memref<8192xf32, #tpu.memory_space<hbm>>) target_semaphore(%arg32 : memref<!tpu.dma_semaphore, #tpu.memory_space<semaphore_mem>>)
    %dma_start3A_29 = arith.constant 0 : i32
    %dma_start3A_30 = tpu.memref_slice %arg15[%dma_start3A_29] : memref<8192xi32, #tpu.memory_space<vmem>> -> memref<128xi32, #tpu.memory_space<vmem>>
    %dma_start3A_31 = arith.constant 0 : i32
    %dma_start3A_32 = arith.constant 0 : i32
    %dma_start3A_33 = tpu.memref_slice %arg8[%dma_start3A_31, %dma_start3A_32] : memref<100000x128xf32, #tpu.memory_space<hbm>> -> memref<100000x128xf32, #tpu.memory_space<hbm>>
    tpu.enqueue_indirect_dma source(%dma_start3A_33 : memref<100000x128xf32, #tpu.memory_space<hbm>>) target(%arg19 : memref<128x128xf32, #tpu.memory_space<vmem>>) offsets(%dma_start3A_30 : memref<128xi32, #tpu.memory_space<vmem>>) semaphore(%arg28 : memref<!tpu.dma_semaphore, #tpu.memory_space<semaphore_mem>>)
    %dma_start3A_34 = arith.constant 0 : i32
    %dma_start3A_35 = tpu.memref_slice %arg16[%dma_start3A_34] : memref<8192xi32, #tpu.memory_space<vmem>> -> memref<128xi32, #tpu.memory_space<vmem>>
    %dma_start3A_36 = arith.constant 0 : i32
    %dma_start3A_37 = arith.constant 0 : i32
    %dma_start3A_38 = tpu.memref_slice %arg9[%dma_start3A_36, %dma_start3A_37] : memref<100000x128xf32, #tpu.memory_space<hbm>> -> memref<100000x128xf32, #tpu.memory_space<hbm>>
    tpu.enqueue_indirect_dma source(%dma_start3A_38 : memref<100000x128xf32, #tpu.memory_space<hbm>>) target(%arg20 : memref<128x128xf32, #tpu.memory_space<vmem>>) offsets(%dma_start3A_35 : memref<128xi32, #tpu.memory_space<vmem>>) semaphore(%arg28 : memref<!tpu.dma_semaphore, #tpu.memory_space<semaphore_mem>>)
    %dma_start3A_39 = arith.constant 128 : i32
    %dma_start3A_40 = tpu.memref_slice %arg15[%dma_start3A_39] : memref<8192xi32, #tpu.memory_space<vmem>> -> memref<128xi32, #tpu.memory_space<vmem>>
    %dma_start3A_41 = arith.constant 0 : i32
    %dma_start3A_42 = arith.constant 0 : i32
    %dma_start3A_43 = tpu.memref_slice %arg8[%dma_start3A_41, %dma_start3A_42] : memref<100000x128xf32, #tpu.memory_space<hbm>> -> memref<100000x128xf32, #tpu.memory_space<hbm>>
    tpu.enqueue_indirect_dma source(%dma_start3A_43 : memref<100000x128xf32, #tpu.memory_space<hbm>>) target(%arg21 : memref<128x128xf32, #tpu.memory_space<vmem>>) offsets(%dma_start3A_40 : memref<128xi32, #tpu.memory_space<vmem>>) semaphore(%arg29 : memref<!tpu.dma_semaphore, #tpu.memory_space<semaphore_mem>>)
    %dma_start3A_44 = arith.constant 128 : i32
    %dma_start3A_45 = tpu.memref_slice %arg16[%dma_start3A_44] : memref<8192xi32, #tpu.memory_space<vmem>> -> memref<128xi32, #tpu.memory_space<vmem>>
    %dma_start3A_46 = arith.constant 0 : i32
    %dma_start3A_47 = arith.constant 0 : i32
    %dma_start3A_48 = tpu.memref_slice %arg9[%dma_start3A_46, %dma_start3A_47] : memref<100000x128xf32, #tpu.memory_space<hbm>> -> memref<100000x128xf32, #tpu.memory_space<hbm>>
    tpu.enqueue_indirect_dma source(%dma_start3A_48 : memref<100000x128xf32, #tpu.memory_space<hbm>>) target(%arg22 : memref<128x128xf32, #tpu.memory_space<vmem>>) offsets(%dma_start3A_45 : memref<128xi32, #tpu.memory_space<vmem>>) semaphore(%arg29 : memref<!tpu.dma_semaphore, #tpu.memory_space<semaphore_mem>>)
    %scan3A_49 = arith.constant 0 : i32
    %scan3A_50 = arith.constant 0 : i32
    %scan3A_51 = arith.constant 32 : i32
    %scan3A_52 = arith.addi %scan3A_50, %scan3A_51 : i32
    %scan3A_53 = arith.constant 1 : i32
    scf.for %scan3A_108 = %scan3A_50 to %scan3A_52 step %scan3A_53  : i32 {
      %mul3A_109 = arith.constant 2 : i32
      %mul3A_110 = arith.muli %mul3A_109, %scan3A_108 : i32
      %dma_wait3A_111 = arith.constant 0 : i32
      %dma_wait3A_112 = tpu.memref_slice %arg15[%dma_wait3A_111] : memref<8192xi32, #tpu.memory_space<vmem>> -> memref<128xi32, #tpu.memory_space<vmem>>
      %dma_wait3A_113 = arith.constant 0 : i32
      %dma_wait3A_114 = arith.constant 0 : i32
      %dma_wait3A_115 = tpu.memref_slice %arg8[%dma_wait3A_113, %dma_wait3A_114] : memref<100000x128xf32, #tpu.memory_space<hbm>> -> memref<100000x128xf32, #tpu.memory_space<hbm>>
      tpu.wait_indirect_dma semaphore(%arg28 : memref<!tpu.dma_semaphore, #tpu.memory_space<semaphore_mem>>) src(%dma_wait3A_115 : memref<100000x128xf32, #tpu.memory_space<hbm>>) dst(%arg19 : memref<128x128xf32, #tpu.memory_space<vmem>>)
      %dma_wait3A_116 = arith.constant 0 : i32
      %dma_wait3A_117 = tpu.memref_slice %arg16[%dma_wait3A_116] : memref<8192xi32, #tpu.memory_space<vmem>> -> memref<128xi32, #tpu.memory_space<vmem>>
      %dma_wait3A_118 = arith.constant 0 : i32
      %dma_wait3A_119 = arith.constant 0 : i32
      %dma_wait3A_120 = tpu.memref_slice %arg9[%dma_wait3A_118, %dma_wait3A_119] : memref<100000x128xf32, #tpu.memory_space<hbm>> -> memref<100000x128xf32, #tpu.memory_space<hbm>>
      tpu.wait_indirect_dma semaphore(%arg28 : memref<!tpu.dma_semaphore, #tpu.memory_space<semaphore_mem>>) src(%dma_wait3A_120 : memref<100000x128xf32, #tpu.memory_space<hbm>>) dst(%arg20 : memref<128x128xf32, #tpu.memory_space<vmem>>)
      %scan3A_121 = arith.constant 0 : i32
      %scan3A_122 = arith.constant 0 : i32
      %scan3A_123 = arith.constant 128 : i32
      %scan3A_124 = arith.addi %scan3A_122, %scan3A_123 : i32
      %scan3A_125 = arith.constant 2 : i32
      scf.for %scan3A_178 = %scan3A_122 to %scan3A_124 step %scan3A_125  : i32 {
        %get3A = arith.index_cast %scan3A_178 : i32 to index
        %get3A_179 = arith.constant 0 : index
        %get3A_180 = tpu.vector_load %arg19[%get3A, %get3A_179] {strides = array<i32>} : memref<128x128xf32, #tpu.memory_space<vmem>>, vector<1x16xf32>,
        %get3A_181 = vector.shape_cast %get3A_180 : vector<1x16xf32> to vector<16xf32>
        %get3A_182 = arith.index_cast %scan3A_178 : i32 to index
        %get3A_183 = arith.constant 0 : index
        %get3A_184 = tpu.vector_load %arg20[%get3A_182, %get3A_183] {strides = array<i32>} : memref<128x128xf32, #tpu.memory_space<vmem>>, vector<1x16xf32>,
        %get3A_185 = vector.shape_cast %get3A_184 : vector<1x16xf32> to vector<16xf32>
        %add3A_186 = arith.addf %get3A_181, %get3A_185 : vector<16xf32>
        %swap3A = arith.index_cast %scan3A_178 : i32 to index
        %swap3A_187 = arith.constant 0 : index
        %swap3A_188 = tpu.vector_load %arg19[%swap3A, %swap3A_187] {strides = array<i32>} : memref<128x128xf32, #tpu.memory_space<vmem>>, vector<1x16xf32>,
        %swap3A_189 = vector.shape_cast %swap3A_188 : vector<1x16xf32> to vector<16xf32>
        %swap3A_190 = vector.shape_cast %add3A_186 : vector<16xf32> to vector<1x16xf32>
        tpu.vector_store %arg19[%swap3A, %swap3A_187], %swap3A_190 {strides = array<i32>} : memref<128x128xf32, #tpu.memory_space<vmem>>, vector<1x16xf32>,
        %get3A_191 = arith.index_cast %scan3A_178 : i32 to index
        %get3A_192 = arith.constant 16 : index
        %get3A_193 = tpu.vector_load %arg19[%get3A_191, %get3A_192] {strides = array<i32>} : memref<128x128xf32, #tpu.memory_space<vmem>>, vector<1x16xf32>,
        %get3A_194 = vector.shape_cast %get3A_193 : vector<1x16xf32> to vector<16xf32>
        %get3A_195 = arith.index_cast %scan3A_178 : i32 to index
        %get3A_196 = arith.constant 16 : index
        %get3A_197 = tpu.vector_load %arg20[%get3A_195, %get3A_196] {strides = array<i32>} : memref<128x128xf32, #tpu.memory_space<vmem>>, vector<1x16xf32>,
        %get3A_198 = vector.shape_cast %get3A_197 : vector<1x16xf32> to vector<16xf32>
        %add3A_199 = arith.addf %get3A_194, %get3A_198 : vector<16xf32>
        %swap3A_200 = arith.index_cast %scan3A_178 : i32 to index
        %swap3A_201 = arith.constant 16 : index
        %swap3A_202 = tpu.vector_load %arg19[%swap3A_200, %swap3A_201] {strides = array<i32>} : memref<128x128xf32, #tpu.memory_space<vmem>>, vector<1x16xf32>,
        %swap3A_203 = vector.shape_cast %swap3A_202 : vector<1x16xf32> to vector<16xf32>
        %swap3A_204 = vector.shape_cast %add3A_199 : vector<16xf32> to vector<1x16xf32>
        tpu.vector_store %arg19[%swap3A_200, %swap3A_201], %swap3A_204 {strides = array<i32>} : memref<128x128xf32, #tpu.memory_space<vmem>>, vector<1x16xf32>,
        %get3A_205 = arith.index_cast %scan3A_178 : i32 to index
        %get3A_206 = arith.constant 32 : index
        %get3A_207 = tpu.vector_load %arg19[%get3A_205, %get3A_206] {strides = array<i32>} : memref<128x128xf32, #tpu.memory_space<vmem>>, vector<1x16xf32>,
        %get3A_208 = vector.shape_cast %get3A_207 : vector<1x16xf32> to vector<16xf32>
        %get3A_209 = arith.index_cast %scan3A_178 : i32 to index
        %get3A_210 = arith.constant 32 : index
        %get3A_211 = tpu.vector_load %arg20[%get3A_209, %get3A_210] {strides = array<i32>} : memref<128x128xf32, #tpu.memory_space<vmem>>, vector<1x16xf32>,
        %get3A_212 = vector.shape_cast %get3A_211 : vector<1x16xf32> to vector<16xf32>
        %add3A_213 = arith.addf %get3A_208, %get3A_212 : vector<16xf32>
        %swap3A_214 = arith.index_cast %scan3A_178 : i32 to index
        %swap3A_215 = arith.constant 32 : index
        %swap3A_216 = tpu.vector_load %arg19[%swap3A_214, %swap3A_215] {strides = array<i32>} : memref<128x128xf32, #tpu.memory_space<vmem>>, vector<1x16xf32>,
        %swap3A_217 = vector.shape_cast %swap3A_216 : vector<1x16xf32> to vector<16xf32>
        %swap3A_218 = vector.shape_cast %add3A_213 : vector<16xf32> to vector<1x16xf32>
        tpu.vector_store %arg19[%swap3A_214, %swap3A_215], %swap3A_218 {strides = array<i32>} : memref<128x128xf32, #tpu.memory_space<vmem>>, vector<1x16xf32>,
        %get3A_219 = arith.index_cast %scan3A_178 : i32 to index
        %get3A_220 = arith.constant 48 : index
        %get3A_221 = tpu.vector_load %arg19[%get3A_219, %get3A_220] {strides = array<i32>} : memref<128x128xf32, #tpu.memory_space<vmem>>, vector<1x16xf32>,
        %get3A_222 = vector.shape_cast %get3A_221 : vector<1x16xf32> to vector<16xf32>
        %get3A_223 = arith.index_cast %scan3A_178 : i32 to index
        %get3A_224 = arith.constant 48 : index
        %get3A_225 = tpu.vector_load %arg20[%get3A_223, %get3A_224] {strides = array<i32>} : memref<128x128xf32, #tpu.memory_space<vmem>>, vector<1x16xf32>,
        %get3A_226 = vector.shape_cast %get3A_225 : vector<1x16xf32> to vector<16xf32>
        %add3A_227 = arith.addf %get3A_222, %get3A_226 : vector<16xf32>
        %swap3A_228 = arith.index_cast %scan3A_178 : i32 to index
        %swap3A_229 = arith.constant 48 : index
        %swap3A_230 = tpu.vector_load %arg19[%swap3A_228, %swap3A_229] {strides = array<i32>} : memref<128x128xf32, #tpu.memory_space<vmem>>, vector<1x16xf32>,
        %swap3A_231 = vector.shape_cast %swap3A_230 : vector<1x16xf32> to vector<16xf32>
        %swap3A_232 = vector.shape_cast %add3A_227 : vector<16xf32> to vector<1x16xf32>
        tpu.vector_store %arg19[%swap3A_228, %swap3A_229], %swap3A_232 {strides = array<i32>} : memref<128x128xf32, #tpu.memory_space<vmem>>, vector<1x16xf32>,
        %get3A_233 = arith.index_cast %scan3A_178 : i32 to index
        %get3A_234 = arith.constant 64 : index
        %get3A_235 = tpu.vector_load %arg19[%get3A_233, %get3A_234] {strides = array<i32>} : memref<128x128xf32, #tpu.memory_space<vmem>>, vector<1x16xf32>,
        %get3A_236 = vector.shape_cast %get3A_235 : vector<1x16xf32> to vector<16xf32>
        %get3A_237 = arith.index_cast %scan3A_178 : i32 to index
        %get3A_238 = arith.constant 64 : index
        %get3A_239 = tpu.vector_load %arg20[%get3A_237, %get3A_238] {strides = array<i32>} : memref<128x128xf32, #tpu.memory_space<vmem>>, vector<1x16xf32>,
        %get3A_240 = vector.shape_cast %get3A_239 : vector<1x16xf32> to vector<16xf32>
        %add3A_241 = arith.addf %get3A_236, %get3A_240 : vector<16xf32>
        %swap3A_242 = arith.index_cast %scan3A_178 : i32 to index
        %swap3A_243 = arith.constant 64 : index
        %swap3A_244 = tpu.vector_load %arg19[%swap3A_242, %swap3A_243] {strides = array<i32>} : memref<128x128xf32, #tpu.memory_space<vmem>>, vector<1x16xf32>,
        %swap3A_245 = vector.shape_cast %swap3A_244 : vector<1x16xf32> to vector<16xf32>
        %swap3A_246 = vector.shape_cast %add3A_241 : vector<16xf32> to vector<1x16xf32>
        tpu.vector_store %arg19[%swap3A_242, %swap3A_243], %swap3A_246 {strides = array<i32>} : memref<128x128xf32, #tpu.memory_space<vmem>>, vector<1x16xf32>,
        %get3A_247 = arith.index_cast %scan3A_178 : i32 to index
        %get3A_248 = arith.constant 80 : index
        %get3A_249 = tpu.vector_load %arg19[%get3A_247, %get3A_248] {strides = array<i32>} : memref<128x128xf32, #tpu.memory_space<vmem>>, vector<1x16xf32>,
        %get3A_250 = vector.shape_cast %get3A_249 : vector<1x16xf32> to vector<16xf32>
        %get3A_251 = arith.index_cast %scan3A_178 : i32 to index
        %get3A_252 = arith.constant 80 : index
        %get3A_253 = tpu.vector_load %arg20[%get3A_251, %get3A_252] {strides = array<i32>} : memref<128x128xf32, #tpu.memory_space<vmem>>, vector<1x16xf32>,
        %get3A_254 = vector.shape_cast %get3A_253 : vector<1x16xf32> to vector<16xf32>
        %add3A_255 = arith.addf %get3A_250, %get3A_254 : vector<16xf32>
        %swap3A_256 = arith.index_cast %scan3A_178 : i32 to index
        %swap3A_257 = arith.constant 80 : index
        %swap3A_258 = tpu.vector_load %arg19[%swap3A_256, %swap3A_257] {strides = array<i32>} : memref<128x128xf32, #tpu.memory_space<vmem>>, vector<1x16xf32>,
        %swap3A_259 = vector.shape_cast %swap3A_258 : vector<1x16xf32> to vector<16xf32>
        %swap3A_260 = vector.shape_cast %add3A_255 : vector<16xf32> to vector<1x16xf32>
        tpu.vector_store %arg19[%swap3A_256, %swap3A_257], %swap3A_260 {strides = array<i32>} : memref<128x128xf32, #tpu.memory_space<vmem>>, vector<1x16xf32>,
        %get3A_261 = arith.index_cast %scan3A_178 : i32 to index
        %get3A_262 = arith.constant 96 : index
        %get3A_263 = tpu.vector_load %arg19[%get3A_261, %get3A_262] {strides = array<i32>} : memref<128x128xf32, #tpu.memory_space<vmem>>, vector<1x16xf32>,
        %get3A_264 = vector.shape_cast %get3A_263 : vector<1x16xf32> to vector<16xf32>
        %get3A_265 = arith.index_cast %scan3A_178 : i32 to index
        %get3A_266 = arith.constant 96 : index
        %get3A_267 = tpu.vector_load %arg20[%get3A_265, %get3A_266] {strides = array<i32>} : memref<128x128xf32, #tpu.memory_space<vmem>>, vector<1x16xf32>,
        %get3A_268 = vector.shape_cast %get3A_267 : vector<1x16xf32> to vector<16xf32>
        %add3A_269 = arith.addf %get3A_264, %get3A_268 : vector<16xf32>
        %swap3A_270 = arith.index_cast %scan3A_178 : i32 to index
        %swap3A_271 = arith.constant 96 : index
        %swap3A_272 = tpu.vector_load %arg19[%swap3A_270, %swap3A_271] {strides = array<i32>} : memref<128x128xf32, #tpu.memory_space<vmem>>, vector<1x16xf32>,
        %swap3A_273 = vector.shape_cast %swap3A_272 : vector<1x16xf32> to vector<16xf32>
        %swap3A_274 = vector.shape_cast %add3A_269 : vector<16xf32> to vector<1x16xf32>
        tpu.vector_store %arg19[%swap3A_270, %swap3A_271], %swap3A_274 {strides = array<i32>} : memref<128x128xf32, #tpu.memory_space<vmem>>, vector<1x16xf32>,
        %get3A_275 = arith.index_cast %scan3A_178 : i32 to index
        %get3A_276 = arith.constant 112 : index
        %get3A_277 = tpu.vector_load %arg19[%get3A_275, %get3A_276] {strides = array<i32>} : memref<128x128xf32, #tpu.memory_space<vmem>>, vector<1x16xf32>,
        %get3A_278 = vector.shape_cast %get3A_277 : vector<1x16xf32> to vector<16xf32>
        %get3A_279 = arith.index_cast %scan3A_178 : i32 to index
        %get3A_280 = arith.constant 112 : index
        %get3A_281 = tpu.vector_load %arg20[%get3A_279, %get3A_280] {strides = array<i32>} : memref<128x128xf32, #tpu.memory_space<vmem>>, vector<1x16xf32>,
        %get3A_282 = vector.shape_cast %get3A_281 : vector<1x16xf32> to vector<16xf32>
        %add3A_283 = arith.addf %get3A_278, %get3A_282 : vector<16xf32>
        %swap3A_284 = arith.index_cast %scan3A_178 : i32 to index
        %swap3A_285 = arith.constant 112 : index
        %swap3A_286 = tpu.vector_load %arg19[%swap3A_284, %swap3A_285] {strides = array<i32>} : memref<128x128xf32, #tpu.memory_space<vmem>>, vector<1x16xf32>,
        %swap3A_287 = vector.shape_cast %swap3A_286 : vector<1x16xf32> to vector<16xf32>
        %swap3A_288 = vector.shape_cast %add3A_283 : vector<16xf32> to vector<1x16xf32>
        tpu.vector_store %arg19[%swap3A_284, %swap3A_285], %swap3A_288 {strides = array<i32>} : memref<128x128xf32, #tpu.memory_space<vmem>>, vector<1x16xf32>,
        %scan3A_289 = arith.constant 1 : i32
        %scan3A_290 = arith.addi %scan3A_178, %scan3A_289 : i32
        %get3A_291 = arith.index_cast %scan3A_290 : i32 to index
        %get3A_292 = arith.constant 0 : index
        %get3A_293 = tpu.vector_load %arg19[%get3A_291, %get3A_292] {strides = array<i32>} : memref<128x128xf32, #tpu.memory_space<vmem>>, vector<1x16xf32>,
        %get3A_294 = vector.shape_cast %get3A_293 : vector<1x16xf32> to vector<16xf32>
        %get3A_295 = arith.index_cast %scan3A_290 : i32 to index
        %get3A_296 = arith.constant 0 : index
        %get3A_297 = tpu.vector_load %arg20[%get3A_295, %get3A_296] {strides = array<i32>} : memref<128x128xf32, #tpu.memory_space<vmem>>, vector<1x16xf32>,
        %get3A_298 = vector.shape_cast %get3A_297 : vector<1x16xf32> to vector<16xf32>
        %add3A_299 = arith.addf %get3A_294, %get3A_298 : vector<16xf32>
        %swap3A_300 = arith.index_cast %scan3A_290 : i32 to index
        %swap3A_301 = arith.constant 0 : index
        %swap3A_302 = tpu.vector_load %arg19[%swap3A_300, %swap3A_301] {strides = array<i32>} : memref<128x128xf32, #tpu.memory_space<vmem>>, vector<1x16xf32>,
        %swap3A_303 = vector.shape_cast %swap3A_302 : vector<1x16xf32> to vector<16xf32>
        %swap3A_304 = vector.shape_cast %add3A_299 : vector<16xf32> to vector<1x16xf32>
        tpu.vector_store %arg19[%swap3A_300, %swap3A_301], %swap3A_304 {strides = array<i32>} : memref<128x128xf32, #tpu.memory_space<vmem>>, vector<1x16xf32>,
        %get3A_305 = arith.index_cast %scan3A_290 : i32 to index
        %get3A_306 = arith.constant 16 : index
        %get3A_307 = tpu.vector_load %arg19[%get3A_305, %get3A_306] {strides = array<i32>} : memref<128x128xf32, #tpu.memory_space<vmem>>, vector<1x16xf32>,
        %get3A_308 = vector.shape_cast %get3A_307 : vector<1x16xf32> to vector<16xf32>
        %get3A_309 = arith.index_cast %scan3A_290 : i32 to index
        %get3A_310 = arith.constant 16 : index
        %get3A_311 = tpu.vector_load %arg20[%get3A_309, %get3A_310] {strides = array<i32>} : memref<128x128xf32, #tpu.memory_space<vmem>>, vector<1x16xf32>,
        %get3A_312 = vector.shape_cast %get3A_311 : vector<1x16xf32> to vector<16xf32>
        %add3A_313 = arith.addf %get3A_308, %get3A_312 : vector<16xf32>
        %swap3A_314 = arith.index_cast %scan3A_290 : i32 to index
        %swap3A_315 = arith.constant 16 : index
        %swap3A_316 = tpu.vector_load %arg19[%swap3A_314, %swap3A_315] {strides = array<i32>} : memref<128x128xf32, #tpu.memory_space<vmem>>, vector<1x16xf32>,
        %swap3A_317 = vector.shape_cast %swap3A_316 : vector<1x16xf32> to vector<16xf32>
        %swap3A_318 = vector.shape_cast %add3A_313 : vector<16xf32> to vector<1x16xf32>
        tpu.vector_store %arg19[%swap3A_314, %swap3A_315], %swap3A_318 {strides = array<i32>} : memref<128x128xf32, #tpu.memory_space<vmem>>, vector<1x16xf32>,
        %get3A_319 = arith.index_cast %scan3A_290 : i32 to index
        %get3A_320 = arith.constant 32 : index
        %get3A_321 = tpu.vector_load %arg19[%get3A_319, %get3A_320] {strides = array<i32>} : memref<128x128xf32, #tpu.memory_space<vmem>>, vector<1x16xf32>,
        %get3A_322 = vector.shape_cast %get3A_321 : vector<1x16xf32> to vector<16xf32>
        %get3A_323 = arith.index_cast %scan3A_290 : i32 to index
        %get3A_324 = arith.constant 32 : index
        %get3A_325 = tpu.vector_load %arg20[%get3A_323, %get3A_324] {strides = array<i32>} : memref<128x128xf32, #tpu.memory_space<vmem>>, vector<1x16xf32>,
        %get3A_326 = vector.shape_cast %get3A_325 : vector<1x16xf32> to vector<16xf32>
        %add3A_327 = arith.addf %get3A_322, %get3A_326 : vector<16xf32>
        %swap3A_328 = arith.index_cast %scan3A_290 : i32 to index
        %swap3A_329 = arith.constant 32 : index
        %swap3A_330 = tpu.vector_load %arg19[%swap3A_328, %swap3A_329] {strides = array<i32>} : memref<128x128xf32, #tpu.memory_space<vmem>>, vector<1x16xf32>,
        %swap3A_331 = vector.shape_cast %swap3A_330 : vector<1x16xf32> to vector<16xf32>
        %swap3A_332 = vector.shape_cast %add3A_327 : vector<16xf32> to vector<1x16xf32>
        tpu.vector_store %arg19[%swap3A_328, %swap3A_329], %swap3A_332 {strides = array<i32>} : memref<128x128xf32, #tpu.memory_space<vmem>>, vector<1x16xf32>,
        %get3A_333 = arith.index_cast %scan3A_290 : i32 to index
        %get3A_334 = arith.constant 48 : index
        %get3A_335 = tpu.vector_load %arg19[%get3A_333, %get3A_334] {strides = array<i32>} : memref<128x128xf32, #tpu.memory_space<vmem>>, vector<1x16xf32>,
        %get3A_336 = vector.shape_cast %get3A_335 : vector<1x16xf32> to vector<16xf32>
        %get3A_337 = arith.index_cast %scan3A_290 : i32 to index
        %get3A_338 = arith.constant 48 : index
        %get3A_339 = tpu.vector_load %arg20[%get3A_337, %get3A_338] {strides = array<i32>} : memref<128x128xf32, #tpu.memory_space<vmem>>, vector<1x16xf32>,
        %get3A_340 = vector.shape_cast %get3A_339 : vector<1x16xf32> to vector<16xf32>
        %add3A_341 = arith.addf %get3A_336, %get3A_340 : vector<16xf32>
        %swap3A_342 = arith.index_cast %scan3A_290 : i32 to index
        %swap3A_343 = arith.constant 48 : index
        %swap3A_344 = tpu.vector_load %arg19[%swap3A_342, %swap3A_343] {strides = array<i32>} : memref<128x128xf32, #tpu.memory_space<vmem>>, vector<1x16xf32>,
        %swap3A_345 = vector.shape_cast %swap3A_344 : vector<1x16xf32> to vector<16xf32>
        %swap3A_346 = vector.shape_cast %add3A_341 : vector<16xf32> to vector<1x16xf32>
        tpu.vector_store %arg19[%swap3A_342, %swap3A_343], %swap3A_346 {strides = array<i32>} : memref<128x128xf32, #tpu.memory_space<vmem>>, vector<1x16xf32>,
        %get3A_347 = arith.index_cast %scan3A_290 : i32 to index
        %get3A_348 = arith.constant 64 : index
        %get3A_349 = tpu.vector_load %arg19[%get3A_347, %get3A_348] {strides = array<i32>} : memref<128x128xf32, #tpu.memory_space<vmem>>, vector<1x16xf32>,
        %get3A_350 = vector.shape_cast %get3A_349 : vector<1x16xf32> to vector<16xf32>
        %get3A_351 = arith.index_cast %scan3A_290 : i32 to index
        %get3A_352 = arith.constant 64 : index
        %get3A_353 = tpu.vector_load %arg20[%get3A_351, %get3A_352] {strides = array<i32>} : memref<128x128xf32, #tpu.memory_space<vmem>>, vector<1x16xf32>,
        %get3A_354 = vector.shape_cast %get3A_353 : vector<1x16xf32> to vector<16xf32>
        %add3A_355 = arith.addf %get3A_350, %get3A_354 : vector<16xf32>
        %swap3A_356 = arith.index_cast %scan3A_290 : i32 to index
        %swap3A_357 = arith.constant 64 : index
        %swap3A_358 = tpu.vector_load %arg19[%swap3A_356, %swap3A_357] {strides = array<i32>} : memref<128x128xf32, #tpu.memory_space<vmem>>, vector<1x16xf32>,
        %swap3A_359 = vector.shape_cast %swap3A_358 : vector<1x16xf32> to vector<16xf32>
        %swap3A_360 = vector.shape_cast %add3A_355 : vector<16xf32> to vector<1x16xf32>
        tpu.vector_store %arg19[%swap3A_356, %swap3A_357], %swap3A_360 {strides = array<i32>} : memref<128x128xf32, #tpu.memory_space<vmem>>, vector<1x16xf32>,
        %get3A_361 = arith.index_cast %scan3A_290 : i32 to index
        %get3A_362 = arith.constant 80 : index
        %get3A_363 = tpu.vector_load %arg19[%get3A_361, %get3A_362] {strides = array<i32>} : memref<128x128xf32, #tpu.memory_space<vmem>>, vector<1x16xf32>,
        %get3A_364 = vector.shape_cast %get3A_363 : vector<1x16xf32> to vector<16xf32>
        %get3A_365 = arith.index_cast %scan3A_290 : i32 to index
        %get3A_366 = arith.constant 80 : index
        %get3A_367 = tpu.vector_load %arg20[%get3A_365, %get3A_366] {strides = array<i32>} : memref<128x128xf32, #tpu.memory_space<vmem>>, vector<1x16xf32>,
        %get3A_368 = vector.shape_cast %get3A_367 : vector<1x16xf32> to vector<16xf32>
        %add3A_369 = arith.addf %get3A_364, %get3A_368 : vector<16xf32>
        %swap3A_370 = arith.index_cast %scan3A_290 : i32 to index
        %swap3A_371 = arith.constant 80 : index
        %swap3A_372 = tpu.vector_load %arg19[%swap3A_370, %swap3A_371] {strides = array<i32>} : memref<128x128xf32, #tpu.memory_space<vmem>>, vector<1x16xf32>,
        %swap3A_373 = vector.shape_cast %swap3A_372 : vector<1x16xf32> to vector<16xf32>
        %swap3A_374 = vector.shape_cast %add3A_369 : vector<16xf32> to vector<1x16xf32>
        tpu.vector_store %arg19[%swap3A_370, %swap3A_371], %swap3A_374 {strides = array<i32>} : memref<128x128xf32, #tpu.memory_space<vmem>>, vector<1x16xf32>,
        %get3A_375 = arith.index_cast %scan3A_290 : i32 to index
        %get3A_376 = arith.constant 96 : index
        %get3A_377 = tpu.vector_load %arg19[%get3A_375, %get3A_376] {strides = array<i32>} : memref<128x128xf32, #tpu.memory_space<vmem>>, vector<1x16xf32>,
        %get3A_378 = vector.shape_cast %get3A_377 : vector<1x16xf32> to vector<16xf32>
        %get3A_379 = arith.index_cast %scan3A_290 : i32 to index
        %get3A_380 = arith.constant 96 : index
        %get3A_381 = tpu.vector_load %arg20[%get3A_379, %get3A_380] {strides = array<i32>} : memref<128x128xf32, #tpu.memory_space<vmem>>, vector<1x16xf32>,
        %get3A_382 = vector.shape_cast %get3A_381 : vector<1x16xf32> to vector<16xf32>
        %add3A_383 = arith.addf %get3A_378, %get3A_382 : vector<16xf32>
        %swap3A_384 = arith.index_cast %scan3A_290 : i32 to index
        %swap3A_385 = arith.constant 96 : index
        %swap3A_386 = tpu.vector_load %arg19[%swap3A_384, %swap3A_385] {strides = array<i32>} : memref<128x128xf32, #tpu.memory_space<vmem>>, vector<1x16xf32>,
        %swap3A_387 = vector.shape_cast %swap3A_386 : vector<1x16xf32> to vector<16xf32>
        %swap3A_388 = vector.shape_cast %add3A_383 : vector<16xf32> to vector<1x16xf32>
        tpu.vector_store %arg19[%swap3A_384, %swap3A_385], %swap3A_388 {strides = array<i32>} : memref<128x128xf32, #tpu.memory_space<vmem>>, vector<1x16xf32>,
        %get3A_389 = arith.index_cast %scan3A_290 : i32 to index
        %get3A_390 = arith.constant 112 : index
        %get3A_391 = tpu.vector_load %arg19[%get3A_389, %get3A_390] {strides = array<i32>} : memref<128x128xf32, #tpu.memory_space<vmem>>, vector<1x16xf32>,
        %get3A_392 = vector.shape_cast %get3A_391 : vector<1x16xf32> to vector<16xf32>
        %get3A_393 = arith.index_cast %scan3A_290 : i32 to index
        %get3A_394 = arith.constant 112 : index
        %get3A_395 = tpu.vector_load %arg20[%get3A_393, %get3A_394] {strides = array<i32>} : memref<128x128xf32, #tpu.memory_space<vmem>>, vector<1x16xf32>,
        %get3A_396 = vector.shape_cast %get3A_395 : vector<1x16xf32> to vector<16xf32>
        %add3A_397 = arith.addf %get3A_392, %get3A_396 : vector<16xf32>
        %swap3A_398 = arith.index_cast %scan3A_290 : i32 to index
        %swap3A_399 = arith.constant 112 : index
        %swap3A_400 = tpu.vector_load %arg19[%swap3A_398, %swap3A_399] {strides = array<i32>} : memref<128x128xf32, #tpu.memory_space<vmem>>, vector<1x16xf32>,
        %swap3A_401 = vector.shape_cast %swap3A_400 : vector<1x16xf32> to vector<16xf32>
        %swap3A_402 = vector.shape_cast %add3A_397 : vector<16xf32> to vector<1x16xf32>
        tpu.vector_store %arg19[%swap3A_398, %swap3A_399], %swap3A_402 {strides = array<i32>} : memref<128x128xf32, #tpu.memory_space<vmem>>, vector<1x16xf32>,
      }
      %scan3A_126 = arith.constant 128 : i32
      %mul3A_127 = arith.constant 128 : i32
      %mul3A_128 = arith.muli %mul3A_110, %mul3A_127 : i32
      %add3A_129 = arith.addi %mul3A_2, %mul3A_128 : i32
      %dma_start3A_130 = arith.constant 0 : i32
      %dma_start3A_131 = tpu.memref_slice %arg11[%add3A_129, %dma_start3A_130] : memref<262144x128xf32, #tpu.memory_space<hbm>> -> memref<128x128xf32, #tpu.memory_space<hbm>>
      %dma_start3A_132 = arith.constant 0 : i32
      %dma_start3A_133 = tpu.memref_slice %arg11[%add3A_129, %dma_start3A_132] : memref<262144x128xf32, #tpu.memory_space<hbm>> -> memref<128x128xf32, #tpu.memory_space<hbm>>
      tpu.enqueue_dma source(%arg19 : memref<128x128xf32, #tpu.memory_space<vmem>>) target(%dma_start3A_133 : memref<128x128xf32, #tpu.memory_space<hbm>>) target_semaphore(%arg30 : memref<!tpu.dma_semaphore, #tpu.memory_space<semaphore_mem>>)
      %dma_wait3A_134 = arith.constant 0 : i32
      %dma_wait3A_135 = tpu.memref_slice %arg15[%dma_wait3A_134] : memref<8192xi32, #tpu.memory_space<vmem>> -> memref<128xi32, #tpu.memory_space<vmem>>
      %dma_wait3A_136 = arith.constant 0 : i32
      %dma_wait3A_137 = arith.constant 0 : i32
      %dma_wait3A_138 = tpu.memref_slice %arg8[%dma_wait3A_136, %dma_wait3A_137] : memref<100000x128xf32, #tpu.memory_space<hbm>> -> memref<100000x128xf32, #tpu.memory_space<hbm>>
      tpu.wait_indirect_dma semaphore(%arg29 : memref<!tpu.dma_semaphore, #tpu.memory_space<semaphore_mem>>) src(%dma_wait3A_138 : memref<100000x128xf32, #tpu.memory_space<hbm>>) dst(%arg21 : memref<128x128xf32, #tpu.memory_space<vmem>>)
      %dma_wait3A_139 = arith.constant 0 : i32
      %dma_wait3A_140 = tpu.memref_slice %arg16[%dma_wait3A_139] : memref<8192xi32, #tpu.memory_space<vmem>> -> memref<128xi32, #tpu.memory_space<vmem>>
      %dma_wait3A_141 = arith.constant 0 : i32
      %dma_wait3A_142 = arith.constant 0 : i32
      %dma_wait3A_143 = tpu.memref_slice %arg9[%dma_wait3A_141, %dma_wait3A_142] : memref<100000x128xf32, #tpu.memory_space<hbm>> -> memref<100000x128xf32, #tpu.memory_space<hbm>>
      tpu.wait_indirect_dma semaphore(%arg29 : memref<!tpu.dma_semaphore, #tpu.memory_space<semaphore_mem>>) src(%dma_wait3A_143 : memref<100000x128xf32, #tpu.memory_space<hbm>>) dst(%arg22 : memref<128x128xf32, #tpu.memory_space<vmem>>)
      %add3A_144 = arith.constant 1 : i32
      %add3A_145 = arith.addi %mul3A_110, %add3A_144 : i32
      %scan3A_146 = arith.constant 0 : i32
      %scan3A_147 = arith.constant 0 : i32
      %scan3A_148 = arith.constant 128 : i32
      %scan3A_149 = arith.addi %scan3A_147, %scan3A_148 : i32
      %scan3A_150 = arith.constant 2 : i32
      scf.for %scan3A_178 = %scan3A_147 to %scan3A_149 step %scan3A_150  : i32 {
        %get3A = arith.index_cast %scan3A_178 : i32 to index
        %get3A_179 = arith.constant 0 : index
        %get3A_180 = tpu.vector_load %arg21[%get3A, %get3A_179] {strides = array<i32>} : memref<128x128xf32, #tpu.memory_space<vmem>>, vector<1x16xf32>,
        %get3A_181 = vector.shape_cast %get3A_180 : vector<1x16xf32> to vector<16xf32>
        %get3A_182 = arith.index_cast %scan3A_178 : i32 to index
        %get3A_183 = arith.constant 0 : index
        %get3A_184 = tpu.vector_load %arg22[%get3A_182, %get3A_183] {strides = array<i32>} : memref<128x128xf32, #tpu.memory_space<vmem>>, vector<1x16xf32>,
        %get3A_185 = vector.shape_cast %get3A_184 : vector<1x16xf32> to vector<16xf32>
        %add3A_186 = arith.addf %get3A_181, %get3A_185 : vector<16xf32>
        %swap3A = arith.index_cast %scan3A_178 : i32 to index
        %swap3A_187 = arith.constant 0 : index
        %swap3A_188 = tpu.vector_load %arg21[%swap3A, %swap3A_187] {strides = array<i32>} : memref<128x128xf32, #tpu.memory_space<vmem>>, vector<1x16xf32>,
        %swap3A_189 = vector.shape_cast %swap3A_188 : vector<1x16xf32> to vector<16xf32>
        %swap3A_190 = vector.shape_cast %add3A_186 : vector<16xf32> to vector<1x16xf32>
        tpu.vector_store %arg21[%swap3A, %swap3A_187], %swap3A_190 {strides = array<i32>} : memref<128x128xf32, #tpu.memory_space<vmem>>, vector<1x16xf32>,
        %get3A_191 = arith.index_cast %scan3A_178 : i32 to index
        %get3A_192 = arith.constant 16 : index
        %get3A_193 = tpu.vector_load %arg21[%get3A_191, %get3A_192] {strides = array<i32>} : memref<128x128xf32, #tpu.memory_space<vmem>>, vector<1x16xf32>,
        %get3A_194 = vector.shape_cast %get3A_193 : vector<1x16xf32> to vector<16xf32>
        %get3A_195 = arith.index_cast %scan3A_178 : i32 to index
        %get3A_196 = arith.constant 16 : index
        %get3A_197 = tpu.vector_load %arg22[%get3A_195, %get3A_196] {strides = array<i32>} : memref<128x128xf32, #tpu.memory_space<vmem>>, vector<1x16xf32>,
        %get3A_198 = vector.shape_cast %get3A_197 : vector<1x16xf32> to vector<16xf32>
        %add3A_199 = arith.addf %get3A_194, %get3A_198 : vector<16xf32>
        %swap3A_200 = arith.index_cast %scan3A_178 : i32 to index
        %swap3A_201 = arith.constant 16 : index
        %swap3A_202 = tpu.vector_load %arg21[%swap3A_200, %swap3A_201] {strides = array<i32>} : memref<128x128xf32, #tpu.memory_space<vmem>>, vector<1x16xf32>,
        %swap3A_203 = vector.shape_cast %swap3A_202 : vector<1x16xf32> to vector<16xf32>
        %swap3A_204 = vector.shape_cast %add3A_199 : vector<16xf32> to vector<1x16xf32>
        tpu.vector_store %arg21[%swap3A_200, %swap3A_201], %swap3A_204 {strides = array<i32>} : memref<128x128xf32, #tpu.memory_space<vmem>>, vector<1x16xf32>,
        %get3A_205 = arith.index_cast %scan3A_178 : i32 to index
        %get3A_206 = arith.constant 32 : index
        %get3A_207 = tpu.vector_load %arg21[%get3A_205, %get3A_206] {strides = array<i32>} : memref<128x128xf32, #tpu.memory_space<vmem>>, vector<1x16xf32>,
        %get3A_208 = vector.shape_cast %get3A_207 : vector<1x16xf32> to vector<16xf32>
        %get3A_209 = arith.index_cast %scan3A_178 : i32 to index
        %get3A_210 = arith.constant 32 : index
        %get3A_211 = tpu.vector_load %arg22[%get3A_209, %get3A_210] {strides = array<i32>} : memref<128x128xf32, #tpu.memory_space<vmem>>, vector<1x16xf32>,
        %get3A_212 = vector.shape_cast %get3A_211 : vector<1x16xf32> to vector<16xf32>
        %add3A_213 = arith.addf %get3A_208, %get3A_212 : vector<16xf32>
        %swap3A_214 = arith.index_cast %scan3A_178 : i32 to index
        %swap3A_215 = arith.constant 32 : index
        %swap3A_216 = tpu.vector_load %arg21[%swap3A_214, %swap3A_215] {strides = array<i32>} : memref<128x128xf32, #tpu.memory_space<vmem>>, vector<1x16xf32>,
        %swap3A_217 = vector.shape_cast %swap3A_216 : vector<1x16xf32> to vector<16xf32>
        %swap3A_218 = vector.shape_cast %add3A_213 : vector<16xf32> to vector<1x16xf32>
        tpu.vector_store %arg21[%swap3A_214, %swap3A_215], %swap3A_218 {strides = array<i32>} : memref<128x128xf32, #tpu.memory_space<vmem>>, vector<1x16xf32>,
        %get3A_219 = arith.index_cast %scan3A_178 : i32 to index
        %get3A_220 = arith.constant 48 : index
        %get3A_221 = tpu.vector_load %arg21[%get3A_219, %get3A_220] {strides = array<i32>} : memref<128x128xf32, #tpu.memory_space<vmem>>, vector<1x16xf32>,
        %get3A_222 = vector.shape_cast %get3A_221 : vector<1x16xf32> to vector<16xf32>
        %get3A_223 = arith.index_cast %scan3A_178 : i32 to index
        %get3A_224 = arith.constant 48 : index
        %get3A_225 = tpu.vector_load %arg22[%get3A_223, %get3A_224] {strides = array<i32>} : memref<128x128xf32, #tpu.memory_space<vmem>>, vector<1x16xf32>,
        %get3A_226 = vector.shape_cast %get3A_225 : vector<1x16xf32> to vector<16xf32>
        %add3A_227 = arith.addf %get3A_222, %get3A_226 : vector<16xf32>
        %swap3A_228 = arith.index_cast %scan3A_178 : i32 to index
        %swap3A_229 = arith.constant 48 : index
        %swap3A_230 = tpu.vector_load %arg21[%swap3A_228, %swap3A_229] {strides = array<i32>} : memref<128x128xf32, #tpu.memory_space<vmem>>, vector<1x16xf32>,
        %swap3A_231 = vector.shape_cast %swap3A_230 : vector<1x16xf32> to vector<16xf32>
        %swap3A_232 = vector.shape_cast %add3A_227 : vector<16xf32> to vector<1x16xf32>
        tpu.vector_store %arg21[%swap3A_228, %swap3A_229], %swap3A_232 {strides = array<i32>} : memref<128x128xf32, #tpu.memory_space<vmem>>, vector<1x16xf32>,
        %get3A_233 = arith.index_cast %scan3A_178 : i32 to index
        %get3A_234 = arith.constant 64 : index
        %get3A_235 = tpu.vector_load %arg21[%get3A_233, %get3A_234] {strides = array<i32>} : memref<128x128xf32, #tpu.memory_space<vmem>>, vector<1x16xf32>,
        %get3A_236 = vector.shape_cast %get3A_235 : vector<1x16xf32> to vector<16xf32>
        %get3A_237 = arith.index_cast %scan3A_178 : i32 to index
        %get3A_238 = arith.constant 64 : index
        %get3A_239 = tpu.vector_load %arg22[%get3A_237, %get3A_238] {strides = array<i32>} : memref<128x128xf32, #tpu.memory_space<vmem>>, vector<1x16xf32>,
        %get3A_240 = vector.shape_cast %get3A_239 : vector<1x16xf32> to vector<16xf32>
        %add3A_241 = arith.addf %get3A_236, %get3A_240 : vector<16xf32>
        %swap3A_242 = arith.index_cast %scan3A_178 : i32 to index
        %swap3A_243 = arith.constant 64 : index
        %swap3A_244 = tpu.vector_load %arg21[%swap3A_242, %swap3A_243] {strides = array<i32>} : memref<128x128xf32, #tpu.memory_space<vmem>>, vector<1x16xf32>,
        %swap3A_245 = vector.shape_cast %swap3A_244 : vector<1x16xf32> to vector<16xf32>
        %swap3A_246 = vector.shape_cast %add3A_241 : vector<16xf32> to vector<1x16xf32>
        tpu.vector_store %arg21[%swap3A_242, %swap3A_243], %swap3A_246 {strides = array<i32>} : memref<128x128xf32, #tpu.memory_space<vmem>>, vector<1x16xf32>,
        %get3A_247 = arith.index_cast %scan3A_178 : i32 to index
        %get3A_248 = arith.constant 80 : index
        %get3A_249 = tpu.vector_load %arg21[%get3A_247, %get3A_248] {strides = array<i32>} : memref<128x128xf32, #tpu.memory_space<vmem>>, vector<1x16xf32>,
        %get3A_250 = vector.shape_cast %get3A_249 : vector<1x16xf32> to vector<16xf32>
        %get3A_251 = arith.index_cast %scan3A_178 : i32 to index
        %get3A_252 = arith.constant 80 : index
        %get3A_253 = tpu.vector_load %arg22[%get3A_251, %get3A_252] {strides = array<i32>} : memref<128x128xf32, #tpu.memory_space<vmem>>, vector<1x16xf32>,
        %get3A_254 = vector.shape_cast %get3A_253 : vector<1x16xf32> to vector<16xf32>
        %add3A_255 = arith.addf %get3A_250, %get3A_254 : vector<16xf32>
        %swap3A_256 = arith.index_cast %scan3A_178 : i32 to index
        %swap3A_257 = arith.constant 80 : index
        %swap3A_258 = tpu.vector_load %arg21[%swap3A_256, %swap3A_257] {strides = array<i32>} : memref<128x128xf32, #tpu.memory_space<vmem>>, vector<1x16xf32>,
        %swap3A_259 = vector.shape_cast %swap3A_258 : vector<1x16xf32> to vector<16xf32>
        %swap3A_260 = vector.shape_cast %add3A_255 : vector<16xf32> to vector<1x16xf32>
        tpu.vector_store %arg21[%swap3A_256, %swap3A_257], %swap3A_260 {strides = array<i32>} : memref<128x128xf32, #tpu.memory_space<vmem>>, vector<1x16xf32>,
        %get3A_261 = arith.index_cast %scan3A_178 : i32 to index
        %get3A_262 = arith.constant 96 : index
        %get3A_263 = tpu.vector_load %arg21[%get3A_261, %get3A_262] {strides = array<i32>} : memref<128x128xf32, #tpu.memory_space<vmem>>, vector<1x16xf32>,
        %get3A_264 = vector.shape_cast %get3A_263 : vector<1x16xf32> to vector<16xf32>
        %get3A_265 = arith.index_cast %scan3A_178 : i32 to index
        %get3A_266 = arith.constant 96 : index
        %get3A_267 = tpu.vector_load %arg22[%get3A_265, %get3A_266] {strides = array<i32>} : memref<128x128xf32, #tpu.memory_space<vmem>>, vector<1x16xf32>,
        %get3A_268 = vector.shape_cast %get3A_267 : vector<1x16xf32> to vector<16xf32>
        %add3A_269 = arith.addf %get3A_264, %get3A_268 : vector<16xf32>
        %swap3A_270 = arith.index_cast %scan3A_178 : i32 to index
        %swap3A_271 = arith.constant 96 : index
        %swap3A_272 = tpu.vector_load %arg21[%swap3A_270, %swap3A_271] {strides = array<i32>} : memref<128x128xf32, #tpu.memory_space<vmem>>, vector<1x16xf32>,
        %swap3A_273 = vector.shape_cast %swap3A_272 : vector<1x16xf32> to vector<16xf32>
        %swap3A_274 = vector.shape_cast %add3A_269 : vector<16xf32> to vector<1x16xf32>
        tpu.vector_store %arg21[%swap3A_270, %swap3A_271], %swap3A_274 {strides = array<i32>} : memref<128x128xf32, #tpu.memory_space<vmem>>, vector<1x16xf32>,
        %get3A_275 = arith.index_cast %scan3A_178 : i32 to index
        %get3A_276 = arith.constant 112 : index
        %get3A_277 = tpu.vector_load %arg21[%get3A_275, %get3A_276] {strides = array<i32>} : memref<128x128xf32, #tpu.memory_space<vmem>>, vector<1x16xf32>,
        %get3A_278 = vector.shape_cast %get3A_277 : vector<1x16xf32> to vector<16xf32>
        %get3A_279 = arith.index_cast %scan3A_178 : i32 to index
        %get3A_280 = arith.constant 112 : index
        %get3A_281 = tpu.vector_load %arg22[%get3A_279, %get3A_280] {strides = array<i32>} : memref<128x128xf32, #tpu.memory_space<vmem>>, vector<1x16xf32>,
        %get3A_282 = vector.shape_cast %get3A_281 : vector<1x16xf32> to vector<16xf32>
        %add3A_283 = arith.addf %get3A_278, %get3A_282 : vector<16xf32>
        %swap3A_284 = arith.index_cast %scan3A_178 : i32 to index
        %swap3A_285 = arith.constant 112 : index
        %swap3A_286 = tpu.vector_load %arg21[%swap3A_284, %swap3A_285] {strides = array<i32>} : memref<128x128xf32, #tpu.memory_space<vmem>>, vector<1x16xf32>,
        %swap3A_287 = vector.shape_cast %swap3A_286 : vector<1x16xf32> to vector<16xf32>
        %swap3A_288 = vector.shape_cast %add3A_283 : vector<16xf32> to vector<1x16xf32>
        tpu.vector_store %arg21[%swap3A_284, %swap3A_285], %swap3A_288 {strides = array<i32>} : memref<128x128xf32, #tpu.memory_space<vmem>>, vector<1x16xf32>,
        %scan3A_289 = arith.constant 1 : i32
        %scan3A_290 = arith.addi %scan3A_178, %scan3A_289 : i32
        %get3A_291 = arith.index_cast %scan3A_290 : i32 to index
        %get3A_292 = arith.constant 0 : index
        %get3A_293 = tpu.vector_load %arg21[%get3A_291, %get3A_292] {strides = array<i32>} : memref<128x128xf32, #tpu.memory_space<vmem>>, vector<1x16xf32>,
        %get3A_294 = vector.shape_cast %get3A_293 : vector<1x16xf32> to vector<16xf32>
        %get3A_295 = arith.index_cast %scan3A_290 : i32 to index
        %get3A_296 = arith.constant 0 : index
        %get3A_297 = tpu.vector_load %arg22[%get3A_295, %get3A_296] {strides = array<i32>} : memref<128x128xf32, #tpu.memory_space<vmem>>, vector<1x16xf32>,
        %get3A_298 = vector.shape_cast %get3A_297 : vector<1x16xf32> to vector<16xf32>
        %add3A_299 = arith.addf %get3A_294, %get3A_298 : vector<16xf32>
        %swap3A_300 = arith.index_cast %scan3A_290 : i32 to index
        %swap3A_301 = arith.constant 0 : index
        %swap3A_302 = tpu.vector_load %arg21[%swap3A_300, %swap3A_301] {strides = array<i32>} : memref<128x128xf32, #tpu.memory_space<vmem>>, vector<1x16xf32>,
        %swap3A_303 = vector.shape_cast %swap3A_302 : vector<1x16xf32> to vector<16xf32>
        %swap3A_304 = vector.shape_cast %add3A_299 : vector<16xf32> to vector<1x16xf32>
        tpu.vector_store %arg21[%swap3A_300, %swap3A_301], %swap3A_304 {strides = array<i32>} : memref<128x128xf32, #tpu.memory_space<vmem>>, vector<1x16xf32>,
        %get3A_305 = arith.index_cast %scan3A_290 : i32 to index
        %get3A_306 = arith.constant 16 : index
        %get3A_307 = tpu.vector_load %arg21[%get3A_305, %get3A_306] {strides = array<i32>} : memref<128x128xf32, #tpu.memory_space<vmem>>, vector<1x16xf32>,
        %get3A_308 = vector.shape_cast %get3A_307 : vector<1x16xf32> to vector<16xf32>
        %get3A_309 = arith.index_cast %scan3A_290 : i32 to index
        %get3A_310 = arith.constant 16 : index
        %get3A_311 = tpu.vector_load %arg22[%get3A_309, %get3A_310] {strides = array<i32>} : memref<128x128xf32, #tpu.memory_space<vmem>>, vector<1x16xf32>,
        %get3A_312 = vector.shape_cast %get3A_311 : vector<1x16xf32> to vector<16xf32>
        %add3A_313 = arith.addf %get3A_308, %get3A_312 : vector<16xf32>
        %swap3A_314 = arith.index_cast %scan3A_290 : i32 to index
        %swap3A_315 = arith.constant 16 : index
        %swap3A_316 = tpu.vector_load %arg21[%swap3A_314, %swap3A_315] {strides = array<i32>} : memref<128x128xf32, #tpu.memory_space<vmem>>, vector<1x16xf32>,
        %swap3A_317 = vector.shape_cast %swap3A_316 : vector<1x16xf32> to vector<16xf32>
        %swap3A_318 = vector.shape_cast %add3A_313 : vector<16xf32> to vector<1x16xf32>
        tpu.vector_store %arg21[%swap3A_314, %swap3A_315], %swap3A_318 {strides = array<i32>} : memref<128x128xf32, #tpu.memory_space<vmem>>, vector<1x16xf32>,
        %get3A_319 = arith.index_cast %scan3A_290 : i32 to index
        %get3A_320 = arith.constant 32 : index
        %get3A_321 = tpu.vector_load %arg21[%get3A_319, %get3A_320] {strides = array<i32>} : memref<128x128xf32, #tpu.memory_space<vmem>>, vector<1x16xf32>,
        %get3A_322 = vector.shape_cast %get3A_321 : vector<1x16xf32> to vector<16xf32>
        %get3A_323 = arith.index_cast %scan3A_290 : i32 to index
        %get3A_324 = arith.constant 32 : index
        %get3A_325 = tpu.vector_load %arg22[%get3A_323, %get3A_324] {strides = array<i32>} : memref<128x128xf32, #tpu.memory_space<vmem>>, vector<1x16xf32>,
        %get3A_326 = vector.shape_cast %get3A_325 : vector<1x16xf32> to vector<16xf32>
        %add3A_327 = arith.addf %get3A_322, %get3A_326 : vector<16xf32>
        %swap3A_328 = arith.index_cast %scan3A_290 : i32 to index
        %swap3A_329 = arith.constant 32 : index
        %swap3A_330 = tpu.vector_load %arg21[%swap3A_328, %swap3A_329] {strides = array<i32>} : memref<128x128xf32, #tpu.memory_space<vmem>>, vector<1x16xf32>,
        %swap3A_331 = vector.shape_cast %swap3A_330 : vector<1x16xf32> to vector<16xf32>
        %swap3A_332 = vector.shape_cast %add3A_327 : vector<16xf32> to vector<1x16xf32>
        tpu.vector_store %arg21[%swap3A_328, %swap3A_329], %swap3A_332 {strides = array<i32>} : memref<128x128xf32, #tpu.memory_space<vmem>>, vector<1x16xf32>,
        %get3A_333 = arith.index_cast %scan3A_290 : i32 to index
        %get3A_334 = arith.constant 48 : index
        %get3A_335 = tpu.vector_load %arg21[%get3A_333, %get3A_334] {strides = array<i32>} : memref<128x128xf32, #tpu.memory_space<vmem>>, vector<1x16xf32>,
        %get3A_336 = vector.shape_cast %get3A_335 : vector<1x16xf32> to vector<16xf32>
        %get3A_337 = arith.index_cast %scan3A_290 : i32 to index
        %get3A_338 = arith.constant 48 : index
        %get3A_339 = tpu.vector_load %arg22[%get3A_337, %get3A_338] {strides = array<i32>} : memref<128x128xf32, #tpu.memory_space<vmem>>, vector<1x16xf32>,
        %get3A_340 = vector.shape_cast %get3A_339 : vector<1x16xf32> to vector<16xf32>
        %add3A_341 = arith.addf %get3A_336, %get3A_340 : vector<16xf32>
        %swap3A_342 = arith.index_cast %scan3A_290 : i32 to index
        %swap3A_343 = arith.constant 48 : index
        %swap3A_344 = tpu.vector_load %arg21[%swap3A_342, %swap3A_343] {strides = array<i32>} : memref<128x128xf32, #tpu.memory_space<vmem>>, vector<1x16xf32>,
        %swap3A_345 = vector.shape_cast %swap3A_344 : vector<1x16xf32> to vector<16xf32>
        %swap3A_346 = vector.shape_cast %add3A_341 : vector<16xf32> to vector<1x16xf32>
        tpu.vector_store %arg21[%swap3A_342, %swap3A_343], %swap3A_346 {strides = array<i32>} : memref<128x128xf32, #tpu.memory_space<vmem>>, vector<1x16xf32>,
        %get3A_347 = arith.index_cast %scan3A_290 : i32 to index
        %get3A_348 = arith.constant 64 : index
        %get3A_349 = tpu.vector_load %arg21[%get3A_347, %get3A_348] {strides = array<i32>} : memref<128x128xf32, #tpu.memory_space<vmem>>, vector<1x16xf32>,
        %get3A_350 = vector.shape_cast %get3A_349 : vector<1x16xf32> to vector<16xf32>
        %get3A_351 = arith.index_cast %scan3A_290 : i32 to index
        %get3A_352 = arith.constant 64 : index
        %get3A_353 = tpu.vector_load %arg22[%get3A_351, %get3A_352] {strides = array<i32>} : memref<128x128xf32, #tpu.memory_space<vmem>>, vector<1x16xf32>,
        %get3A_354 = vector.shape_cast %get3A_353 : vector<1x16xf32> to vector<16xf32>
        %add3A_355 = arith.addf %get3A_350, %get3A_354 : vector<16xf32>
        %swap3A_356 = arith.index_cast %scan3A_290 : i32 to index
        %swap3A_357 = arith.constant 64 : index
        %swap3A_358 = tpu.vector_load %arg21[%swap3A_356, %swap3A_357] {strides = array<i32>} : memref<128x128xf32, #tpu.memory_space<vmem>>, vector<1x16xf32>,
        %swap3A_359 = vector.shape_cast %swap3A_358 : vector<1x16xf32> to vector<16xf32>
        %swap3A_360 = vector.shape_cast %add3A_355 : vector<16xf32> to vector<1x16xf32>
        tpu.vector_store %arg21[%swap3A_356, %swap3A_357], %swap3A_360 {strides = array<i32>} : memref<128x128xf32, #tpu.memory_space<vmem>>, vector<1x16xf32>,
        %get3A_361 = arith.index_cast %scan3A_290 : i32 to index
        %get3A_362 = arith.constant 80 : index
        %get3A_363 = tpu.vector_load %arg21[%get3A_361, %get3A_362] {strides = array<i32>} : memref<128x128xf32, #tpu.memory_space<vmem>>, vector<1x16xf32>,
        %get3A_364 = vector.shape_cast %get3A_363 : vector<1x16xf32> to vector<16xf32>
        %get3A_365 = arith.index_cast %scan3A_290 : i32 to index
        %get3A_366 = arith.constant 80 : index
        %get3A_367 = tpu.vector_load %arg22[%get3A_365, %get3A_366] {strides = array<i32>} : memref<128x128xf32, #tpu.memory_space<vmem>>, vector<1x16xf32>,
        %get3A_368 = vector.shape_cast %get3A_367 : vector<1x16xf32> to vector<16xf32>
        %add3A_369 = arith.addf %get3A_364, %get3A_368 : vector<16xf32>
        %swap3A_370 = arith.index_cast %scan3A_290 : i32 to index
        %swap3A_371 = arith.constant 80 : index
        %swap3A_372 = tpu.vector_load %arg21[%swap3A_370, %swap3A_371] {strides = array<i32>} : memref<128x128xf32, #tpu.memory_space<vmem>>, vector<1x16xf32>,
        %swap3A_373 = vector.shape_cast %swap3A_372 : vector<1x16xf32> to vector<16xf32>
        %swap3A_374 = vector.shape_cast %add3A_369 : vector<16xf32> to vector<1x16xf32>
        tpu.vector_store %arg21[%swap3A_370, %swap3A_371], %swap3A_374 {strides = array<i32>} : memref<128x128xf32, #tpu.memory_space<vmem>>, vector<1x16xf32>,
        %get3A_375 = arith.index_cast %scan3A_290 : i32 to index
        %get3A_376 = arith.constant 96 : index
        %get3A_377 = tpu.vector_load %arg21[%get3A_375, %get3A_376] {strides = array<i32>} : memref<128x128xf32, #tpu.memory_space<vmem>>, vector<1x16xf32>,
        %get3A_378 = vector.shape_cast %get3A_377 : vector<1x16xf32> to vector<16xf32>
        %get3A_379 = arith.index_cast %scan3A_290 : i32 to index
        %get3A_380 = arith.constant 96 : index
        %get3A_381 = tpu.vector_load %arg22[%get3A_379, %get3A_380] {strides = array<i32>} : memref<128x128xf32, #tpu.memory_space<vmem>>, vector<1x16xf32>,
        %get3A_382 = vector.shape_cast %get3A_381 : vector<1x16xf32> to vector<16xf32>
        %add3A_383 = arith.addf %get3A_378, %get3A_382 : vector<16xf32>
        %swap3A_384 = arith.index_cast %scan3A_290 : i32 to index
        %swap3A_385 = arith.constant 96 : index
        %swap3A_386 = tpu.vector_load %arg21[%swap3A_384, %swap3A_385] {strides = array<i32>} : memref<128x128xf32, #tpu.memory_space<vmem>>, vector<1x16xf32>,
        %swap3A_387 = vector.shape_cast %swap3A_386 : vector<1x16xf32> to vector<16xf32>
        %swap3A_388 = vector.shape_cast %add3A_383 : vector<16xf32> to vector<1x16xf32>
        tpu.vector_store %arg21[%swap3A_384, %swap3A_385], %swap3A_388 {strides = array<i32>} : memref<128x128xf32, #tpu.memory_space<vmem>>, vector<1x16xf32>,
        %get3A_389 = arith.index_cast %scan3A_290 : i32 to index
        %get3A_390 = arith.constant 112 : index
        %get3A_391 = tpu.vector_load %arg21[%get3A_389, %get3A_390] {strides = array<i32>} : memref<128x128xf32, #tpu.memory_space<vmem>>, vector<1x16xf32>,
        %get3A_392 = vector.shape_cast %get3A_391 : vector<1x16xf32> to vector<16xf32>
        %get3A_393 = arith.index_cast %scan3A_290 : i32 to index
        %get3A_394 = arith.constant 112 : index
        %get3A_395 = tpu.vector_load %arg22[%get3A_393, %get3A_394] {strides = array<i32>} : memref<128x128xf32, #tpu.memory_space<vmem>>, vector<1x16xf32>,
        %get3A_396 = vector.shape_cast %get3A_395 : vector<1x16xf32> to vector<16xf32>
        %add3A_397 = arith.addf %get3A_392, %get3A_396 : vector<16xf32>
        %swap3A_398 = arith.index_cast %scan3A_290 : i32 to index
        %swap3A_399 = arith.constant 112 : index
        %swap3A_400 = tpu.vector_load %arg21[%swap3A_398, %swap3A_399] {strides = array<i32>} : memref<128x128xf32, #tpu.memory_space<vmem>>, vector<1x16xf32>,
        %swap3A_401 = vector.shape_cast %swap3A_400 : vector<1x16xf32> to vector<16xf32>
        %swap3A_402 = vector.shape_cast %add3A_397 : vector<16xf32> to vector<1x16xf32>
        tpu.vector_store %arg21[%swap3A_398, %swap3A_399], %swap3A_402 {strides = array<i32>} : memref<128x128xf32, #tpu.memory_space<vmem>>, vector<1x16xf32>,
      }
      %scan3A_151 = arith.constant 128 : i32
      %mul3A_152 = arith.constant 128 : i32
      %mul3A_153 = arith.muli %add3A_145, %mul3A_152 : i32
      %add3A_154 = arith.addi %mul3A_2, %mul3A_153 : i32
      %dma_start3A_155 = arith.constant 0 : i32
      %dma_start3A_156 = tpu.memref_slice %arg11[%add3A_154, %dma_start3A_155] : memref<262144x128xf32, #tpu.memory_space<hbm>> -> memref<128x128xf32, #tpu.memory_space<hbm>>
      %dma_start3A_157 = arith.constant 0 : i32
      %dma_start3A_158 = tpu.memref_slice %arg11[%add3A_154, %dma_start3A_157] : memref<262144x128xf32, #tpu.memory_space<hbm>> -> memref<128x128xf32, #tpu.memory_space<hbm>>
      tpu.enqueue_dma source(%arg21 : memref<128x128xf32, #tpu.memory_space<vmem>>) target(%dma_start3A_158 : memref<128x128xf32, #tpu.memory_space<hbm>>) target_semaphore(%arg31 : memref<!tpu.dma_semaphore, #tpu.memory_space<semaphore_mem>>)
      %dma_wait3A_159 = arith.constant 0 : i32
      %dma_wait3A_160 = arith.constant 0 : i32
      %dma_wait3A_161 = tpu.memref_slice %arg11[%dma_wait3A_159, %dma_wait3A_160] : memref<262144x128xf32, #tpu.memory_space<hbm>> -> memref<128x128xf32, #tpu.memory_space<hbm>>
      %dma_wait3A_162 = arith.constant 0 : i32
      %dma_wait3A_163 = arith.constant 0 : i32
      %dma_wait3A_164 = tpu.memref_slice %arg11[%dma_wait3A_162, %dma_wait3A_163] : memref<262144x128xf32, #tpu.memory_space<hbm>> -> memref<128x128xf32, #tpu.memory_space<hbm>>
      tpu.wait_dma2 semaphore(%arg30 : memref<!tpu.dma_semaphore, #tpu.memory_space<semaphore_mem>>) src(%arg19 : memref<128x128xf32, #tpu.memory_space<vmem>>) dst(%dma_wait3A_164 : memref<128x128xf32, #tpu.memory_space<hbm>>)
      %lt3A = arith.constant 31 : i32
      %lt3A_165 = arith.cmpi slt, %scan3A_108, %lt3A : i32
      %convert_element_type3A = arith.extui %lt3A_165 : i1 to i32
      %cond3A = arith.constant 0 : i32
      %cond3A_166 = arith.cmpi ne, %convert_element_type3A, %cond3A : i32
      scf.if %cond3A_166 {
        %add3A_178 = arith.constant 2 : i32
        %add3A_179 = arith.addi %mul3A_110, %add3A_178 : i32
        %mul3A_180 = arith.constant 128 : i32
        %mul3A_181 = arith.muli %add3A_179, %mul3A_180 : i32
        %dma_start3A_182 = tpu.memref_slice %arg15[%mul3A_181] : memref<8192xi32, #tpu.memory_space<vmem>> -> memref<128xi32, #tpu.memory_space<vmem>>
        %dma_start3A_183 = arith.constant 0 : i32
        %dma_start3A_184 = arith.constant 0 : i32
        %dma_start3A_185 = tpu.memref_slice %arg8[%dma_start3A_183, %dma_start3A_184] : memref<100000x128xf32, #tpu.memory_space<hbm>> -> memref<100000x128xf32, #tpu.memory_space<hbm>>
        tpu.enqueue_indirect_dma source(%dma_start3A_185 : memref<100000x128xf32, #tpu.memory_space<hbm>>) target(%arg19 : memref<128x128xf32, #tpu.memory_space<vmem>>) offsets(%dma_start3A_182 : memref<128xi32, #tpu.memory_space<vmem>>) semaphore(%arg28 : memref<!tpu.dma_semaphore, #tpu.memory_space<semaphore_mem>>)
        %dma_start3A_186 = tpu.memref_slice %arg16[%mul3A_181] : memref<8192xi32, #tpu.memory_space<vmem>> -> memref<128xi32, #tpu.memory_space<vmem>>
        %dma_start3A_187 = arith.constant 0 : i32
        %dma_start3A_188 = arith.constant 0 : i32
        %dma_start3A_189 = tpu.memref_slice %arg9[%dma_start3A_187, %dma_start3A_188] : memref<100000x128xf32, #tpu.memory_space<hbm>> -> memref<100000x128xf32, #tpu.memory_space<hbm>>
        tpu.enqueue_indirect_dma source(%dma_start3A_189 : memref<100000x128xf32, #tpu.memory_space<hbm>>) target(%arg20 : memref<128x128xf32, #tpu.memory_space<vmem>>) offsets(%dma_start3A_186 : memref<128xi32, #tpu.memory_space<vmem>>) semaphore(%arg28 : memref<!tpu.dma_semaphore, #tpu.memory_space<semaphore_mem>>)
      } else {
      }
      %dma_wait3A_167 = arith.constant 0 : i32
      %dma_wait3A_168 = arith.constant 0 : i32
      %dma_wait3A_169 = tpu.memref_slice %arg11[%dma_wait3A_167, %dma_wait3A_168] : memref<262144x128xf32, #tpu.memory_space<hbm>> -> memref<128x128xf32, #tpu.memory_space<hbm>>
      %dma_wait3A_170 = arith.constant 0 : i32
      %dma_wait3A_171 = arith.constant 0 : i32
      %dma_wait3A_172 = tpu.memref_slice %arg11[%dma_wait3A_170, %dma_wait3A_171] : memref<262144x128xf32, #tpu.memory_space<hbm>> -> memref<128x128xf32, #tpu.memory_space<hbm>>
      tpu.wait_dma2 semaphore(%arg31 : memref<!tpu.dma_semaphore, #tpu.memory_space<semaphore_mem>>) src(%arg21 : memref<128x128xf32, #tpu.memory_space<vmem>>) dst(%dma_wait3A_172 : memref<128x128xf32, #tpu.memory_space<hbm>>)
      %lt3A_173 = arith.constant 31 : i32
      %lt3A_174 = arith.cmpi slt, %scan3A_108, %lt3A_173 : i32
      %convert_element_type3A_175 = arith.extui %lt3A_174 : i1 to i32
      %cond3A_176 = arith.constant 0 : i32
      %cond3A_177 = arith.cmpi ne, %convert_element_type3A_175, %cond3A_176 : i32
      scf.if %cond3A_177 {
        %add3A_178 = arith.constant 3 : i32
        %add3A_179 = arith.addi %mul3A_110, %add3A_178 : i32
        %mul3A_180 = arith.constant 128 : i32
        %mul3A_181 = arith.muli %add3A_179, %mul3A_180 : i32
        %dma_start3A_182 = tpu.memref_slice %arg15[%mul3A_181] : memref<8192xi32, #tpu.memory_space<vmem>> -> memref<128xi32, #tpu.memory_space<vmem>>
        %dma_start3A_183 = arith.constant 0 : i32
        %dma_start3A_184 = arith.constant 0 : i32
        %dma_start3A_185 = tpu.memref_slice %arg8[%dma_start3A_183, %dma_start3A_184] : memref<100000x128xf32, #tpu.memory_space<hbm>> -> memref<100000x128xf32, #tpu.memory_space<hbm>>
        tpu.enqueue_indirect_dma source(%dma_start3A_185 : memref<100000x128xf32, #tpu.memory_space<hbm>>) target(%arg21 : memref<128x128xf32, #tpu.memory_space<vmem>>) offsets(%dma_start3A_182 : memref<128xi32, #tpu.memory_space<vmem>>) semaphore(%arg29 : memref<!tpu.dma_semaphore, #tpu.memory_space<semaphore_mem>>)
        %dma_start3A_186 = tpu.memref_slice %arg16[%mul3A_181] : memref<8192xi32, #tpu.memory_space<vmem>> -> memref<128xi32, #tpu.memory_space<vmem>>
        %dma_start3A_187 = arith.constant 0 : i32
        %dma_start3A_188 = arith.constant 0 : i32
        %dma_start3A_189 = tpu.memref_slice %arg9[%dma_start3A_187, %dma_start3A_188] : memref<100000x128xf32, #tpu.memory_space<hbm>> -> memref<100000x128xf32, #tpu.memory_space<hbm>>
        tpu.enqueue_indirect_dma source(%dma_start3A_189 : memref<100000x128xf32, #tpu.memory_space<hbm>>) target(%arg22 : memref<128x128xf32, #tpu.memory_space<vmem>>) offsets(%dma_start3A_186 : memref<128xi32, #tpu.memory_space<vmem>>) semaphore(%arg29 : memref<!tpu.dma_semaphore, #tpu.memory_space<semaphore_mem>>)
      } else {
      }
    }
    %scan3A_54 = arith.constant 32 : i32
    %dma_wait3A = tpu.memref_slice %arg12[%mul3A_2] : memref<262144xf32, #tpu.memory_space<hbm>> -> memref<8192xf32, #tpu.memory_space<hbm>>
    %dma_wait3A_55 = tpu.memref_slice %arg12[%mul3A_2] : memref<262144xf32, #tpu.memory_space<hbm>> -> memref<8192xf32, #tpu.memory_space<hbm>>
    tpu.wait_dma2 semaphore(%arg32 : memref<!tpu.dma_semaphore, #tpu.memory_space<semaphore_mem>>) src(%arg17 : memref<8192xf32, #tpu.memory_space<vmem>>) dst(%dma_wait3A_55 : memref<8192xf32, #tpu.memory_space<hbm>>)
    %dma_wait3A_56 = tpu.memref_slice %arg13[%mul3A_2] : memref<262144xf32, #tpu.memory_space<hbm>> -> memref<8192xf32, #tpu.memory_space<hbm>>
    %dma_wait3A_57 = tpu.memref_slice %arg13[%mul3A_2] : memref<262144xf32, #tpu.memory_space<hbm>> -> memref<8192xf32, #tpu.memory_space<hbm>>
    tpu.wait_dma2 semaphore(%arg32 : memref<!tpu.dma_semaphore, #tpu.memory_space<semaphore_mem>>) src(%arg18 : memref<8192xf32, #tpu.memory_space<vmem>>) dst(%dma_wait3A_57 : memref<8192xf32, #tpu.memory_space<hbm>>)
    %mul3A_58 = arith.constant 512 : i32
    %mul3A_59 = arith.muli %add3A, %mul3A_58 : i32
    %add3A_60 = arith.constant 0 : i32
    %add3A_61 = arith.addi %mul3A_59, %add3A_60 : i32
    "tpu.region"() ({
      %run_scoped3A = tpu.sem_alloc : memref<!tpu.dma_semaphore, #tpu.memory_space<semaphore_mem>>
      %dma_start3A_108 = arith.constant 0 : i32
      %dma_start3A_109 = tpu.memref_slice %arg15[%dma_start3A_108] : memref<8192xi32, #tpu.memory_space<vmem>> -> memref<128xi32, #tpu.memory_space<vmem>>
      %dma_start3A_110 = tpu.memref_slice %arg3[%add3A_61] : memref<16384xi32, #tpu.memory_space<hbm>> -> memref<128xi32, #tpu.memory_space<hbm>>
      %dma_start3A_111 = arith.constant 0 : i32
      %dma_start3A_112 = tpu.memref_slice %arg15[%dma_start3A_111] : memref<8192xi32, #tpu.memory_space<vmem>> -> memref<128xi32, #tpu.memory_space<vmem>>
      %dma_start3A_113 = tpu.memref_slice %arg3[%add3A_61] : memref<16384xi32, #tpu.memory_space<hbm>> -> memref<128xi32, #tpu.memory_space<hbm>>
      tpu.enqueue_dma source(%dma_start3A_113 : memref<128xi32, #tpu.memory_space<hbm>>) target(%dma_start3A_112 : memref<128xi32, #tpu.memory_space<vmem>>) target_semaphore(%run_scoped3A : memref<!tpu.dma_semaphore, #tpu.memory_space<semaphore_mem>>)
      %dma_wait3A_114 = arith.constant 0 : i32
      %dma_wait3A_115 = tpu.memref_slice %arg15[%dma_wait3A_114] : memref<8192xi32, #tpu.memory_space<vmem>> -> memref<128xi32, #tpu.memory_space<vmem>>
      %dma_wait3A_116 = tpu.memref_slice %arg3[%add3A_61] : memref<16384xi32, #tpu.memory_space<hbm>> -> memref<128xi32, #tpu.memory_space<hbm>>
      %dma_wait3A_117 = arith.constant 0 : i32
      %dma_wait3A_118 = tpu.memref_slice %arg15[%dma_wait3A_117] : memref<8192xi32, #tpu.memory_space<vmem>> -> memref<128xi32, #tpu.memory_space<vmem>>
      %dma_wait3A_119 = tpu.memref_slice %arg3[%add3A_61] : memref<16384xi32, #tpu.memory_space<hbm>> -> memref<128xi32, #tpu.memory_space<hbm>>
      tpu.wait_dma2 semaphore(%run_scoped3A : memref<!tpu.dma_semaphore, #tpu.memory_space<semaphore_mem>>) src(%dma_wait3A_119 : memref<128xi32, #tpu.memory_space<hbm>>) dst(%dma_wait3A_118 : memref<128xi32, #tpu.memory_space<vmem>>)
      tpu.yield
    }) : () -> ()
    %dma_start3A_62 = arith.constant 0 : i32
    %dma_start3A_63 = tpu.memref_slice %arg15[%dma_start3A_62] : memref<8192xi32, #tpu.memory_space<vmem>> -> memref<128xi32, #tpu.memory_space<vmem>>
    %dma_start3A_64 = arith.constant 0 : i32
    %dma_start3A_65 = arith.constant 0 : i32
    %dma_start3A_66 = tpu.memref_slice %arg10[%dma_start3A_64, %dma_start3A_65] : memref<100000x128xf32, #tpu.memory_space<hbm>> -> memref<100000x128xf32, #tpu.memory_space<hbm>>
    tpu.enqueue_indirect_dma source(%dma_start3A_66 : memref<100000x128xf32, #tpu.memory_space<hbm>>) target(%arg23 : memref<128x128xf32, #tpu.memory_space<vmem>>) offsets(%dma_start3A_63 : memref<128xi32, #tpu.memory_space<vmem>>) semaphore(%arg28 : memref<!tpu.dma_semaphore, #tpu.memory_space<semaphore_mem>>)
    %dma_wait3A_67 = arith.constant 0 : i32
    %dma_wait3A_68 = tpu.memref_slice %arg15[%dma_wait3A_67] : memref<8192xi32, #tpu.memory_space<vmem>> -> memref<128xi32, #tpu.memory_space<vmem>>
    %dma_wait3A_69 = arith.constant 0 : i32
    %dma_wait3A_70 = arith.constant 0 : i32
    %dma_wait3A_71 = tpu.memref_slice %arg10[%dma_wait3A_69, %dma_wait3A_70] : memref<100000x128xf32, #tpu.memory_space<hbm>> -> memref<100000x128xf32, #tpu.memory_space<hbm>>
    tpu.wait_indirect_dma semaphore(%arg28 : memref<!tpu.dma_semaphore, #tpu.memory_space<semaphore_mem>>) src(%dma_wait3A_71 : memref<100000x128xf32, #tpu.memory_space<hbm>>) dst(%arg23 : memref<128x128xf32, #tpu.memory_space<vmem>>)
    "tpu.region"() ({
      %run_scoped3A = tpu.sem_alloc : memref<!tpu.dma_semaphore, #tpu.memory_space<semaphore_mem>>
      %dma_start3A_108 = arith.constant 0 : i32
      %dma_start3A_109 = tpu.memref_slice %arg14[%add3A_61, %dma_start3A_108] : memref<16384x128xf32, #tpu.memory_space<hbm>> -> memref<128x128xf32, #tpu.memory_space<hbm>>
      %dma_start3A_110 = arith.constant 0 : i32
      %dma_start3A_111 = tpu.memref_slice %arg14[%add3A_61, %dma_start3A_110] : memref<16384x128xf32, #tpu.memory_space<hbm>> -> memref<128x128xf32, #tpu.memory_space<hbm>>
      tpu.enqueue_dma source(%arg23 : memref<128x128xf32, #tpu.memory_space<vmem>>) target(%dma_start3A_111 : memref<128x128xf32, #tpu.memory_space<hbm>>) target_semaphore(%run_scoped3A : memref<!tpu.dma_semaphore, #tpu.memory_space<semaphore_mem>>)
      %dma_wait3A_112 = arith.constant 0 : i32
      %dma_wait3A_113 = tpu.memref_slice %arg14[%add3A_61, %dma_wait3A_112] : memref<16384x128xf32, #tpu.memory_space<hbm>> -> memref<128x128xf32, #tpu.memory_space<hbm>>
      %dma_wait3A_114 = arith.constant 0 : i32
      %dma_wait3A_115 = tpu.memref_slice %arg14[%add3A_61, %dma_wait3A_114] : memref<16384x128xf32, #tpu.memory_space<hbm>> -> memref<128x128xf32, #tpu.memory_space<hbm>>
      tpu.wait_dma2 semaphore(%run_scoped3A : memref<!tpu.dma_semaphore, #tpu.memory_space<semaphore_mem>>) src(%arg23 : memref<128x128xf32, #tpu.memory_space<vmem>>) dst(%dma_wait3A_115 : memref<128x128xf32, #tpu.memory_space<hbm>>)
      tpu.yield
    }) : () -> ()
    %add3A_72 = arith.constant 128 : i32
    %add3A_73 = arith.addi %mul3A_59, %add3A_72 : i32
    "tpu.region"() ({
      %run_scoped3A = tpu.sem_alloc : memref<!tpu.dma_semaphore, #tpu.memory_space<semaphore_mem>>
      %dma_start3A_108 = arith.constant 0 : i32
      %dma_start3A_109 = tpu.memref_slice %arg15[%dma_start3A_108] : memref<8192xi32, #tpu.memory_space<vmem>> -> memref<128xi32, #tpu.memory_space<vmem>>
      %dma_start3A_110 = tpu.memref_slice %arg3[%add3A_73] : memref<16384xi32, #tpu.memory_space<hbm>> -> memref<128xi32, #tpu.memory_space<hbm>>
      %dma_start3A_111 = arith.constant 0 : i32
      %dma_start3A_112 = tpu.memref_slice %arg15[%dma_start3A_111] : memref<8192xi32, #tpu.memory_space<vmem>> -> memref<128xi32, #tpu.memory_space<vmem>>
      %dma_start3A_113 = tpu.memref_slice %arg3[%add3A_73] : memref<16384xi32, #tpu.memory_space<hbm>> -> memref<128xi32, #tpu.memory_space<hbm>>
      tpu.enqueue_dma source(%dma_start3A_113 : memref<128xi32, #tpu.memory_space<hbm>>) target(%dma_start3A_112 : memref<128xi32, #tpu.memory_space<vmem>>) target_semaphore(%run_scoped3A : memref<!tpu.dma_semaphore, #tpu.memory_space<semaphore_mem>>)
      %dma_wait3A_114 = arith.constant 0 : i32
      %dma_wait3A_115 = tpu.memref_slice %arg15[%dma_wait3A_114] : memref<8192xi32, #tpu.memory_space<vmem>> -> memref<128xi32, #tpu.memory_space<vmem>>
      %dma_wait3A_116 = tpu.memref_slice %arg3[%add3A_73] : memref<16384xi32, #tpu.memory_space<hbm>> -> memref<128xi32, #tpu.memory_space<hbm>>
      %dma_wait3A_117 = arith.constant 0 : i32
      %dma_wait3A_118 = tpu.memref_slice %arg15[%dma_wait3A_117] : memref<8192xi32, #tpu.memory_space<vmem>> -> memref<128xi32, #tpu.memory_space<vmem>>
      %dma_wait3A_119 = tpu.memref_slice %arg3[%add3A_73] : memref<16384xi32, #tpu.memory_space<hbm>> -> memref<128xi32, #tpu.memory_space<hbm>>
      tpu.wait_dma2 semaphore(%run_scoped3A : memref<!tpu.dma_semaphore, #tpu.memory_space<semaphore_mem>>) src(%dma_wait3A_119 : memref<128xi32, #tpu.memory_space<hbm>>) dst(%dma_wait3A_118 : memref<128xi32, #tpu.memory_space<vmem>>)
      tpu.yield
    }) : () -> ()
    %dma_start3A_74 = arith.constant 0 : i32
    %dma_start3A_75 = tpu.memref_slice %arg15[%dma_start3A_74] : memref<8192xi32, #tpu.memory_space<vmem>> -> memref<128xi32, #tpu.memory_space<vmem>>
    %dma_start3A_76 = arith.constant 0 : i32
    %dma_start3A_77 = arith.constant 0 : i32
    %dma_start3A_78 = tpu.memref_slice %arg10[%dma_start3A_76, %dma_start3A_77] : memref<100000x128xf32, #tpu.memory_space<hbm>> -> memref<100000x128xf32, #tpu.memory_space<hbm>>
    tpu.enqueue_indirect_dma source(%dma_start3A_78 : memref<100000x128xf32, #tpu.memory_space<hbm>>) target(%arg23 : memref<128x128xf32, #tpu.memory_space<vmem>>) offsets(%dma_start3A_75 : memref<128xi32, #tpu.memory_space<vmem>>) semaphore(%arg29 : memref<!tpu.dma_semaphore, #tpu.memory_space<semaphore_mem>>)
    %dma_wait3A_79 = arith.constant 0 : i32
    %dma_wait3A_80 = tpu.memref_slice %arg15[%dma_wait3A_79] : memref<8192xi32, #tpu.memory_space<vmem>> -> memref<128xi32, #tpu.memory_space<vmem>>
    %dma_wait3A_81 = arith.constant 0 : i32
    %dma_wait3A_82 = arith.constant 0 : i32
    %dma_wait3A_83 = tpu.memref_slice %arg10[%dma_wait3A_81, %dma_wait3A_82] : memref<100000x128xf32, #tpu.memory_space<hbm>> -> memref<100000x128xf32, #tpu.memory_space<hbm>>
    tpu.wait_indirect_dma semaphore(%arg29 : memref<!tpu.dma_semaphore, #tpu.memory_space<semaphore_mem>>) src(%dma_wait3A_83 : memref<100000x128xf32, #tpu.memory_space<hbm>>) dst(%arg23 : memref<128x128xf32, #tpu.memory_space<vmem>>)
    "tpu.region"() ({
      %run_scoped3A = tpu.sem_alloc : memref<!tpu.dma_semaphore, #tpu.memory_space<semaphore_mem>>
      %dma_start3A_108 = arith.constant 0 : i32
      %dma_start3A_109 = tpu.memref_slice %arg14[%add3A_73, %dma_start3A_108] : memref<16384x128xf32, #tpu.memory_space<hbm>> -> memref<128x128xf32, #tpu.memory_space<hbm>>
      %dma_start3A_110 = arith.constant 0 : i32
      %dma_start3A_111 = tpu.memref_slice %arg14[%add3A_73, %dma_start3A_110] : memref<16384x128xf32, #tpu.memory_space<hbm>> -> memref<128x128xf32, #tpu.memory_space<hbm>>
      tpu.enqueue_dma source(%arg23 : memref<128x128xf32, #tpu.memory_space<vmem>>) target(%dma_start3A_111 : memref<128x128xf32, #tpu.memory_space<hbm>>) target_semaphore(%run_scoped3A : memref<!tpu.dma_semaphore, #tpu.memory_space<semaphore_mem>>)
      %dma_wait3A_112 = arith.constant 0 : i32
      %dma_wait3A_113 = tpu.memref_slice %arg14[%add3A_73, %dma_wait3A_112] : memref<16384x128xf32, #tpu.memory_space<hbm>> -> memref<128x128xf32, #tpu.memory_space<hbm>>
      %dma_wait3A_114 = arith.constant 0 : i32
      %dma_wait3A_115 = tpu.memref_slice %arg14[%add3A_73, %dma_wait3A_114] : memref<16384x128xf32, #tpu.memory_space<hbm>> -> memref<128x128xf32, #tpu.memory_space<hbm>>
      tpu.wait_dma2 semaphore(%run_scoped3A : memref<!tpu.dma_semaphore, #tpu.memory_space<semaphore_mem>>) src(%arg23 : memref<128x128xf32, #tpu.memory_space<vmem>>) dst(%dma_wait3A_115 : memref<128x128xf32, #tpu.memory_space<hbm>>)
      tpu.yield
    }) : () -> ()
    %add3A_84 = arith.constant 256 : i32
    %add3A_85 = arith.addi %mul3A_59, %add3A_84 : i32
    "tpu.region"() ({
      %run_scoped3A = tpu.sem_alloc : memref<!tpu.dma_semaphore, #tpu.memory_space<semaphore_mem>>
      %dma_start3A_108 = arith.constant 0 : i32
      %dma_start3A_109 = tpu.memref_slice %arg15[%dma_start3A_108] : memref<8192xi32, #tpu.memory_space<vmem>> -> memref<128xi32, #tpu.memory_space<vmem>>
      %dma_start3A_110 = tpu.memref_slice %arg3[%add3A_85] : memref<16384xi32, #tpu.memory_space<hbm>> -> memref<128xi32, #tpu.memory_space<hbm>>
      %dma_start3A_111 = arith.constant 0 : i32
      %dma_start3A_112 = tpu.memref_slice %arg15[%dma_start3A_111] : memref<8192xi32, #tpu.memory_space<vmem>> -> memref<128xi32, #tpu.memory_space<vmem>>
      %dma_start3A_113 = tpu.memref_slice %arg3[%add3A_85] : memref<16384xi32, #tpu.memory_space<hbm>> -> memref<128xi32, #tpu.memory_space<hbm>>
      tpu.enqueue_dma source(%dma_start3A_113 : memref<128xi32, #tpu.memory_space<hbm>>) target(%dma_start3A_112 : memref<128xi32, #tpu.memory_space<vmem>>) target_semaphore(%run_scoped3A : memref<!tpu.dma_semaphore, #tpu.memory_space<semaphore_mem>>)
      %dma_wait3A_114 = arith.constant 0 : i32
      %dma_wait3A_115 = tpu.memref_slice %arg15[%dma_wait3A_114] : memref<8192xi32, #tpu.memory_space<vmem>> -> memref<128xi32, #tpu.memory_space<vmem>>
      %dma_wait3A_116 = tpu.memref_slice %arg3[%add3A_85] : memref<16384xi32, #tpu.memory_space<hbm>> -> memref<128xi32, #tpu.memory_space<hbm>>
      %dma_wait3A_117 = arith.constant 0 : i32
      %dma_wait3A_118 = tpu.memref_slice %arg15[%dma_wait3A_117] : memref<8192xi32, #tpu.memory_space<vmem>> -> memref<128xi32, #tpu.memory_space<vmem>>
      %dma_wait3A_119 = tpu.memref_slice %arg3[%add3A_85] : memref<16384xi32, #tpu.memory_space<hbm>> -> memref<128xi32, #tpu.memory_space<hbm>>
      tpu.wait_dma2 semaphore(%run_scoped3A : memref<!tpu.dma_semaphore, #tpu.memory_space<semaphore_mem>>) src(%dma_wait3A_119 : memref<128xi32, #tpu.memory_space<hbm>>) dst(%dma_wait3A_118 : memref<128xi32, #tpu.memory_space<vmem>>)
      tpu.yield
    }) : () -> ()
    %dma_start3A_86 = arith.constant 0 : i32
    %dma_start3A_87 = tpu.memref_slice %arg15[%dma_start3A_86] : memref<8192xi32, #tpu.memory_space<vmem>> -> memref<128xi32, #tpu.memory_space<vmem>>
    %dma_start3A_88 = arith.constant 0 : i32
    %dma_start3A_89 = arith.constant 0 : i32
    %dma_start3A_90 = tpu.memref_slice %arg10[%dma_start3A_88, %dma_start3A_89] : memref<100000x128xf32, #tpu.memory_space<hbm>> -> memref<100000x128xf32, #tpu.memory_space<hbm>>
    tpu.enqueue_indirect_dma source(%dma_start3A_90 : memref<100000x128xf32, #tpu.memory_space<hbm>>) target(%arg23 : memref<128x128xf32, #tpu.memory_space<vmem>>) offsets(%dma_start3A_87 : memref<128xi32, #tpu.memory_space<vmem>>) semaphore(%arg28 : memref<!tpu.dma_semaphore, #tpu.memory_space<semaphore_mem>>)
    %dma_wait3A_91 = arith.constant 0 : i32
    %dma_wait3A_92 = tpu.memref_slice %arg15[%dma_wait3A_91] : memref<8192xi32, #tpu.memory_space<vmem>> -> memref<128xi32, #tpu.memory_space<vmem>>
    %dma_wait3A_93 = arith.constant 0 : i32
    %dma_wait3A_94 = arith.constant 0 : i32
    %dma_wait3A_95 = tpu.memref_slice %arg10[%dma_wait3A_93, %dma_wait3A_94] : memref<100000x128xf32, #tpu.memory_space<hbm>> -> memref<100000x128xf32, #tpu.memory_space<hbm>>
    tpu.wait_indirect_dma semaphore(%arg28 : memref<!tpu.dma_semaphore, #tpu.memory_space<semaphore_mem>>) src(%dma_wait3A_95 : memref<100000x128xf32, #tpu.memory_space<hbm>>) dst(%arg23 : memref<128x128xf32, #tpu.memory_space<vmem>>)
    "tpu.region"() ({
      %run_scoped3A = tpu.sem_alloc : memref<!tpu.dma_semaphore, #tpu.memory_space<semaphore_mem>>
      %dma_start3A_108 = arith.constant 0 : i32
      %dma_start3A_109 = tpu.memref_slice %arg14[%add3A_85, %dma_start3A_108] : memref<16384x128xf32, #tpu.memory_space<hbm>> -> memref<128x128xf32, #tpu.memory_space<hbm>>
      %dma_start3A_110 = arith.constant 0 : i32
      %dma_start3A_111 = tpu.memref_slice %arg14[%add3A_85, %dma_start3A_110] : memref<16384x128xf32, #tpu.memory_space<hbm>> -> memref<128x128xf32, #tpu.memory_space<hbm>>
      tpu.enqueue_dma source(%arg23 : memref<128x128xf32, #tpu.memory_space<vmem>>) target(%dma_start3A_111 : memref<128x128xf32, #tpu.memory_space<hbm>>) target_semaphore(%run_scoped3A : memref<!tpu.dma_semaphore, #tpu.memory_space<semaphore_mem>>)
      %dma_wait3A_112 = arith.constant 0 : i32
      %dma_wait3A_113 = tpu.memref_slice %arg14[%add3A_85, %dma_wait3A_112] : memref<16384x128xf32, #tpu.memory_space<hbm>> -> memref<128x128xf32, #tpu.memory_space<hbm>>
      %dma_wait3A_114 = arith.constant 0 : i32
      %dma_wait3A_115 = tpu.memref_slice %arg14[%add3A_85, %dma_wait3A_114] : memref<16384x128xf32, #tpu.memory_space<hbm>> -> memref<128x128xf32, #tpu.memory_space<hbm>>
      tpu.wait_dma2 semaphore(%run_scoped3A : memref<!tpu.dma_semaphore, #tpu.memory_space<semaphore_mem>>) src(%arg23 : memref<128x128xf32, #tpu.memory_space<vmem>>) dst(%dma_wait3A_115 : memref<128x128xf32, #tpu.memory_space<hbm>>)
      tpu.yield
    }) : () -> ()
    %add3A_96 = arith.constant 384 : i32
    %add3A_97 = arith.addi %mul3A_59, %add3A_96 : i32
    "tpu.region"() ({
      %run_scoped3A = tpu.sem_alloc : memref<!tpu.dma_semaphore, #tpu.memory_space<semaphore_mem>>
      %dma_start3A_108 = arith.constant 0 : i32
      %dma_start3A_109 = tpu.memref_slice %arg15[%dma_start3A_108] : memref<8192xi32, #tpu.memory_space<vmem>> -> memref<128xi32, #tpu.memory_space<vmem>>
      %dma_start3A_110 = tpu.memref_slice %arg3[%add3A_97] : memref<16384xi32, #tpu.memory_space<hbm>> -> memref<128xi32, #tpu.memory_space<hbm>>
      %dma_start3A_111 = arith.constant 0 : i32
      %dma_start3A_112 = tpu.memref_slice %arg15[%dma_start3A_111] : memref<8192xi32, #tpu.memory_space<vmem>> -> memref<128xi32, #tpu.memory_space<vmem>>
      %dma_start3A_113 = tpu.memref_slice %arg3[%add3A_97] : memref<16384xi32, #tpu.memory_space<hbm>> -> memref<128xi32, #tpu.memory_space<hbm>>
      tpu.enqueue_dma source(%dma_start3A_113 : memref<128xi32, #tpu.memory_space<hbm>>) target(%dma_start3A_112 : memref<128xi32, #tpu.memory_space<vmem>>) target_semaphore(%run_scoped3A : memref<!tpu.dma_semaphore, #tpu.memory_space<semaphore_mem>>)
      %dma_wait3A_114 = arith.constant 0 : i32
      %dma_wait3A_115 = tpu.memref_slice %arg15[%dma_wait3A_114] : memref<8192xi32, #tpu.memory_space<vmem>> -> memref<128xi32, #tpu.memory_space<vmem>>
      %dma_wait3A_116 = tpu.memref_slice %arg3[%add3A_97] : memref<16384xi32, #tpu.memory_space<hbm>> -> memref<128xi32, #tpu.memory_space<hbm>>
      %dma_wait3A_117 = arith.constant 0 : i32
      %dma_wait3A_118 = tpu.memref_slice %arg15[%dma_wait3A_117] : memref<8192xi32, #tpu.memory_space<vmem>> -> memref<128xi32, #tpu.memory_space<vmem>>
      %dma_wait3A_119 = tpu.memref_slice %arg3[%add3A_97] : memref<16384xi32, #tpu.memory_space<hbm>> -> memref<128xi32, #tpu.memory_space<hbm>>
      tpu.wait_dma2 semaphore(%run_scoped3A : memref<!tpu.dma_semaphore, #tpu.memory_space<semaphore_mem>>) src(%dma_wait3A_119 : memref<128xi32, #tpu.memory_space<hbm>>) dst(%dma_wait3A_118 : memref<128xi32, #tpu.memory_space<vmem>>)
      tpu.yield
    }) : () -> ()
    %dma_start3A_98 = arith.constant 0 : i32
    %dma_start3A_99 = tpu.memref_slice %arg15[%dma_start3A_98] : memref<8192xi32, #tpu.memory_space<vmem>> -> memref<128xi32, #tpu.memory_space<vmem>>
    %dma_start3A_100 = arith.constant 0 : i32
    %dma_start3A_101 = arith.constant 0 : i32
    %dma_start3A_102 = tpu.memref_slice %arg10[%dma_start3A_100, %dma_start3A_101] : memref<100000x128xf32, #tpu.memory_space<hbm>> -> memref<100000x128xf32, #tpu.memory_space<hbm>>
    tpu.enqueue_indirect_dma source(%dma_start3A_102 : memref<100000x128xf32, #tpu.memory_space<hbm>>) target(%arg23 : memref<128x128xf32, #tpu.memory_space<vmem>>) offsets(%dma_start3A_99 : memref<128xi32, #tpu.memory_space<vmem>>) semaphore(%arg29 : memref<!tpu.dma_semaphore, #tpu.memory_space<semaphore_mem>>)
    %dma_wait3A_103 = arith.constant 0 : i32
    %dma_wait3A_104 = tpu.memref_slice %arg15[%dma_wait3A_103] : memref<8192xi32, #tpu.memory_space<vmem>> -> memref<128xi32, #tpu.memory_space<vmem>>
    %dma_wait3A_105 = arith.constant 0 : i32
    %dma_wait3A_106 = arith.constant 0 : i32
    %dma_wait3A_107 = tpu.memref_slice %arg10[%dma_wait3A_105, %dma_wait3A_106] : memref<100000x128xf32, #tpu.memory_space<hbm>> -> memref<100000x128xf32, #tpu.memory_space<hbm>>
    tpu.wait_indirect_dma semaphore(%arg29 : memref<!tpu.dma_semaphore, #tpu.memory_space<semaphore_mem>>) src(%dma_wait3A_107 : memref<100000x128xf32, #tpu.memory_space<hbm>>) dst(%arg23 : memref<128x128xf32, #tpu.memory_space<vmem>>)
    "tpu.region"() ({
      %run_scoped3A = tpu.sem_alloc : memref<!tpu.dma_semaphore, #tpu.memory_space<semaphore_mem>>
      %dma_start3A_108 = arith.constant 0 : i32
      %dma_start3A_109 = tpu.memref_slice %arg14[%add3A_97, %dma_start3A_108] : memref<16384x128xf32, #tpu.memory_space<hbm>> -> memref<128x128xf32, #tpu.memory_space<hbm>>
      %dma_start3A_110 = arith.constant 0 : i32
      %dma_start3A_111 = tpu.memref_slice %arg14[%add3A_97, %dma_start3A_110] : memref<16384x128xf32, #tpu.memory_space<hbm>> -> memref<128x128xf32, #tpu.memory_space<hbm>>
      tpu.enqueue_dma source(%arg23 : memref<128x128xf32, #tpu.memory_space<vmem>>) target(%dma_start3A_111 : memref<128x128xf32, #tpu.memory_space<hbm>>) target_semaphore(%run_scoped3A : memref<!tpu.dma_semaphore, #tpu.memory_space<semaphore_mem>>)
      %dma_wait3A_112 = arith.constant 0 : i32
      %dma_wait3A_113 = tpu.memref_slice %arg14[%add3A_97, %dma_wait3A_112] : memref<16384x128xf32, #tpu.memory_space<hbm>> -> memref<128x128xf32, #tpu.memory_space<hbm>>
      %dma_wait3A_114 = arith.constant 0 : i32
      %dma_wait3A_115 = tpu.memref_slice %arg14[%add3A_97, %dma_wait3A_114] : memref<16384x128xf32, #tpu.memory_space<hbm>> -> memref<128x128xf32, #tpu.memory_space<hbm>>
      tpu.wait_dma2 semaphore(%run_scoped3A : memref<!tpu.dma_semaphore, #tpu.memory_space<semaphore_mem>>) src(%arg23 : memref<128x128xf32, #tpu.memory_space<vmem>>) dst(%dma_wait3A_115 : memref<128x128xf32, #tpu.memory_space<hbm>>)
      tpu.yield
    }) : () -> ()
    return
  }
}

module attributes {stable_mosaic.version = 14 : i64} {
  func.func @_precompute_body(%arg0: i32, %arg1: memref<4096x128xf32, #tpu.memory_space<vmem>>, %arg2: memref<4096x128xf32, #tpu.memory_space<vmem>>, %arg3: memref<128x128xf32, #tpu.memory_space<vmem>>, %arg4: memref<128x128xf32, #tpu.memory_space<vmem>>, %arg5: memref<4096x128xf32, #tpu.memory_space<vmem>>, %arg6: memref<4096x128xf32, #tpu.memory_space<vmem>>) attributes {dimension_semantics = [#tpu.dimension_semantics<arbitrary>], iteration_bounds = array<i64: 25>, scalar_prefetch = 0 : i64, scratch_operands = 0 : i64, tpu.core_type = #tpu.core_type<tc>, window_params = [{transform_indices = @transform_0, window_bounds = array<i64: 4096, 128>}, {transform_indices = @transform_1, window_bounds = array<i64: 4096, 128>}, {pipeline_mode = #tpu.pipeline_mode<synchronous>, transform_indices = @transform_2, window_bounds = array<i64: 128, 128>}, {pipeline_mode = #tpu.pipeline_mode<synchronous>, transform_indices = @transform_3, window_bounds = array<i64: 128, 128>}, {transform_indices = @transform_4, window_bounds = array<i64: 4096, 128>}, {transform_indices = @transform_5, window_bounds = array<i64: 4096, 128>}]} {
    %get3A = arith.constant 0 : index
    %get3A_0 = arith.constant 0 : index
    %get3A_1 = vector.load %arg1[%get3A, %get3A_0] : memref<4096x128xf32, #tpu.memory_space<vmem>>, vector<4096x128xf32>
    %get3A_2 = arith.constant 0 : index
    %get3A_3 = arith.constant 0 : index
    %get3A_4 = vector.load %arg3[%get3A_2, %get3A_3] : memref<128x128xf32, #tpu.memory_space<vmem>>, vector<128x128xf32>
    %dot_general3A = arith.constant dense<0.000000e+00> : vector<4096x128xf32>
    %dot_general3A_5 = tpu.matmul %get3A_1, %get3A_4, %dot_general3A {dimension_numbers = #tpu.dot_dimension_numbers<[1], [1], [0], [0], [0, 0, 1, 0], [], []>, transpose_lhs_hint = false} : vector<4096x128xf32>, vector<128x128xf32>, vector<4096x128xf32> -> vector<4096x128xf32>
    %swap3A = arith.constant 0 : index
    %swap3A_6 = arith.constant 0 : index
    %swap3A_7 = vector.load %arg5[%swap3A, %swap3A_6] : memref<4096x128xf32, #tpu.memory_space<vmem>>, vector<4096x128xf32>
    tpu.vector_store %arg5[%swap3A, %swap3A_6], %dot_general3A_5 {strides = array<i32>} : memref<4096x128xf32, #tpu.memory_space<vmem>>, vector<4096x128xf32>,
    %get3A_8 = arith.constant 0 : index
    %get3A_9 = arith.constant 0 : index
    %get3A_10 = vector.load %arg2[%get3A_8, %get3A_9] : memref<4096x128xf32, #tpu.memory_space<vmem>>, vector<4096x128xf32>
    %get3A_11 = arith.constant 0 : index
    %get3A_12 = arith.constant 0 : index
    %get3A_13 = vector.load %arg4[%get3A_11, %get3A_12] : memref<128x128xf32, #tpu.memory_space<vmem>>, vector<128x128xf32>
    %dot_general3A_14 = arith.constant dense<0.000000e+00> : vector<4096x128xf32>
    %dot_general3A_15 = tpu.matmul %get3A_10, %get3A_13, %dot_general3A_14 {dimension_numbers = #tpu.dot_dimension_numbers<[1], [1], [0], [0], [0, 0, 1, 0], [], []>, transpose_lhs_hint = false} : vector<4096x128xf32>, vector<128x128xf32>, vector<4096x128xf32> -> vector<4096x128xf32>
    %swap3A_16 = arith.constant 0 : index
    %swap3A_17 = arith.constant 0 : index
    %swap3A_18 = vector.load %arg6[%swap3A_16, %swap3A_17] : memref<4096x128xf32, #tpu.memory_space<vmem>>, vector<4096x128xf32>
    tpu.vector_store %arg6[%swap3A_16, %swap3A_17], %dot_general3A_15 {strides = array<i32>} : memref<4096x128xf32, #tpu.memory_space<vmem>>, vector<4096x128xf32>,
    return
  }
  func.func @transform_0(%arg0: i32) -> (i32, i32) {
    %c0_i32 = arith.constant 0 : i32
    %c0_i32_0 = arith.constant 0 : i32
    return %arg0, %c0_i32 : i32, i32
  }
  func.func @transform_1(%arg0: i32) -> (i32, i32) {
    %c0_i32 = arith.constant 0 : i32
    %c0_i32_0 = arith.constant 0 : i32
    return %arg0, %c0_i32 : i32, i32
  }
  func.func @transform_2(%arg0: i32) -> (i32, i32) {
    %c0_i32 = arith.constant 0 : i32
    %c0_i32_0 = arith.constant 0 : i32
    %c0_i32_1 = arith.constant 0 : i32
    return %c0_i32, %c0_i32_0 : i32, i32
  }
  func.func @transform_3(%arg0: i32) -> (i32, i32) {
    %c0_i32 = arith.constant 0 : i32
    %c0_i32_0 = arith.constant 0 : i32
    %c0_i32_1 = arith.constant 0 : i32
    return %c0_i32, %c0_i32_0 : i32, i32
  }
  func.func @transform_4(%arg0: i32) -> (i32, i32) {
    %c0_i32 = arith.constant 0 : i32
    %c0_i32_0 = arith.constant 0 : i32
    return %arg0, %c0_i32 : i32, i32
  }
  func.func @transform_5(%arg0: i32) -> (i32, i32) {
    %c0_i32 = arith.constant 0 : i32
    %c0_i32_0 = arith.constant 0 : i32
    return %arg0, %c0_i32 : i32, i32
  }
}

module attributes {stable_mosaic.version = 14 : i64} {
  func.func @_finish_body(%arg0: i32, %arg1: memref<4096x128xf32, #tpu.memory_space<vmem>>, %arg2: memref<32x128xf32, #tpu.memory_space<vmem>>, %arg3: memref<32x128xf32, #tpu.memory_space<vmem>>, %arg4: memref<256x128xf32, #tpu.memory_space<vmem>>, %arg5: memref<2x128xf32, #tpu.memory_space<vmem>>, %arg6: memref<1x128xf32, #tpu.memory_space<vmem>>, %arg7: memref<128x128xf32, #tpu.memory_space<vmem>>, %arg8: memref<1x128xf32, #tpu.memory_space<vmem>>, %arg9: memref<128x128xf32, #tpu.memory_space<vmem>>, %arg10: memref<128x128xf32, #tpu.memory_space<vmem>>, %arg11: memref<256x128xf32, #tpu.memory_space<vmem>>) attributes {dimension_semantics = [#tpu.dimension_semantics<arbitrary>], iteration_bounds = array<i64: 64>, scalar_prefetch = 0 : i64, scratch_operands = 0 : i64, tpu.core_type = #tpu.core_type<tc>, window_params = [{transform_indices = @transform_0, window_bounds = array<i64: 4096, 128>}, {transform_indices = @transform_1, window_bounds = array<i64: 32, 128>}, {transform_indices = @transform_2, window_bounds = array<i64: 32, 128>}, {transform_indices = @transform_3, window_bounds = array<i64: 256, 128>}, {pipeline_mode = #tpu.pipeline_mode<synchronous>, transform_indices = @transform_4, window_bounds = array<i64: 2, 128>}, {pipeline_mode = #tpu.pipeline_mode<synchronous>, transform_indices = @transform_5, window_bounds = array<i64: 1, 128>}, {pipeline_mode = #tpu.pipeline_mode<synchronous>, transform_indices = @transform_6, window_bounds = array<i64: 128, 128>}, {pipeline_mode = #tpu.pipeline_mode<synchronous>, transform_indices = @transform_7, window_bounds = array<i64: 1, 128>}, {pipeline_mode = #tpu.pipeline_mode<synchronous>, transform_indices = @transform_8, window_bounds = array<i64: 128, 128>}, {pipeline_mode = #tpu.pipeline_mode<synchronous>, transform_indices = @transform_9, window_bounds = array<i64: 128, 128>}, {transform_indices = @transform_10, window_bounds = array<i64: 256, 128>}]} {
    %get3A = arith.constant 0 : index
    %get3A_0 = arith.constant 0 : index
    %get3A_1 = vector.load %arg2[%get3A, %get3A_0] : memref<32x128xf32, #tpu.memory_space<vmem>>, vector<32x128xf32>
    %transpose3A = tpu.transpose %get3A_1, [1, 0] : vector<32x128xf32> -> vector<128x32xf32>
    %mul3A = arith.constant 1.15740741E-5 : f32
    %mul3A_2 = vector.broadcast %mul3A : f32 to vector<128x32xf32>
    %mul3A_3 = arith.mulf %transpose3A, %mul3A_2 : vector<128x32xf32>
    %get3A_4 = arith.constant 0 : index
    %get3A_5 = arith.constant 0 : index
    %get3A_6 = vector.load %arg3[%get3A_4, %get3A_5] : memref<32x128xf32, #tpu.memory_space<vmem>>, vector<32x128xf32>
    %transpose3A_7 = tpu.transpose %get3A_6, [1, 0] : vector<32x128xf32> -> vector<128x32xf32>
    %log1p3A = math.log1p %transpose3A_7 : vector<128x32xf32>
    %get3A_8 = arith.constant 0 : index
    %get3A_9 = arith.constant 0 : index
    %get3A_10 = vector.load %arg5[%get3A_8, %get3A_9] : memref<2x128xf32, #tpu.memory_space<vmem>>, vector<1x128xf32>
    %get3A_11 = arith.constant 1 : index
    %get3A_12 = arith.constant 0 : index
    %get3A_13 = vector.load %arg5[%get3A_11, %get3A_12] : memref<2x128xf32, #tpu.memory_space<vmem>>, vector<1x128xf32>
    %get3A_14 = arith.constant 0 : index
    %get3A_15 = arith.constant 0 : index
    %get3A_16 = vector.load %arg6[%get3A_14, %get3A_15] : memref<1x128xf32, #tpu.memory_space<vmem>>, vector<1x128xf32>
    %slice3A = vector.extract_strided_slice %mul3A_3 {offsets = [0, 0], sizes = [128, 1], strides = [1, 1]} : vector<128x32xf32> to vector<128x1xf32>
    %mul3A_17 = vector.broadcast %slice3A : vector<128x1xf32> to vector<128x128xf32>
    %mul3A_18 = vector.broadcast %get3A_10 : vector<1x128xf32> to vector<128x128xf32>
    %mul3A_19 = arith.mulf %mul3A_17, %mul3A_18 : vector<128x128xf32>
    %slice3A_20 = vector.extract_strided_slice %log1p3A {offsets = [0, 0], sizes = [128, 1], strides = [1, 1]} : vector<128x32xf32> to vector<128x1xf32>
    %mul3A_21 = vector.broadcast %slice3A_20 : vector<128x1xf32> to vector<128x128xf32>
    %mul3A_22 = vector.broadcast %get3A_13 : vector<1x128xf32> to vector<128x128xf32>
    %mul3A_23 = arith.mulf %mul3A_21, %mul3A_22 : vector<128x128xf32>
    %add3A = arith.addf %mul3A_19, %mul3A_23 : vector<128x128xf32>
    %add3A_24 = vector.broadcast %get3A_16 : vector<1x128xf32> to vector<128x128xf32>
    %add3A_25 = arith.addf %add3A, %add3A_24 : vector<128x128xf32>
    %max3A = arith.constant 0.000000e+00 : f32
    %max3A_26 = vector.broadcast %max3A : f32 to vector<128x128xf32>
    %max3A_27 = arith.maximumf %add3A_25, %max3A_26 : vector<128x128xf32>
    %slice3A_28 = vector.extract_strided_slice %mul3A_3 {offsets = [0, 1], sizes = [128, 1], strides = [1, 1]} : vector<128x32xf32> to vector<128x1xf32>
    %mul3A_29 = vector.broadcast %slice3A_28 : vector<128x1xf32> to vector<128x128xf32>
    %mul3A_30 = vector.broadcast %get3A_10 : vector<1x128xf32> to vector<128x128xf32>
    %mul3A_31 = arith.mulf %mul3A_29, %mul3A_30 : vector<128x128xf32>
    %slice3A_32 = vector.extract_strided_slice %log1p3A {offsets = [0, 1], sizes = [128, 1], strides = [1, 1]} : vector<128x32xf32> to vector<128x1xf32>
    %mul3A_33 = vector.broadcast %slice3A_32 : vector<128x1xf32> to vector<128x128xf32>
    %mul3A_34 = vector.broadcast %get3A_13 : vector<1x128xf32> to vector<128x128xf32>
    %mul3A_35 = arith.mulf %mul3A_33, %mul3A_34 : vector<128x128xf32>
    %add3A_36 = arith.addf %mul3A_31, %mul3A_35 : vector<128x128xf32>
    %add3A_37 = vector.broadcast %get3A_16 : vector<1x128xf32> to vector<128x128xf32>
    %add3A_38 = arith.addf %add3A_36, %add3A_37 : vector<128x128xf32>
    %max3A_39 = arith.constant 0.000000e+00 : f32
    %max3A_40 = vector.broadcast %max3A_39 : f32 to vector<128x128xf32>
    %max3A_41 = arith.maximumf %add3A_38, %max3A_40 : vector<128x128xf32>
    %slice3A_42 = vector.extract_strided_slice %mul3A_3 {offsets = [0, 2], sizes = [128, 1], strides = [1, 1]} : vector<128x32xf32> to vector<128x1xf32>
    %mul3A_43 = vector.broadcast %slice3A_42 : vector<128x1xf32> to vector<128x128xf32>
    %mul3A_44 = vector.broadcast %get3A_10 : vector<1x128xf32> to vector<128x128xf32>
    %mul3A_45 = arith.mulf %mul3A_43, %mul3A_44 : vector<128x128xf32>
    %slice3A_46 = vector.extract_strided_slice %log1p3A {offsets = [0, 2], sizes = [128, 1], strides = [1, 1]} : vector<128x32xf32> to vector<128x1xf32>
    %mul3A_47 = vector.broadcast %slice3A_46 : vector<128x1xf32> to vector<128x128xf32>
    %mul3A_48 = vector.broadcast %get3A_13 : vector<1x128xf32> to vector<128x128xf32>
    %mul3A_49 = arith.mulf %mul3A_47, %mul3A_48 : vector<128x128xf32>
    %add3A_50 = arith.addf %mul3A_45, %mul3A_49 : vector<128x128xf32>
    %add3A_51 = vector.broadcast %get3A_16 : vector<1x128xf32> to vector<128x128xf32>
    %add3A_52 = arith.addf %add3A_50, %add3A_51 : vector<128x128xf32>
    %max3A_53 = arith.constant 0.000000e+00 : f32
    %max3A_54 = vector.broadcast %max3A_53 : f32 to vector<128x128xf32>
    %max3A_55 = arith.maximumf %add3A_52, %max3A_54 : vector<128x128xf32>
    %slice3A_56 = vector.extract_strided_slice %mul3A_3 {offsets = [0, 3], sizes = [128, 1], strides = [1, 1]} : vector<128x32xf32> to vector<128x1xf32>
    %mul3A_57 = vector.broadcast %slice3A_56 : vector<128x1xf32> to vector<128x128xf32>
    %mul3A_58 = vector.broadcast %get3A_10 : vector<1x128xf32> to vector<128x128xf32>
    %mul3A_59 = arith.mulf %mul3A_57, %mul3A_58 : vector<128x128xf32>
    %slice3A_60 = vector.extract_strided_slice %log1p3A {offsets = [0, 3], sizes = [128, 1], strides = [1, 1]} : vector<128x32xf32> to vector<128x1xf32>
    %mul3A_61 = vector.broadcast %slice3A_60 : vector<128x1xf32> to vector<128x128xf32>
    %mul3A_62 = vector.broadcast %get3A_13 : vector<1x128xf32> to vector<128x128xf32>
    %mul3A_63 = arith.mulf %mul3A_61, %mul3A_62 : vector<128x128xf32>
    %add3A_64 = arith.addf %mul3A_59, %mul3A_63 : vector<128x128xf32>
    %add3A_65 = vector.broadcast %get3A_16 : vector<1x128xf32> to vector<128x128xf32>
    %add3A_66 = arith.addf %add3A_64, %add3A_65 : vector<128x128xf32>
    %max3A_67 = arith.constant 0.000000e+00 : f32
    %max3A_68 = vector.broadcast %max3A_67 : f32 to vector<128x128xf32>
    %max3A_69 = arith.maximumf %add3A_66, %max3A_68 : vector<128x128xf32>
    %slice3A_70 = vector.extract_strided_slice %mul3A_3 {offsets = [0, 4], sizes = [128, 1], strides = [1, 1]} : vector<128x32xf32> to vector<128x1xf32>
    %mul3A_71 = vector.broadcast %slice3A_70 : vector<128x1xf32> to vector<128x128xf32>
    %mul3A_72 = vector.broadcast %get3A_10 : vector<1x128xf32> to vector<128x128xf32>
    %mul3A_73 = arith.mulf %mul3A_71, %mul3A_72 : vector<128x128xf32>
    %slice3A_74 = vector.extract_strided_slice %log1p3A {offsets = [0, 4], sizes = [128, 1], strides = [1, 1]} : vector<128x32xf32> to vector<128x1xf32>
    %mul3A_75 = vector.broadcast %slice3A_74 : vector<128x1xf32> to vector<128x128xf32>
    %mul3A_76 = vector.broadcast %get3A_13 : vector<1x128xf32> to vector<128x128xf32>
    %mul3A_77 = arith.mulf %mul3A_75, %mul3A_76 : vector<128x128xf32>
    %add3A_78 = arith.addf %mul3A_73, %mul3A_77 : vector<128x128xf32>
    %add3A_79 = vector.broadcast %get3A_16 : vector<1x128xf32> to vector<128x128xf32>
    %add3A_80 = arith.addf %add3A_78, %add3A_79 : vector<128x128xf32>
    %max3A_81 = arith.constant 0.000000e+00 : f32
    %max3A_82 = vector.broadcast %max3A_81 : f32 to vector<128x128xf32>
    %max3A_83 = arith.maximumf %add3A_80, %max3A_82 : vector<128x128xf32>
    %slice3A_84 = vector.extract_strided_slice %mul3A_3 {offsets = [0, 5], sizes = [128, 1], strides = [1, 1]} : vector<128x32xf32> to vector<128x1xf32>
    %mul3A_85 = vector.broadcast %slice3A_84 : vector<128x1xf32> to vector<128x128xf32>
    %mul3A_86 = vector.broadcast %get3A_10 : vector<1x128xf32> to vector<128x128xf32>
    %mul3A_87 = arith.mulf %mul3A_85, %mul3A_86 : vector<128x128xf32>
    %slice3A_88 = vector.extract_strided_slice %log1p3A {offsets = [0, 5], sizes = [128, 1], strides = [1, 1]} : vector<128x32xf32> to vector<128x1xf32>
    %mul3A_89 = vector.broadcast %slice3A_88 : vector<128x1xf32> to vector<128x128xf32>
    %mul3A_90 = vector.broadcast %get3A_13 : vector<1x128xf32> to vector<128x128xf32>
    %mul3A_91 = arith.mulf %mul3A_89, %mul3A_90 : vector<128x128xf32>
    %add3A_92 = arith.addf %mul3A_87, %mul3A_91 : vector<128x128xf32>
    %add3A_93 = vector.broadcast %get3A_16 : vector<1x128xf32> to vector<128x128xf32>
    %add3A_94 = arith.addf %add3A_92, %add3A_93 : vector<128x128xf32>
    %max3A_95 = arith.constant 0.000000e+00 : f32
    %max3A_96 = vector.broadcast %max3A_95 : f32 to vector<128x128xf32>
    %max3A_97 = arith.maximumf %add3A_94, %max3A_96 : vector<128x128xf32>
    %slice3A_98 = vector.extract_strided_slice %mul3A_3 {offsets = [0, 6], sizes = [128, 1], strides = [1, 1]} : vector<128x32xf32> to vector<128x1xf32>
    %mul3A_99 = vector.broadcast %slice3A_98 : vector<128x1xf32> to vector<128x128xf32>
    %mul3A_100 = vector.broadcast %get3A_10 : vector<1x128xf32> to vector<128x128xf32>
    %mul3A_101 = arith.mulf %mul3A_99, %mul3A_100 : vector<128x128xf32>
    %slice3A_102 = vector.extract_strided_slice %log1p3A {offsets = [0, 6], sizes = [128, 1], strides = [1, 1]} : vector<128x32xf32> to vector<128x1xf32>
    %mul3A_103 = vector.broadcast %slice3A_102 : vector<128x1xf32> to vector<128x128xf32>
    %mul3A_104 = vector.broadcast %get3A_13 : vector<1x128xf32> to vector<128x128xf32>
    %mul3A_105 = arith.mulf %mul3A_103, %mul3A_104 : vector<128x128xf32>
    %add3A_106 = arith.addf %mul3A_101, %mul3A_105 : vector<128x128xf32>
    %add3A_107 = vector.broadcast %get3A_16 : vector<1x128xf32> to vector<128x128xf32>
    %add3A_108 = arith.addf %add3A_106, %add3A_107 : vector<128x128xf32>
    %max3A_109 = arith.constant 0.000000e+00 : f32
    %max3A_110 = vector.broadcast %max3A_109 : f32 to vector<128x128xf32>
    %max3A_111 = arith.maximumf %add3A_108, %max3A_110 : vector<128x128xf32>
    %slice3A_112 = vector.extract_strided_slice %mul3A_3 {offsets = [0, 7], sizes = [128, 1], strides = [1, 1]} : vector<128x32xf32> to vector<128x1xf32>
    %mul3A_113 = vector.broadcast %slice3A_112 : vector<128x1xf32> to vector<128x128xf32>
    %mul3A_114 = vector.broadcast %get3A_10 : vector<1x128xf32> to vector<128x128xf32>
    %mul3A_115 = arith.mulf %mul3A_113, %mul3A_114 : vector<128x128xf32>
    %slice3A_116 = vector.extract_strided_slice %log1p3A {offsets = [0, 7], sizes = [128, 1], strides = [1, 1]} : vector<128x32xf32> to vector<128x1xf32>
    %mul3A_117 = vector.broadcast %slice3A_116 : vector<128x1xf32> to vector<128x128xf32>
    %mul3A_118 = vector.broadcast %get3A_13 : vector<1x128xf32> to vector<128x128xf32>
    %mul3A_119 = arith.mulf %mul3A_117, %mul3A_118 : vector<128x128xf32>
    %add3A_120 = arith.addf %mul3A_115, %mul3A_119 : vector<128x128xf32>
    %add3A_121 = vector.broadcast %get3A_16 : vector<1x128xf32> to vector<128x128xf32>
    %add3A_122 = arith.addf %add3A_120, %add3A_121 : vector<128x128xf32>
    %max3A_123 = arith.constant 0.000000e+00 : f32
    %max3A_124 = vector.broadcast %max3A_123 : f32 to vector<128x128xf32>
    %max3A_125 = arith.maximumf %add3A_122, %max3A_124 : vector<128x128xf32>
    %slice3A_126 = vector.extract_strided_slice %mul3A_3 {offsets = [0, 8], sizes = [128, 1], strides = [1, 1]} : vector<128x32xf32> to vector<128x1xf32>
    %mul3A_127 = vector.broadcast %slice3A_126 : vector<128x1xf32> to vector<128x128xf32>
    %mul3A_128 = vector.broadcast %get3A_10 : vector<1x128xf32> to vector<128x128xf32>
    %mul3A_129 = arith.mulf %mul3A_127, %mul3A_128 : vector<128x128xf32>
    %slice3A_130 = vector.extract_strided_slice %log1p3A {offsets = [0, 8], sizes = [128, 1], strides = [1, 1]} : vector<128x32xf32> to vector<128x1xf32>
    %mul3A_131 = vector.broadcast %slice3A_130 : vector<128x1xf32> to vector<128x128xf32>
    %mul3A_132 = vector.broadcast %get3A_13 : vector<1x128xf32> to vector<128x128xf32>
    %mul3A_133 = arith.mulf %mul3A_131, %mul3A_132 : vector<128x128xf32>
    %add3A_134 = arith.addf %mul3A_129, %mul3A_133 : vector<128x128xf32>
    %add3A_135 = vector.broadcast %get3A_16 : vector<1x128xf32> to vector<128x128xf32>
    %add3A_136 = arith.addf %add3A_134, %add3A_135 : vector<128x128xf32>
    %max3A_137 = arith.constant 0.000000e+00 : f32
    %max3A_138 = vector.broadcast %max3A_137 : f32 to vector<128x128xf32>
    %max3A_139 = arith.maximumf %add3A_136, %max3A_138 : vector<128x128xf32>
    %slice3A_140 = vector.extract_strided_slice %mul3A_3 {offsets = [0, 9], sizes = [128, 1], strides = [1, 1]} : vector<128x32xf32> to vector<128x1xf32>
    %mul3A_141 = vector.broadcast %slice3A_140 : vector<128x1xf32> to vector<128x128xf32>
    %mul3A_142 = vector.broadcast %get3A_10 : vector<1x128xf32> to vector<128x128xf32>
    %mul3A_143 = arith.mulf %mul3A_141, %mul3A_142 : vector<128x128xf32>
    %slice3A_144 = vector.extract_strided_slice %log1p3A {offsets = [0, 9], sizes = [128, 1], strides = [1, 1]} : vector<128x32xf32> to vector<128x1xf32>
    %mul3A_145 = vector.broadcast %slice3A_144 : vector<128x1xf32> to vector<128x128xf32>
    %mul3A_146 = vector.broadcast %get3A_13 : vector<1x128xf32> to vector<128x128xf32>
    %mul3A_147 = arith.mulf %mul3A_145, %mul3A_146 : vector<128x128xf32>
    %add3A_148 = arith.addf %mul3A_143, %mul3A_147 : vector<128x128xf32>
    %add3A_149 = vector.broadcast %get3A_16 : vector<1x128xf32> to vector<128x128xf32>
    %add3A_150 = arith.addf %add3A_148, %add3A_149 : vector<128x128xf32>
    %max3A_151 = arith.constant 0.000000e+00 : f32
    %max3A_152 = vector.broadcast %max3A_151 : f32 to vector<128x128xf32>
    %max3A_153 = arith.maximumf %add3A_150, %max3A_152 : vector<128x128xf32>
    %slice3A_154 = vector.extract_strided_slice %mul3A_3 {offsets = [0, 10], sizes = [128, 1], strides = [1, 1]} : vector<128x32xf32> to vector<128x1xf32>
    %mul3A_155 = vector.broadcast %slice3A_154 : vector<128x1xf32> to vector<128x128xf32>
    %mul3A_156 = vector.broadcast %get3A_10 : vector<1x128xf32> to vector<128x128xf32>
    %mul3A_157 = arith.mulf %mul3A_155, %mul3A_156 : vector<128x128xf32>
    %slice3A_158 = vector.extract_strided_slice %log1p3A {offsets = [0, 10], sizes = [128, 1], strides = [1, 1]} : vector<128x32xf32> to vector<128x1xf32>
    %mul3A_159 = vector.broadcast %slice3A_158 : vector<128x1xf32> to vector<128x128xf32>
    %mul3A_160 = vector.broadcast %get3A_13 : vector<1x128xf32> to vector<128x128xf32>
    %mul3A_161 = arith.mulf %mul3A_159, %mul3A_160 : vector<128x128xf32>
    %add3A_162 = arith.addf %mul3A_157, %mul3A_161 : vector<128x128xf32>
    %add3A_163 = vector.broadcast %get3A_16 : vector<1x128xf32> to vector<128x128xf32>
    %add3A_164 = arith.addf %add3A_162, %add3A_163 : vector<128x128xf32>
    %max3A_165 = arith.constant 0.000000e+00 : f32
    %max3A_166 = vector.broadcast %max3A_165 : f32 to vector<128x128xf32>
    %max3A_167 = arith.maximumf %add3A_164, %max3A_166 : vector<128x128xf32>
    %slice3A_168 = vector.extract_strided_slice %mul3A_3 {offsets = [0, 11], sizes = [128, 1], strides = [1, 1]} : vector<128x32xf32> to vector<128x1xf32>
    %mul3A_169 = vector.broadcast %slice3A_168 : vector<128x1xf32> to vector<128x128xf32>
    %mul3A_170 = vector.broadcast %get3A_10 : vector<1x128xf32> to vector<128x128xf32>
    %mul3A_171 = arith.mulf %mul3A_169, %mul3A_170 : vector<128x128xf32>
    %slice3A_172 = vector.extract_strided_slice %log1p3A {offsets = [0, 11], sizes = [128, 1], strides = [1, 1]} : vector<128x32xf32> to vector<128x1xf32>
    %mul3A_173 = vector.broadcast %slice3A_172 : vector<128x1xf32> to vector<128x128xf32>
    %mul3A_174 = vector.broadcast %get3A_13 : vector<1x128xf32> to vector<128x128xf32>
    %mul3A_175 = arith.mulf %mul3A_173, %mul3A_174 : vector<128x128xf32>
    %add3A_176 = arith.addf %mul3A_171, %mul3A_175 : vector<128x128xf32>
    %add3A_177 = vector.broadcast %get3A_16 : vector<1x128xf32> to vector<128x128xf32>
    %add3A_178 = arith.addf %add3A_176, %add3A_177 : vector<128x128xf32>
    %max3A_179 = arith.constant 0.000000e+00 : f32
    %max3A_180 = vector.broadcast %max3A_179 : f32 to vector<128x128xf32>
    %max3A_181 = arith.maximumf %add3A_178, %max3A_180 : vector<128x128xf32>
    %slice3A_182 = vector.extract_strided_slice %mul3A_3 {offsets = [0, 12], sizes = [128, 1], strides = [1, 1]} : vector<128x32xf32> to vector<128x1xf32>
    %mul3A_183 = vector.broadcast %slice3A_182 : vector<128x1xf32> to vector<128x128xf32>
    %mul3A_184 = vector.broadcast %get3A_10 : vector<1x128xf32> to vector<128x128xf32>
    %mul3A_185 = arith.mulf %mul3A_183, %mul3A_184 : vector<128x128xf32>
    %slice3A_186 = vector.extract_strided_slice %log1p3A {offsets = [0, 12], sizes = [128, 1], strides = [1, 1]} : vector<128x32xf32> to vector<128x1xf32>
    %mul3A_187 = vector.broadcast %slice3A_186 : vector<128x1xf32> to vector<128x128xf32>
    %mul3A_188 = vector.broadcast %get3A_13 : vector<1x128xf32> to vector<128x128xf32>
    %mul3A_189 = arith.mulf %mul3A_187, %mul3A_188 : vector<128x128xf32>
    %add3A_190 = arith.addf %mul3A_185, %mul3A_189 : vector<128x128xf32>
    %add3A_191 = vector.broadcast %get3A_16 : vector<1x128xf32> to vector<128x128xf32>
    %add3A_192 = arith.addf %add3A_190, %add3A_191 : vector<128x128xf32>
    %max3A_193 = arith.constant 0.000000e+00 : f32
    %max3A_194 = vector.broadcast %max3A_193 : f32 to vector<128x128xf32>
    %max3A_195 = arith.maximumf %add3A_192, %max3A_194 : vector<128x128xf32>
    %slice3A_196 = vector.extract_strided_slice %mul3A_3 {offsets = [0, 13], sizes = [128, 1], strides = [1, 1]} : vector<128x32xf32> to vector<128x1xf32>
    %mul3A_197 = vector.broadcast %slice3A_196 : vector<128x1xf32> to vector<128x128xf32>
    %mul3A_198 = vector.broadcast %get3A_10 : vector<1x128xf32> to vector<128x128xf32>
    %mul3A_199 = arith.mulf %mul3A_197, %mul3A_198 : vector<128x128xf32>
    %slice3A_200 = vector.extract_strided_slice %log1p3A {offsets = [0, 13], sizes = [128, 1], strides = [1, 1]} : vector<128x32xf32> to vector<128x1xf32>
    %mul3A_201 = vector.broadcast %slice3A_200 : vector<128x1xf32> to vector<128x128xf32>
    %mul3A_202 = vector.broadcast %get3A_13 : vector<1x128xf32> to vector<128x128xf32>
    %mul3A_203 = arith.mulf %mul3A_201, %mul3A_202 : vector<128x128xf32>
    %add3A_204 = arith.addf %mul3A_199, %mul3A_203 : vector<128x128xf32>
    %add3A_205 = vector.broadcast %get3A_16 : vector<1x128xf32> to vector<128x128xf32>
    %add3A_206 = arith.addf %add3A_204, %add3A_205 : vector<128x128xf32>
    %max3A_207 = arith.constant 0.000000e+00 : f32
    %max3A_208 = vector.broadcast %max3A_207 : f32 to vector<128x128xf32>
    %max3A_209 = arith.maximumf %add3A_206, %max3A_208 : vector<128x128xf32>
    %slice3A_210 = vector.extract_strided_slice %mul3A_3 {offsets = [0, 14], sizes = [128, 1], strides = [1, 1]} : vector<128x32xf32> to vector<128x1xf32>
    %mul3A_211 = vector.broadcast %slice3A_210 : vector<128x1xf32> to vector<128x128xf32>
    %mul3A_212 = vector.broadcast %get3A_10 : vector<1x128xf32> to vector<128x128xf32>
    %mul3A_213 = arith.mulf %mul3A_211, %mul3A_212 : vector<128x128xf32>
    %slice3A_214 = vector.extract_strided_slice %log1p3A {offsets = [0, 14], sizes = [128, 1], strides = [1, 1]} : vector<128x32xf32> to vector<128x1xf32>
    %mul3A_215 = vector.broadcast %slice3A_214 : vector<128x1xf32> to vector<128x128xf32>
    %mul3A_216 = vector.broadcast %get3A_13 : vector<1x128xf32> to vector<128x128xf32>
    %mul3A_217 = arith.mulf %mul3A_215, %mul3A_216 : vector<128x128xf32>
    %add3A_218 = arith.addf %mul3A_213, %mul3A_217 : vector<128x128xf32>
    %add3A_219 = vector.broadcast %get3A_16 : vector<1x128xf32> to vector<128x128xf32>
    %add3A_220 = arith.addf %add3A_218, %add3A_219 : vector<128x128xf32>
    %max3A_221 = arith.constant 0.000000e+00 : f32
    %max3A_222 = vector.broadcast %max3A_221 : f32 to vector<128x128xf32>
    %max3A_223 = arith.maximumf %add3A_220, %max3A_222 : vector<128x128xf32>
    %slice3A_224 = vector.extract_strided_slice %mul3A_3 {offsets = [0, 15], sizes = [128, 1], strides = [1, 1]} : vector<128x32xf32> to vector<128x1xf32>
    %mul3A_225 = vector.broadcast %slice3A_224 : vector<128x1xf32> to vector<128x128xf32>
    %mul3A_226 = vector.broadcast %get3A_10 : vector<1x128xf32> to vector<128x128xf32>
    %mul3A_227 = arith.mulf %mul3A_225, %mul3A_226 : vector<128x128xf32>
    %slice3A_228 = vector.extract_strided_slice %log1p3A {offsets = [0, 15], sizes = [128, 1], strides = [1, 1]} : vector<128x32xf32> to vector<128x1xf32>
    %mul3A_229 = vector.broadcast %slice3A_228 : vector<128x1xf32> to vector<128x128xf32>
    %mul3A_230 = vector.broadcast %get3A_13 : vector<1x128xf32> to vector<128x128xf32>
    %mul3A_231 = arith.mulf %mul3A_229, %mul3A_230 : vector<128x128xf32>
    %add3A_232 = arith.addf %mul3A_227, %mul3A_231 : vector<128x128xf32>
    %add3A_233 = vector.broadcast %get3A_16 : vector<1x128xf32> to vector<128x128xf32>
    %add3A_234 = arith.addf %add3A_232, %add3A_233 : vector<128x128xf32>
    %max3A_235 = arith.constant 0.000000e+00 : f32
    %max3A_236 = vector.broadcast %max3A_235 : f32 to vector<128x128xf32>
    %max3A_237 = arith.maximumf %add3A_234, %max3A_236 : vector<128x128xf32>
    %slice3A_238 = vector.extract_strided_slice %mul3A_3 {offsets = [0, 16], sizes = [128, 1], strides = [1, 1]} : vector<128x32xf32> to vector<128x1xf32>
    %mul3A_239 = vector.broadcast %slice3A_238 : vector<128x1xf32> to vector<128x128xf32>
    %mul3A_240 = vector.broadcast %get3A_10 : vector<1x128xf32> to vector<128x128xf32>
    %mul3A_241 = arith.mulf %mul3A_239, %mul3A_240 : vector<128x128xf32>
    %slice3A_242 = vector.extract_strided_slice %log1p3A {offsets = [0, 16], sizes = [128, 1], strides = [1, 1]} : vector<128x32xf32> to vector<128x1xf32>
    %mul3A_243 = vector.broadcast %slice3A_242 : vector<128x1xf32> to vector<128x128xf32>
    %mul3A_244 = vector.broadcast %get3A_13 : vector<1x128xf32> to vector<128x128xf32>
    %mul3A_245 = arith.mulf %mul3A_243, %mul3A_244 : vector<128x128xf32>
    %add3A_246 = arith.addf %mul3A_241, %mul3A_245 : vector<128x128xf32>
    %add3A_247 = vector.broadcast %get3A_16 : vector<1x128xf32> to vector<128x128xf32>
    %add3A_248 = arith.addf %add3A_246, %add3A_247 : vector<128x128xf32>
    %max3A_249 = arith.constant 0.000000e+00 : f32
    %max3A_250 = vector.broadcast %max3A_249 : f32 to vector<128x128xf32>
    %max3A_251 = arith.maximumf %add3A_248, %max3A_250 : vector<128x128xf32>
    %slice3A_252 = vector.extract_strided_slice %mul3A_3 {offsets = [0, 17], sizes = [128, 1], strides = [1, 1]} : vector<128x32xf32> to vector<128x1xf32>
    %mul3A_253 = vector.broadcast %slice3A_252 : vector<128x1xf32> to vector<128x128xf32>
    %mul3A_254 = vector.broadcast %get3A_10 : vector<1x128xf32> to vector<128x128xf32>
    %mul3A_255 = arith.mulf %mul3A_253, %mul3A_254 : vector<128x128xf32>
    %slice3A_256 = vector.extract_strided_slice %log1p3A {offsets = [0, 17], sizes = [128, 1], strides = [1, 1]} : vector<128x32xf32> to vector<128x1xf32>
    %mul3A_257 = vector.broadcast %slice3A_256 : vector<128x1xf32> to vector<128x128xf32>
    %mul3A_258 = vector.broadcast %get3A_13 : vector<1x128xf32> to vector<128x128xf32>
    %mul3A_259 = arith.mulf %mul3A_257, %mul3A_258 : vector<128x128xf32>
    %add3A_260 = arith.addf %mul3A_255, %mul3A_259 : vector<128x128xf32>
    %add3A_261 = vector.broadcast %get3A_16 : vector<1x128xf32> to vector<128x128xf32>
    %add3A_262 = arith.addf %add3A_260, %add3A_261 : vector<128x128xf32>
    %max3A_263 = arith.constant 0.000000e+00 : f32
    %max3A_264 = vector.broadcast %max3A_263 : f32 to vector<128x128xf32>
    %max3A_265 = arith.maximumf %add3A_262, %max3A_264 : vector<128x128xf32>
    %slice3A_266 = vector.extract_strided_slice %mul3A_3 {offsets = [0, 18], sizes = [128, 1], strides = [1, 1]} : vector<128x32xf32> to vector<128x1xf32>
    %mul3A_267 = vector.broadcast %slice3A_266 : vector<128x1xf32> to vector<128x128xf32>
    %mul3A_268 = vector.broadcast %get3A_10 : vector<1x128xf32> to vector<128x128xf32>
    %mul3A_269 = arith.mulf %mul3A_267, %mul3A_268 : vector<128x128xf32>
    %slice3A_270 = vector.extract_strided_slice %log1p3A {offsets = [0, 18], sizes = [128, 1], strides = [1, 1]} : vector<128x32xf32> to vector<128x1xf32>
    %mul3A_271 = vector.broadcast %slice3A_270 : vector<128x1xf32> to vector<128x128xf32>
    %mul3A_272 = vector.broadcast %get3A_13 : vector<1x128xf32> to vector<128x128xf32>
    %mul3A_273 = arith.mulf %mul3A_271, %mul3A_272 : vector<128x128xf32>
    %add3A_274 = arith.addf %mul3A_269, %mul3A_273 : vector<128x128xf32>
    %add3A_275 = vector.broadcast %get3A_16 : vector<1x128xf32> to vector<128x128xf32>
    %add3A_276 = arith.addf %add3A_274, %add3A_275 : vector<128x128xf32>
    %max3A_277 = arith.constant 0.000000e+00 : f32
    %max3A_278 = vector.broadcast %max3A_277 : f32 to vector<128x128xf32>
    %max3A_279 = arith.maximumf %add3A_276, %max3A_278 : vector<128x128xf32>
    %slice3A_280 = vector.extract_strided_slice %mul3A_3 {offsets = [0, 19], sizes = [128, 1], strides = [1, 1]} : vector<128x32xf32> to vector<128x1xf32>
    %mul3A_281 = vector.broadcast %slice3A_280 : vector<128x1xf32> to vector<128x128xf32>
    %mul3A_282 = vector.broadcast %get3A_10 : vector<1x128xf32> to vector<128x128xf32>
    %mul3A_283 = arith.mulf %mul3A_281, %mul3A_282 : vector<128x128xf32>
    %slice3A_284 = vector.extract_strided_slice %log1p3A {offsets = [0, 19], sizes = [128, 1], strides = [1, 1]} : vector<128x32xf32> to vector<128x1xf32>
    %mul3A_285 = vector.broadcast %slice3A_284 : vector<128x1xf32> to vector<128x128xf32>
    %mul3A_286 = vector.broadcast %get3A_13 : vector<1x128xf32> to vector<128x128xf32>
    %mul3A_287 = arith.mulf %mul3A_285, %mul3A_286 : vector<128x128xf32>
    %add3A_288 = arith.addf %mul3A_283, %mul3A_287 : vector<128x128xf32>
    %add3A_289 = vector.broadcast %get3A_16 : vector<1x128xf32> to vector<128x128xf32>
    %add3A_290 = arith.addf %add3A_288, %add3A_289 : vector<128x128xf32>
    %max3A_291 = arith.constant 0.000000e+00 : f32
    %max3A_292 = vector.broadcast %max3A_291 : f32 to vector<128x128xf32>
    %max3A_293 = arith.maximumf %add3A_290, %max3A_292 : vector<128x128xf32>
    %slice3A_294 = vector.extract_strided_slice %mul3A_3 {offsets = [0, 20], sizes = [128, 1], strides = [1, 1]} : vector<128x32xf32> to vector<128x1xf32>
    %mul3A_295 = vector.broadcast %slice3A_294 : vector<128x1xf32> to vector<128x128xf32>
    %mul3A_296 = vector.broadcast %get3A_10 : vector<1x128xf32> to vector<128x128xf32>
    %mul3A_297 = arith.mulf %mul3A_295, %mul3A_296 : vector<128x128xf32>
    %slice3A_298 = vector.extract_strided_slice %log1p3A {offsets = [0, 20], sizes = [128, 1], strides = [1, 1]} : vector<128x32xf32> to vector<128x1xf32>
    %mul3A_299 = vector.broadcast %slice3A_298 : vector<128x1xf32> to vector<128x128xf32>
    %mul3A_300 = vector.broadcast %get3A_13 : vector<1x128xf32> to vector<128x128xf32>
    %mul3A_301 = arith.mulf %mul3A_299, %mul3A_300 : vector<128x128xf32>
    %add3A_302 = arith.addf %mul3A_297, %mul3A_301 : vector<128x128xf32>
    %add3A_303 = vector.broadcast %get3A_16 : vector<1x128xf32> to vector<128x128xf32>
    %add3A_304 = arith.addf %add3A_302, %add3A_303 : vector<128x128xf32>
    %max3A_305 = arith.constant 0.000000e+00 : f32
    %max3A_306 = vector.broadcast %max3A_305 : f32 to vector<128x128xf32>
    %max3A_307 = arith.maximumf %add3A_304, %max3A_306 : vector<128x128xf32>
    %slice3A_308 = vector.extract_strided_slice %mul3A_3 {offsets = [0, 21], sizes = [128, 1], strides = [1, 1]} : vector<128x32xf32> to vector<128x1xf32>
    %mul3A_309 = vector.broadcast %slice3A_308 : vector<128x1xf32> to vector<128x128xf32>
    %mul3A_310 = vector.broadcast %get3A_10 : vector<1x128xf32> to vector<128x128xf32>
    %mul3A_311 = arith.mulf %mul3A_309, %mul3A_310 : vector<128x128xf32>
    %slice3A_312 = vector.extract_strided_slice %log1p3A {offsets = [0, 21], sizes = [128, 1], strides = [1, 1]} : vector<128x32xf32> to vector<128x1xf32>
    %mul3A_313 = vector.broadcast %slice3A_312 : vector<128x1xf32> to vector<128x128xf32>
    %mul3A_314 = vector.broadcast %get3A_13 : vector<1x128xf32> to vector<128x128xf32>
    %mul3A_315 = arith.mulf %mul3A_313, %mul3A_314 : vector<128x128xf32>
    %add3A_316 = arith.addf %mul3A_311, %mul3A_315 : vector<128x128xf32>
    %add3A_317 = vector.broadcast %get3A_16 : vector<1x128xf32> to vector<128x128xf32>
    %add3A_318 = arith.addf %add3A_316, %add3A_317 : vector<128x128xf32>
    %max3A_319 = arith.constant 0.000000e+00 : f32
    %max3A_320 = vector.broadcast %max3A_319 : f32 to vector<128x128xf32>
    %max3A_321 = arith.maximumf %add3A_318, %max3A_320 : vector<128x128xf32>
    %slice3A_322 = vector.extract_strided_slice %mul3A_3 {offsets = [0, 22], sizes = [128, 1], strides = [1, 1]} : vector<128x32xf32> to vector<128x1xf32>
    %mul3A_323 = vector.broadcast %slice3A_322 : vector<128x1xf32> to vector<128x128xf32>
    %mul3A_324 = vector.broadcast %get3A_10 : vector<1x128xf32> to vector<128x128xf32>
    %mul3A_325 = arith.mulf %mul3A_323, %mul3A_324 : vector<128x128xf32>
    %slice3A_326 = vector.extract_strided_slice %log1p3A {offsets = [0, 22], sizes = [128, 1], strides = [1, 1]} : vector<128x32xf32> to vector<128x1xf32>
    %mul3A_327 = vector.broadcast %slice3A_326 : vector<128x1xf32> to vector<128x128xf32>
    %mul3A_328 = vector.broadcast %get3A_13 : vector<1x128xf32> to vector<128x128xf32>
    %mul3A_329 = arith.mulf %mul3A_327, %mul3A_328 : vector<128x128xf32>
    %add3A_330 = arith.addf %mul3A_325, %mul3A_329 : vector<128x128xf32>
    %add3A_331 = vector.broadcast %get3A_16 : vector<1x128xf32> to vector<128x128xf32>
    %add3A_332 = arith.addf %add3A_330, %add3A_331 : vector<128x128xf32>
    %max3A_333 = arith.constant 0.000000e+00 : f32
    %max3A_334 = vector.broadcast %max3A_333 : f32 to vector<128x128xf32>
    %max3A_335 = arith.maximumf %add3A_332, %max3A_334 : vector<128x128xf32>
    %slice3A_336 = vector.extract_strided_slice %mul3A_3 {offsets = [0, 23], sizes = [128, 1], strides = [1, 1]} : vector<128x32xf32> to vector<128x1xf32>
    %mul3A_337 = vector.broadcast %slice3A_336 : vector<128x1xf32> to vector<128x128xf32>
    %mul3A_338 = vector.broadcast %get3A_10 : vector<1x128xf32> to vector<128x128xf32>
    %mul3A_339 = arith.mulf %mul3A_337, %mul3A_338 : vector<128x128xf32>
    %slice3A_340 = vector.extract_strided_slice %log1p3A {offsets = [0, 23], sizes = [128, 1], strides = [1, 1]} : vector<128x32xf32> to vector<128x1xf32>
    %mul3A_341 = vector.broadcast %slice3A_340 : vector<128x1xf32> to vector<128x128xf32>
    %mul3A_342 = vector.broadcast %get3A_13 : vector<1x128xf32> to vector<128x128xf32>
    %mul3A_343 = arith.mulf %mul3A_341, %mul3A_342 : vector<128x128xf32>
    %add3A_344 = arith.addf %mul3A_339, %mul3A_343 : vector<128x128xf32>
    %add3A_345 = vector.broadcast %get3A_16 : vector<1x128xf32> to vector<128x128xf32>
    %add3A_346 = arith.addf %add3A_344, %add3A_345 : vector<128x128xf32>
    %max3A_347 = arith.constant 0.000000e+00 : f32
    %max3A_348 = vector.broadcast %max3A_347 : f32 to vector<128x128xf32>
    %max3A_349 = arith.maximumf %add3A_346, %max3A_348 : vector<128x128xf32>
    %slice3A_350 = vector.extract_strided_slice %mul3A_3 {offsets = [0, 24], sizes = [128, 1], strides = [1, 1]} : vector<128x32xf32> to vector<128x1xf32>
    %mul3A_351 = vector.broadcast %slice3A_350 : vector<128x1xf32> to vector<128x128xf32>
    %mul3A_352 = vector.broadcast %get3A_10 : vector<1x128xf32> to vector<128x128xf32>
    %mul3A_353 = arith.mulf %mul3A_351, %mul3A_352 : vector<128x128xf32>
    %slice3A_354 = vector.extract_strided_slice %log1p3A {offsets = [0, 24], sizes = [128, 1], strides = [1, 1]} : vector<128x32xf32> to vector<128x1xf32>
    %mul3A_355 = vector.broadcast %slice3A_354 : vector<128x1xf32> to vector<128x128xf32>
    %mul3A_356 = vector.broadcast %get3A_13 : vector<1x128xf32> to vector<128x128xf32>
    %mul3A_357 = arith.mulf %mul3A_355, %mul3A_356 : vector<128x128xf32>
    %add3A_358 = arith.addf %mul3A_353, %mul3A_357 : vector<128x128xf32>
    %add3A_359 = vector.broadcast %get3A_16 : vector<1x128xf32> to vector<128x128xf32>
    %add3A_360 = arith.addf %add3A_358, %add3A_359 : vector<128x128xf32>
    %max3A_361 = arith.constant 0.000000e+00 : f32
    %max3A_362 = vector.broadcast %max3A_361 : f32 to vector<128x128xf32>
    %max3A_363 = arith.maximumf %add3A_360, %max3A_362 : vector<128x128xf32>
    %slice3A_364 = vector.extract_strided_slice %mul3A_3 {offsets = [0, 25], sizes = [128, 1], strides = [1, 1]} : vector<128x32xf32> to vector<128x1xf32>
    %mul3A_365 = vector.broadcast %slice3A_364 : vector<128x1xf32> to vector<128x128xf32>
    %mul3A_366 = vector.broadcast %get3A_10 : vector<1x128xf32> to vector<128x128xf32>
    %mul3A_367 = arith.mulf %mul3A_365, %mul3A_366 : vector<128x128xf32>
    %slice3A_368 = vector.extract_strided_slice %log1p3A {offsets = [0, 25], sizes = [128, 1], strides = [1, 1]} : vector<128x32xf32> to vector<128x1xf32>
    %mul3A_369 = vector.broadcast %slice3A_368 : vector<128x1xf32> to vector<128x128xf32>
    %mul3A_370 = vector.broadcast %get3A_13 : vector<1x128xf32> to vector<128x128xf32>
    %mul3A_371 = arith.mulf %mul3A_369, %mul3A_370 : vector<128x128xf32>
    %add3A_372 = arith.addf %mul3A_367, %mul3A_371 : vector<128x128xf32>
    %add3A_373 = vector.broadcast %get3A_16 : vector<1x128xf32> to vector<128x128xf32>
    %add3A_374 = arith.addf %add3A_372, %add3A_373 : vector<128x128xf32>
    %max3A_375 = arith.constant 0.000000e+00 : f32
    %max3A_376 = vector.broadcast %max3A_375 : f32 to vector<128x128xf32>
    %max3A_377 = arith.maximumf %add3A_374, %max3A_376 : vector<128x128xf32>
    %slice3A_378 = vector.extract_strided_slice %mul3A_3 {offsets = [0, 26], sizes = [128, 1], strides = [1, 1]} : vector<128x32xf32> to vector<128x1xf32>
    %mul3A_379 = vector.broadcast %slice3A_378 : vector<128x1xf32> to vector<128x128xf32>
    %mul3A_380 = vector.broadcast %get3A_10 : vector<1x128xf32> to vector<128x128xf32>
    %mul3A_381 = arith.mulf %mul3A_379, %mul3A_380 : vector<128x128xf32>
    %slice3A_382 = vector.extract_strided_slice %log1p3A {offsets = [0, 26], sizes = [128, 1], strides = [1, 1]} : vector<128x32xf32> to vector<128x1xf32>
    %mul3A_383 = vector.broadcast %slice3A_382 : vector<128x1xf32> to vector<128x128xf32>
    %mul3A_384 = vector.broadcast %get3A_13 : vector<1x128xf32> to vector<128x128xf32>
    %mul3A_385 = arith.mulf %mul3A_383, %mul3A_384 : vector<128x128xf32>
    %add3A_386 = arith.addf %mul3A_381, %mul3A_385 : vector<128x128xf32>
    %add3A_387 = vector.broadcast %get3A_16 : vector<1x128xf32> to vector<128x128xf32>
    %add3A_388 = arith.addf %add3A_386, %add3A_387 : vector<128x128xf32>
    %max3A_389 = arith.constant 0.000000e+00 : f32
    %max3A_390 = vector.broadcast %max3A_389 : f32 to vector<128x128xf32>
    %max3A_391 = arith.maximumf %add3A_388, %max3A_390 : vector<128x128xf32>
    %slice3A_392 = vector.extract_strided_slice %mul3A_3 {offsets = [0, 27], sizes = [128, 1], strides = [1, 1]} : vector<128x32xf32> to vector<128x1xf32>
    %mul3A_393 = vector.broadcast %slice3A_392 : vector<128x1xf32> to vector<128x128xf32>
    %mul3A_394 = vector.broadcast %get3A_10 : vector<1x128xf32> to vector<128x128xf32>
    %mul3A_395 = arith.mulf %mul3A_393, %mul3A_394 : vector<128x128xf32>
    %slice3A_396 = vector.extract_strided_slice %log1p3A {offsets = [0, 27], sizes = [128, 1], strides = [1, 1]} : vector<128x32xf32> to vector<128x1xf32>
    %mul3A_397 = vector.broadcast %slice3A_396 : vector<128x1xf32> to vector<128x128xf32>
    %mul3A_398 = vector.broadcast %get3A_13 : vector<1x128xf32> to vector<128x128xf32>
    %mul3A_399 = arith.mulf %mul3A_397, %mul3A_398 : vector<128x128xf32>
    %add3A_400 = arith.addf %mul3A_395, %mul3A_399 : vector<128x128xf32>
    %add3A_401 = vector.broadcast %get3A_16 : vector<1x128xf32> to vector<128x128xf32>
    %add3A_402 = arith.addf %add3A_400, %add3A_401 : vector<128x128xf32>
    %max3A_403 = arith.constant 0.000000e+00 : f32
    %max3A_404 = vector.broadcast %max3A_403 : f32 to vector<128x128xf32>
    %max3A_405 = arith.maximumf %add3A_402, %max3A_404 : vector<128x128xf32>
    %slice3A_406 = vector.extract_strided_slice %mul3A_3 {offsets = [0, 28], sizes = [128, 1], strides = [1, 1]} : vector<128x32xf32> to vector<128x1xf32>
    %mul3A_407 = vector.broadcast %slice3A_406 : vector<128x1xf32> to vector<128x128xf32>
    %mul3A_408 = vector.broadcast %get3A_10 : vector<1x128xf32> to vector<128x128xf32>
    %mul3A_409 = arith.mulf %mul3A_407, %mul3A_408 : vector<128x128xf32>
    %slice3A_410 = vector.extract_strided_slice %log1p3A {offsets = [0, 28], sizes = [128, 1], strides = [1, 1]} : vector<128x32xf32> to vector<128x1xf32>
    %mul3A_411 = vector.broadcast %slice3A_410 : vector<128x1xf32> to vector<128x128xf32>
    %mul3A_412 = vector.broadcast %get3A_13 : vector<1x128xf32> to vector<128x128xf32>
    %mul3A_413 = arith.mulf %mul3A_411, %mul3A_412 : vector<128x128xf32>
    %add3A_414 = arith.addf %mul3A_409, %mul3A_413 : vector<128x128xf32>
    %add3A_415 = vector.broadcast %get3A_16 : vector<1x128xf32> to vector<128x128xf32>
    %add3A_416 = arith.addf %add3A_414, %add3A_415 : vector<128x128xf32>
    %max3A_417 = arith.constant 0.000000e+00 : f32
    %max3A_418 = vector.broadcast %max3A_417 : f32 to vector<128x128xf32>
    %max3A_419 = arith.maximumf %add3A_416, %max3A_418 : vector<128x128xf32>
    %slice3A_420 = vector.extract_strided_slice %mul3A_3 {offsets = [0, 29], sizes = [128, 1], strides = [1, 1]} : vector<128x32xf32> to vector<128x1xf32>
    %mul3A_421 = vector.broadcast %slice3A_420 : vector<128x1xf32> to vector<128x128xf32>
    %mul3A_422 = vector.broadcast %get3A_10 : vector<1x128xf32> to vector<128x128xf32>
    %mul3A_423 = arith.mulf %mul3A_421, %mul3A_422 : vector<128x128xf32>
    %slice3A_424 = vector.extract_strided_slice %log1p3A {offsets = [0, 29], sizes = [128, 1], strides = [1, 1]} : vector<128x32xf32> to vector<128x1xf32>
    %mul3A_425 = vector.broadcast %slice3A_424 : vector<128x1xf32> to vector<128x128xf32>
    %mul3A_426 = vector.broadcast %get3A_13 : vector<1x128xf32> to vector<128x128xf32>
    %mul3A_427 = arith.mulf %mul3A_425, %mul3A_426 : vector<128x128xf32>
    %add3A_428 = arith.addf %mul3A_423, %mul3A_427 : vector<128x128xf32>
    %add3A_429 = vector.broadcast %get3A_16 : vector<1x128xf32> to vector<128x128xf32>
    %add3A_430 = arith.addf %add3A_428, %add3A_429 : vector<128x128xf32>
    %max3A_431 = arith.constant 0.000000e+00 : f32
    %max3A_432 = vector.broadcast %max3A_431 : f32 to vector<128x128xf32>
    %max3A_433 = arith.maximumf %add3A_430, %max3A_432 : vector<128x128xf32>
    %slice3A_434 = vector.extract_strided_slice %mul3A_3 {offsets = [0, 30], sizes = [128, 1], strides = [1, 1]} : vector<128x32xf32> to vector<128x1xf32>
    %mul3A_435 = vector.broadcast %slice3A_434 : vector<128x1xf32> to vector<128x128xf32>
    %mul3A_436 = vector.broadcast %get3A_10 : vector<1x128xf32> to vector<128x128xf32>
    %mul3A_437 = arith.mulf %mul3A_435, %mul3A_436 : vector<128x128xf32>
    %slice3A_438 = vector.extract_strided_slice %log1p3A {offsets = [0, 30], sizes = [128, 1], strides = [1, 1]} : vector<128x32xf32> to vector<128x1xf32>
    %mul3A_439 = vector.broadcast %slice3A_438 : vector<128x1xf32> to vector<128x128xf32>
    %mul3A_440 = vector.broadcast %get3A_13 : vector<1x128xf32> to vector<128x128xf32>
    %mul3A_441 = arith.mulf %mul3A_439, %mul3A_440 : vector<128x128xf32>
    %add3A_442 = arith.addf %mul3A_437, %mul3A_441 : vector<128x128xf32>
    %add3A_443 = vector.broadcast %get3A_16 : vector<1x128xf32> to vector<128x128xf32>
    %add3A_444 = arith.addf %add3A_442, %add3A_443 : vector<128x128xf32>
    %max3A_445 = arith.constant 0.000000e+00 : f32
    %max3A_446 = vector.broadcast %max3A_445 : f32 to vector<128x128xf32>
    %max3A_447 = arith.maximumf %add3A_444, %max3A_446 : vector<128x128xf32>
    %slice3A_448 = vector.extract_strided_slice %mul3A_3 {offsets = [0, 31], sizes = [128, 1], strides = [1, 1]} : vector<128x32xf32> to vector<128x1xf32>
    %mul3A_449 = vector.broadcast %slice3A_448 : vector<128x1xf32> to vector<128x128xf32>
    %mul3A_450 = vector.broadcast %get3A_10 : vector<1x128xf32> to vector<128x128xf32>
    %mul3A_451 = arith.mulf %mul3A_449, %mul3A_450 : vector<128x128xf32>
    %slice3A_452 = vector.extract_strided_slice %log1p3A {offsets = [0, 31], sizes = [128, 1], strides = [1, 1]} : vector<128x32xf32> to vector<128x1xf32>
    %mul3A_453 = vector.broadcast %slice3A_452 : vector<128x1xf32> to vector<128x128xf32>
    %mul3A_454 = vector.broadcast %get3A_13 : vector<1x128xf32> to vector<128x128xf32>
    %mul3A_455 = arith.mulf %mul3A_453, %mul3A_454 : vector<128x128xf32>
    %add3A_456 = arith.addf %mul3A_451, %mul3A_455 : vector<128x128xf32>
    %add3A_457 = vector.broadcast %get3A_16 : vector<1x128xf32> to vector<128x128xf32>
    %add3A_458 = arith.addf %add3A_456, %add3A_457 : vector<128x128xf32>
    %max3A_459 = arith.constant 0.000000e+00 : f32
    %max3A_460 = vector.broadcast %max3A_459 : f32 to vector<128x128xf32>
    %max3A_461 = arith.maximumf %add3A_458, %max3A_460 : vector<128x128xf32>
    %concatenate3A = tpu.concatenate %max3A_27, %max3A_41, %max3A_55, %max3A_69, %max3A_83, %max3A_97, %max3A_111, %max3A_125, %max3A_139, %max3A_153, %max3A_167, %max3A_181, %max3A_195, %max3A_209, %max3A_223, %max3A_237, %max3A_251, %max3A_265, %max3A_279, %max3A_293, %max3A_307, %max3A_321, %max3A_335, %max3A_349, %max3A_363, %max3A_377, %max3A_391, %max3A_405, %max3A_419, %max3A_433, %max3A_447, %max3A_461 in 0 : vector<128x128xf32>, vector<128x128xf32>, vector<128x128xf32>, vector<128x128xf32>, vector<128x128xf32>, vector<128x128xf32>, vector<128x128xf32>, vector<128x128xf32>, vector<128x128xf32>, vector<128x128xf32>, vector<128x128xf32>, vector<128x128xf32>, vector<128x128xf32>, vector<128x128xf32>, vector<128x128xf32>, vector<128x128xf32>, vector<128x128xf32>, vector<128x128xf32>, vector<128x128xf32>, vector<128x128xf32>, vector<128x128xf32>, vector<128x128xf32>, vector<128x128xf32>, vector<128x128xf32>, vector<128x128xf32>, vector<128x128xf32>, vector<128x128xf32>, vector<128x128xf32>, vector<128x128xf32>, vector<128x128xf32>, vector<128x128xf32>, vector<128x128xf32> -> vector<4096x128xf32>
    %get3A_462 = arith.constant 0 : index
    %get3A_463 = arith.constant 0 : index
    %get3A_464 = vector.load %arg7[%get3A_462, %get3A_463] : memref<128x128xf32, #tpu.memory_space<vmem>>, vector<128x128xf32>
    %dot_general3A = arith.constant dense<0.000000e+00> : vector<4096x128xf32>
    %dot_general3A_465 = tpu.matmul %concatenate3A, %get3A_464, %dot_general3A {dimension_numbers = #tpu.dot_dimension_numbers<[1], [1], [0], [0], [0, 0, 1, 0], [], []>, transpose_lhs_hint = false} : vector<4096x128xf32>, vector<128x128xf32>, vector<4096x128xf32> -> vector<4096x128xf32>
    %get3A_466 = arith.constant 0 : index
    %get3A_467 = arith.constant 0 : index
    %get3A_468 = vector.load %arg8[%get3A_466, %get3A_467] : memref<1x128xf32, #tpu.memory_space<vmem>>, vector<1x128xf32>
    %add3A_469 = vector.broadcast %get3A_468 : vector<1x128xf32> to vector<4096x128xf32>
    %add3A_470 = arith.addf %dot_general3A_465, %add3A_469 : vector<4096x128xf32>
    %get3A_471 = arith.constant 0 : index
    %get3A_472 = arith.constant 0 : index
    %get3A_473 = vector.load %arg1[%get3A_471, %get3A_472] : memref<4096x128xf32, #tpu.memory_space<vmem>>, vector<4096x128xf32>
    %add3A_474 = arith.addf %add3A_470, %get3A_473 : vector<4096x128xf32>
    %max3A_475 = arith.constant 0.000000e+00 : f32
    %max3A_476 = vector.broadcast %max3A_475 : f32 to vector<4096x128xf32>
    %max3A_477 = arith.maximumf %add3A_474, %max3A_476 : vector<4096x128xf32>
    %reshape3A = vector.shape_cast %max3A_477 : vector<4096x128xf32> to vector<256x16x128xf32>
    %reduce_sum3A = arith.constant dense<0.000000e+00> : vector<256x128xf32>
    %reduce_sum3A_478 = vector.multi_reduction <add>, %reshape3A, %reduce_sum3A [1] : vector<256x16x128xf32> to vector<256x128xf32>
    %div3A = arith.constant 1.600000e+01 : f32
    %div3A_479 = vector.broadcast %div3A : f32 to vector<256x128xf32>
    %div3A_480 = arith.divf %reduce_sum3A_478, %div3A_479 : vector<256x128xf32>
    %get3A_481 = arith.constant 0 : index
    %get3A_482 = arith.constant 0 : index
    %get3A_483 = vector.load %arg4[%get3A_481, %get3A_482] : memref<256x128xf32, #tpu.memory_space<vmem>>, vector<256x128xf32>
    %get3A_484 = arith.constant 0 : index
    %get3A_485 = arith.constant 0 : index
    %get3A_486 = vector.load %arg9[%get3A_484, %get3A_485] : memref<128x128xf32, #tpu.memory_space<vmem>>, vector<128x128xf32>
    %dot_general3A_487 = arith.constant dense<0.000000e+00> : vector<256x128xf32>
    %dot_general3A_488 = tpu.matmul %get3A_483, %get3A_486, %dot_general3A_487 {dimension_numbers = #tpu.dot_dimension_numbers<[1], [1], [0], [0], [0, 0, 1, 0], [], []>, transpose_lhs_hint = false} : vector<256x128xf32>, vector<128x128xf32>, vector<256x128xf32> -> vector<256x128xf32>
    %get3A_489 = arith.constant 0 : index
    %get3A_490 = arith.constant 0 : index
    %get3A_491 = vector.load %arg10[%get3A_489, %get3A_490] : memref<128x128xf32, #tpu.memory_space<vmem>>, vector<128x128xf32>
    %dot_general3A_492 = arith.constant dense<0.000000e+00> : vector<256x128xf32>
    %dot_general3A_493 = tpu.matmul %div3A_480, %get3A_491, %dot_general3A_492 {dimension_numbers = #tpu.dot_dimension_numbers<[1], [1], [0], [0], [0, 0, 1, 0], [], []>, transpose_lhs_hint = false} : vector<256x128xf32>, vector<128x128xf32>, vector<256x128xf32> -> vector<256x128xf32>
    %add3A_494 = arith.addf %dot_general3A_488, %dot_general3A_493 : vector<256x128xf32>
    %max3A_495 = arith.constant 0.000000e+00 : f32
    %max3A_496 = vector.broadcast %max3A_495 : f32 to vector<256x128xf32>
    %max3A_497 = arith.maximumf %add3A_494, %max3A_496 : vector<256x128xf32>
    %swap3A = arith.constant 0 : index
    %swap3A_498 = arith.constant 0 : index
    %swap3A_499 = vector.load %arg11[%swap3A, %swap3A_498] : memref<256x128xf32, #tpu.memory_space<vmem>>, vector<256x128xf32>
    tpu.vector_store %arg11[%swap3A, %swap3A_498], %max3A_497 {strides = array<i32>} : memref<256x128xf32, #tpu.memory_space<vmem>>, vector<256x128xf32>,
    return
  }
  func.func @transform_0(%arg0: i32) -> (i32, i32) {
    %c0_i32 = arith.constant 0 : i32
    %c0_i32_0 = arith.constant 0 : i32
    return %arg0, %c0_i32 : i32, i32
  }
  func.func @transform_1(%arg0: i32) -> (i32, i32) {
    %c0_i32 = arith.constant 0 : i32
    %c0_i32_0 = arith.constant 0 : i32
    return %arg0, %c0_i32 : i32, i32
  }
  func.func @transform_2(%arg0: i32) -> (i32, i32) {
    %c0_i32 = arith.constant 0 : i32
    %c0_i32_0 = arith.constant 0 : i32
    return %arg0, %c0_i32 : i32, i32
  }
  func.func @transform_3(%arg0: i32) -> (i32, i32) {
    %c0_i32 = arith.constant 0 : i32
    %c0_i32_0 = arith.constant 0 : i32
    return %arg0, %c0_i32 : i32, i32
  }
  func.func @transform_4(%arg0: i32) -> (i32, i32) {
    %c0_i32 = arith.constant 0 : i32
    %c0_i32_0 = arith.constant 0 : i32
    %c0_i32_1 = arith.constant 0 : i32
    return %c0_i32, %c0_i32_0 : i32, i32
  }
  func.func @transform_5(%arg0: i32) -> (i32, i32) {
    %c0_i32 = arith.constant 0 : i32
    %c0_i32_0 = arith.constant 0 : i32
    %c0_i32_1 = arith.constant 0 : i32
    return %c0_i32, %c0_i32_0 : i32, i32
  }
  func.func @transform_6(%arg0: i32) -> (i32, i32) {
    %c0_i32 = arith.constant 0 : i32
    %c0_i32_0 = arith.constant 0 : i32
    %c0_i32_1 = arith.constant 0 : i32
    return %c0_i32, %c0_i32_0 : i32, i32
  }
  func.func @transform_7(%arg0: i32) -> (i32, i32) {
    %c0_i32 = arith.constant 0 : i32
    %c0_i32_0 = arith.constant 0 : i32
    %c0_i32_1 = arith.constant 0 : i32
    return %c0_i32, %c0_i32_0 : i32, i32
  }
  func.func @transform_8(%arg0: i32) -> (i32, i32) {
    %c0_i32 = arith.constant 0 : i32
    %c0_i32_0 = arith.constant 0 : i32
    %c0_i32_1 = arith.constant 0 : i32
    return %c0_i32, %c0_i32_0 : i32, i32
  }
  func.func @transform_9(%arg0: i32) -> (i32, i32) {
    %c0_i32 = arith.constant 0 : i32
    %c0_i32_0 = arith.constant 0 : i32
    %c0_i32_1 = arith.constant 0 : i32
    return %c0_i32, %c0_i32_0 : i32, i32
  }
  func.func @transform_10(%arg0: i32) -> (i32, i32) {
    %c0_i32 = arith.constant 0 : i32
    %c0_i32_0 = arith.constant 0 : i32
    return %arg0, %c0_i32 : i32, i32
  }
}

</mosaic_0001>

<sc_bundles>
// kernel: kernel.5.cloned.1.call-start
scs
__scs_entry_jumppad:
0x0: {  	(pc) =	sbr.rel $0x88, $3  }
0x1: {  	(tag) =	ssettag $0x0;
	lr =	simm.s32 $0x1  }
0x2: {  	[smem:$0x3F91] =	sst lr;
	_ =	strace $0xD0000000  }
0x3: {  	_ = 	snop  }
0x4: {  	_ = 	snop  }
0x5: {  	_ = 	snop  }
0x6: {  	_ = 	snop  }
0x7: {  	_ = 	snop  }
__scs_overlays_trampoline_lowered:
0x8: {  	[smem:$0x3FA0] =	sst s0  }
0x9: {  	[smem:$0x3FA1] =	sst s1  }
0xa: {  	[smem:$0x3FA2] =	sst s2  }
0xb: {  	[smem:$0x3FA3] =	sst s3  }
0xc: {  	[smem:$0x3FA4] =	sst s4  }
0xd: {  	[smem:$0x3FA5] =	sst s5  }
0xe: {  	[smem:$0x3FA6] =	sst s6  }
0xf: {  	[smem:$0x3FA7] =	sst s7  }
0x10: {  	[smem:$0x3FA8] =	sst s8  }
0x11: {  	[smem:$0x3FA9] =	sst s9;
	s0 =	simm.s32 @!p0 $0x0  }
0x12: {  	s1 =	sld [smem:$0x3F8F];
	s0 =	simm.s32 @p0 $0x1  }
0x13: {  	[smem:$0x3FAA] =	sst s0;
	s0 =	simm.s32 @!p1 $0x0  }
0x14: {  	s2 =	sld [smem:$0x3F8E];
	s0 =	simm.s32 @p1 $0x1  }
0x15: {  	[smem:$0x3FAB] =	sst s0;
	s0 =	simm.s32 @!p2 $0x0  }
0x16: {  	s3 =	sld [smem:$0x3FDB];
	s0 =	simm.s32 @p2 $0x1  }
0x17: {  	s4 =	simm.s32 $0x1BF5;
	[smem:$0x3FAD] =	sst s0  }
0x18: {  	s0 =	sld [smem:$0x3F90];
	_ =	swait.ge [sflag:s4], $0x0  }
0x19: {  	s7 =	sld [smem:$0x3F91]  }
0x1a: {  	s8 =	sadd.s32 $0xFFFFE003, lr  }
0x1b: {  	s9 =	sadd.s32 $0xFFFFFEF7, lr;
	s5 =	simm.s32 $0xFFFFFFFF;
	p2 =	slt.u32 s8, $0xFFFFF086  }
0x1c: {  	p1 =	slt.u32 s9, $0xF7A;
	s5 =	simm.s32 @!p2 $0x0  }
0x1d: {  	s5 =	simm.s32 @p1 $0x1;
	p0 =	seq.s32 s7, s2  }
0x1e: {  	s7 =	smul.u32 @!p0 $0xF7A, s2;
	p2 =	seq.s32 @!p0 s5, $0x0  }
0x1f: {  	s9 =	smul.u32 $0xF7A, s1;
	s8 =	simm.s32 @!p0 $0x1BF5;
	p2 =	por !p2, p0  }
0x20: {  	[sflag:s8] =	ssyncset.s32 @!p0 $0xFFFFF086;
	s6 =	sadd.s32 @!p0 s3, s7;
	s7 =	simm.s32 @!p0 $0x108  }
0x21: {  	s3 =	sadd.s32 s3, s9;
	s6 =	sadd.s32 @!p0 $0x88, s6;
	s7 =	simm.s32 @p2 $0x1082  }
0x22: {  	[simem:s7], [sflag:s8] =	dma.local @!p0 [hbm:s6], $0xF7A  }
0x23: {  	s9 =	sor.u32 $0xD0000000, s2;
	s6 =	simm.s32 $0x108;
	_ =	swait.ge @!p0 [sflag:s8], $0x0  }
0x24: {  	s3 =	sadd.s32 $0x88, s3;
	s6 =	simm.s32 @!p1 $0x1082;
	[sflag:s4] =	ssyncset.s32 $0xFFFFF086  }
0x25: {  	[simem:s6], [sflag:s4] =	dma.local [hbm:s3], $0xF7A  }
0x26: {  	[smem:$0x3F91] =	sst s1;
	(tag) =	ssettag s2;
	_ =	strace s9  }
0x27: {  	s1 =	sld [smem:$0x3FA1]  }
0x28: {  	s2 =	sld [smem:$0x3FA2]  }
0x29: {  	s4 =	sld [smem:$0x3FA4]  }
0x2a: {  	p0 =	seq.s32 s5, $0x0;
	s5 =	sld [smem:$0x3FA5]  }
0x2b: {  	s6 =	sld [smem:$0x3FA6]  }
0x2c: {  	s7 =	sld [smem:$0x3FA7]  }
0x2d: {  	s3 =	simm.s32 $0x108;
	s8 =	sld [smem:$0x3FA8]  }
0x2e: {  	s3 =	simm.s32 @!p0 $0x1082;
	s9 =	sld [smem:$0x3FA9]  }
0x2f: {  	lr =	sadd.s32 s0, s3;
	s0 =	sld [smem:$0x3FA0]  }
0x30: {  	s3 =	sld [smem:$0x3FA3]  }
0x31: {  	[smem:$0x3FAC] =	sst s10  }
0x32: {  	s10 =	sld [smem:$0x3FAA];
	_ =	sdelay $0x3  }
0x33: {  	p0 =	seq.s32 s10, $0x1;
	s10 =	sld [smem:$0x3FAC];
	_ =	sdelay $0x3  }
0x34: {  	[smem:$0x3FAC] =	sst s10  }
0x35: {  	s10 =	sld [smem:$0x3FAB];
	_ =	sdelay $0x3  }
0x36: {  	p1 =	seq.s32 s10, $0x1;
	s10 =	sld [smem:$0x3FAC];
	_ =	sdelay $0x3  }
0x37: {  	[smem:$0x3FAC] =	sst s10  }
0x38: {  	s10 =	sld [smem:$0x3FAD]  }
0x39: {  	_ = 	snop;
	(pc) =	sbr.ind lr, $3  }
0x3a: {  	_ = 	snop  }
0x3b: {  	_ = 	snop  }
0x3c: {  	p2 =	seq.s32 s10, $0x1;
	s10 =	sld [smem:$0x3FAC]  }
0x3d: {  	_ =	shalt  }
0x3e: {  	_ =	shalt  }
0x3f: {  	_ =	shalt  }
0x40: {  	_ =	shalt  }
0x41: {  	_ =	shalt  }
0x42: {  	_ =	shalt  }
0x43: {  	_ =	shalt  }
0x44: {  	_ =	shalt  }
0x45: {  	_ =	shalt  }
0x46: {  	_ =	shalt  }
0x47: {  	_ =	shalt  }
0x48: {  	_ =	shalt  }
0x49: {  	_ =	shalt  }
0x4a: {  	_ =	shalt  }
0x4b: {  	_ =	shalt  }
0x4c: {  	_ =	shalt  }
0x4d: {  	_ =	shalt  }
0x4e: {  	_ =	shalt  }
0x4f: {  	_ =	shalt  }
0x50: {  	_ =	shalt  }
0x51: {  	_ =	shalt  }
0x52: {  	_ =	shalt  }
0x53: {  	_ =	shalt  }
0x54: {  	_ =	shalt  }
0x55: {  	_ =	shalt  }
0x56: {  	_ =	shalt  }
0x57: {  	_ =	shalt  }
0x58: {  	_ =	shalt  }
0x59: {  	_ =	shalt  }
0x5a: {  	_ =	shalt  }
0x5b: {  	_ =	shalt  }
0x5c: {  	_ =	shalt  }
0x5d: {  	_ =	shalt  }
0x5e: {  	_ =	shalt  }
0x5f: {  	_ =	shalt  }
0x60: {  	_ =	shalt  }
0x61: {  	_ =	shalt  }
0x62: {  	_ =	shalt  }
0x63: {  	_ =	shalt  }
0x64: {  	_ =	shalt  }
0x65: {  	_ =	shalt  }
0x66: {  	_ =	shalt  }
0x67: {  	_ =	shalt  }
0x68: {  	_ =	shalt  }
0x69: {  	_ =	shalt  }
0x6a: {  	_ =	shalt  }
0x6b: {  	_ =	shalt  }
0x6c: {  	_ =	shalt  }
0x6d: {  	_ =	shalt  }
0x6e: {  	_ =	shalt  }
0x6f: {  	_ =	shalt  }
0x70: {  	_ =	shalt  }
0x71: {  	_ =	shalt  }
0x72: {  	_ =	shalt  }
0x73: {  	_ =	shalt  }
0x74: {  	_ =	shalt  }
0x75: {  	_ =	shalt  }
0x76: {  	_ =	shalt  }
0x77: {  	_ =	shalt  }
0x78: {  	_ =	shalt  }
0x79: {  	_ =	shalt  }
0x7a: {  	_ =	shalt  }
0x7b: {  	_ =	shalt  }
0x7c: {  	_ =	shalt  }
0x7d: {  	_ =	shalt  }
0x7e: {  	_ =	shalt  }
0x7f: {  	_ =	shalt  }
0x80: {  	_ =	shalt  }
0x81: {  	_ =	shalt  }
0x82: {  	_ =	shalt  }
0x83: {  	_ =	shalt  }
0x84: {  	_ =	shalt  }
0x85: {  	_ =	shalt  }
0x86: {  	_ =	shalt  }
0x87: {  	_ =	shalt  }
.Lfunc_end0:
.L_simem_size_0:
called_computation_lowered:
.L_overlay_start_0:
0x88: {  	s2 =	sld [smem:$0x3FD9]  }
0x89: {  	s3 =	sld [smem:$0x3FFE];
	_ =	sdelay $0x1  }
0x8a: {  	s1 =	srdreg.scid  }
0x8b: {  	s0 =	sand.u32 $0x1, s1  }
0x8c: {  	s17 =	sshll.u32 s0, $0xA;
	s2 =	sadd.s32 s3, s2  }
0x8d: {  	s2 =	sadd.s32 s2, s17  }
0x8e: {  	[smem:$0x3FB8] =	sst s2  }
0x8f: {  	_ = 	snop  }
0x90: {  	s2 =	sld [smem:$0x3FC9]  }
0x91: {  	s18 =	sld [smem:$0x3FC7]  }
0x92: {  	s4 =	sld [smem:$0x3FC6]  }
0x93: {  	s5 =	sld [smem:$0x3FC5]  }
0x94: {  	s6 =	sld [smem:$0x3FC4]  }
0x95: {  	s7 =	sld [smem:$0x3FC3]  }
0x96: {  	s8 =	sld [smem:$0x3FD0];
	(tm) =	ssettm $0x1  }
0x97: {  	s9 =	sld [smem:$0x3FFB];
	_ =	sdelay $0x3  }
0x98: {  	_ =	strace s9  }
0x99: {  	s9 =	sld [smem:$0x3FFC];
	_ =	sdelay $0x3  }
0x9a: {  	_ =	strace s9  }
0x9b: {  	s9 =	sld [smem:$0x3FFD];
	_ =	sdelay $0x3  }
0x9c: {  	_ =	strace s9  }
0x9d: {  	_ =	strace $0x8FFFFFFF  }
0x9e: {  	s19 =	sld [smem:$0x3FDB];
	_ =	sdelay $0x1  }
0x9f: {  	s10 =	simm.s32 $_scs_section_size  }
0xa0: {  	s11 =	simm.s32 $_size__tile_overlayer_lowered;
	s12 =	simm.s32 $_tile_overlayer_lowered  }
0xa1: {  	s22 =	simm.s32 $0x1BFF;
	s21 =	sshll.u32 s12, $0x1;
	s9 =	sadd.s32 s10, s19  }
0xa2: {  	s13 =	simm.s32 $0x0;
	s20 =	sshll.u32 s11, $0x1;
	s11 =	sadd.s32 s21, s9  }
0xa3: {  	[timem:s13], [sflag:s22] =	dma.local [hbm:s11], s20  }
0xa4: {  	_ =	swait.ge [sflag:s22], s20  }
0xa5: {  	s10 =	ssub.s32 $0x0, s20;
	[sflag:s22] =	ssyncset.done $0x0  }
0xa6: {  	[sflag:s22] =	ssyncadd.s32 s10;
	_ =	sdelay $0x1  }
0xa7: {  	s23 =	simm.s32 $0x1B8B  }
0xa8: {  	_ =	swait.ge [sflag:s23], $0x1  }
0xa9: {  	[sflag:s23] =	ssyncset.done $0x0  }
0xaa: {  	s25 =	simm.s32 $0x1B8E;
	s24 =	sld [smem:$0x3FFE];
	[sflag:s23] =	ssyncadd.s32 $0xFFFFFFFF  }
0xab: {  	s26 =	simm.s32 $execute0_lowered;
	[smem:$0x3FD2] =	sst s25  }
0xac: {  	s11 =	sshll.u32 s26, $0x1;
	_ =	strace $0x80000046;
	[dreg:$0x1] =	wrdreg $0xFFFFFFFF  }
0xad: {  	s28 =	simm.s32 $_size_execute0_lowered;
	s9 =	sadd.s32 s9, s11;
	[dreg:$0x0] =	wrdreg $0x0  }
0xae: {  	s11 =	sshll.u32 s28, $0x1;
	[dreg:$0x2] =	wrdreg s9  }
0xaf: {  	[dreg:$0x3] =	wrdreg s11  }
0xb0: {  	[dreg:$0x4] =	wrdreg $0xC0  }
0xb1: {  	_ =	task [dreg:s13], $0x5FFFF  }
0xb2: {  	[dreg:$0x1] =	wrdreg $0xFFFFFFFF  }
0xb3: {  	[dreg:$0x0] =	wrdreg $0x60  }
0xb4: {  	[dreg:$0x2] =	wrdreg s24  }
0xb5: {  	[dreg:$0x3] =	wrdreg s2  }
0xb6: {  	[dreg:$0x4] =	wrdreg s18  }
0xb7: {  	[dreg:$0x5] =	wrdreg s4  }
0xb8: {  	[dreg:$0x6] =	wrdreg s5  }
0xb9: {  	[dreg:$0x7] =	wrdreg s6  }
0xba: {  	[dreg:$0x8] =	wrdreg s7  }
0xbb: {  	[dreg:$0x9] =	wrdreg s8  }
0xbc: {  	[dreg:$0xa] =	wrdreg $0x9  }
0xbd: {  	_ =	task.clear_ibuf [dreg:s13], $0xBFFFF;
	_ =	strace $0x90000046  }
0xbe: {  	s29 =	simm.s32 $0x9;
	_ =	strace $0x80000048  }
0xbf: {  	_ =	swait.ge [sflag:s29], $0x1  }
0xc0: {  	[sflag:s29] =	ssyncadd.s32 $0xFFFFFFFF  }
0xc1: {  	_ =	strace $0x90000048  }
0xc2: {  	_ =	sfence  }
0xc3: {  	s30 =	sld [smem:$0x0];
	_ =	sdelay $0x2  }
0xc4: {  	s31 =	sshll.u32 s1, $0xD;
	s1 =	sshrl.u32 s1, $0x2  }
0xc5: {  	s3 =	sand.u32 $0x4000, s31;
	s1 =	sadd.s32 s1, s30  }
0xc6: {  	s0 =	sor.u32 s3, s0;
	s1 =	sshll.u32 s1, $0x11  }
0xc7: {  	s0 =	sor.u32 s1, s0  }
0xc8: {  	s0 =	sadd.s32 $0x8F2B, s0  }
0xc9: {  	[sflag:s0] =	ssyncadd.remote.s32 $0x1  }
0xca: {  	_ =	sfence.sel $0xFFFF  }
0xcb: {  	[dreg:$0x0] =	wrdreg $0xFFFFFFFF;
	(pc) =	sbr.abs _section_cstart, $3  }
0xcc: {  	[dreg:$0x1] =	wrdreg $0xFFFFFFFF  }
0xcd: {  	_ =	task.clear_ibuf [dreg:s13], $0x2FFFF;
	_ =	strace $0x9FFFFFFF  }
0xce: {  	(tm) =	ssettm $0x7FFFFFFF  }
0xcf: {  	_ =	shalt  }
tec
execute0_lowered:
.L_overlay_start_1:
0x0: {  	(tag) =	ssettag $0x1  }
0x1: {  	s0 =	rddreg [dreg:$0x0]  }
0x2: {  	s5 =	rddreg [dreg:$0x1]  }
0x3: {  	s1 =	rddreg [dreg:$0x2]  }
0x4: {  	s2 =	rddreg [dreg:$0x3]  }
0x5: {  	s3 =	rddreg [dreg:$0x4]  }
0x6: {  	s4 =	rddreg [dreg:$0x5]  }
0x7: {  	s7 =	rddreg [dreg:$0x7];
	s6 =	simm.s32 $0x0  }
0x8: {  	s9 =	srdreg.scid;
	s20 =	stileid.u32;
	s29 =	simm.s32 $0x1C000  }
0x9: {  	s30 =	simm.s32 $0x8;
	s31 =	simm.s32 $0x100;
	[smem:$0x7FF] =	sst s6  }
0xa: {  	s11 =	sadd.s32 $0x2000, s0;
	s12 =	sand.u32 $0x1, s9;
	s9 =	sadd.s32 $0x190A00, s0  }
0xb: {  	s8 =	sadd.s32 $0xA000, s0;
	s10 =	sadd.s32 $0x327400, s0;
	s25 =	sshll.u32 s20, $0xD  }
0xc: {  	_ =	strace $0x80000047;
	s13 =	sshll.u32 s12, $0x4;
	s14 =	ssub.s32 $0x2, s12  }
0xd: {  	s12 =	sshll.u32 s12, $0x11;
	s13 =	sor.u32 s20, s13;
	s16 =	sshrl.u32 s14, $0x1  }
0xe: {  	s12 =	sor.u32 s25, s12;
	s15 =	sshll.u32 s13, $0xA;
	s17 =	sshll.u32 s13, $0x9  }
0xf: {  	s14 =	ssub.s32 s14, s16;
	s18 =	sshll.u32 s13, $0x6;
	s28 =	sor.u32 $0x200, s12  }
0x10: {  	s12 =	sor.u32 $0x100, s12;
	s20 =	sshll.u32 s13, $0xD;
	s0 =	sadd.s32 s15, s0  }
0x11: {  	s16 =	sor.u32 $0x80, s17;
	s22 =	sor.u32 $0x100, s17;
	s18 =	sadd.s32 s5, s18  }
0x12: {  	s17 =	sor.u32 $0x180, s17;
	s15 =	sadd.s32 s11, s15;
	s12 =	sshrl.u32 s12, $0x3  }
0x13: {  	s25 =	sadd.s32 s7, s20;
	s19 =	sshrl.u32 s16, $0x3;
	[dreg:$0x9] =	wrdreg s18  }
0x14: {  	s24 =	sshrl.u32 s22, $0x3;
	s26 =	sshrl.u32 s17, $0x3;
	[dreg:$0x15] =	wrdreg s25  }
0x15: {  	s22 =	sshll.u32 s22, $0x4;
	[dreg:$0xd] =	wrdreg s15;
	s25 =	simm.s32 $0x6  }
0x16: {  	s23 =	sadd.s32 s5, s19;
	s18 =	sadd.s32 s5, s24;
	s5 =	sadd.s32 s5, s26  }
0x17: {  	s19 =	sshll.u32 s16, $0x4;
	s24 =	sshll.u32 s17, $0x4;
	[dreg:$0xa] =	wrdreg s23  }
0x18: {  	s26 =	smax.u32 s14, $0x1;
	s14 =	simm.s32 $0x2;
	[dreg:$0xb] =	wrdreg s18  }
0x19: {  	[dreg:$0xc] =	wrdreg s5;
	s5 =	sshrl.u32 s28, $0x3;
	s18 =	sshll.u32 s13, $0x11  }
0x1a: {  	s23 =	sadd.s32 s7, s22;
	[dreg:$0x16] =	wrdreg s26;
	s28 =	sadd.s32 $0x3E0, s15  }
0x1b: {  	s13 =	simm.s32 $0x1;
	s22 =	simm.s32 $0x3;
	[dreg:$0x13] =	wrdreg s23  }
0x1c: {  	s15 =	simm.s32 $0x0;
	s5 =	sadd.s32 s5, s11;
	[dreg:$0x17] =	wrdreg s28  }
0x1d: {  	s11 =	sadd.s32 s12, s11;
	s12 =	sadd.s32 $0x317400, s0;
	[dreg:$0xe] =	wrdreg s5  }
0x1e: {  	s0 =	sadd.s32 $0x31F400, s0;
	s21 =	sadd.s32 s10, s18;
	[dreg:$0xf] =	wrdreg s11  }
.Ltmp0:
0x1f: {  	s18 =	simm.s32 $0x80;
	[dreg:$0x10] =	wrdreg s12;
	(pc) =	sbr.rel .LBB2_1-.Ltmp0, $4  }
0x20: {  	s23 =	simm.s32 $0x4;
	[dreg:$0x11] =	wrdreg s0;
	s0 =	sadd.s32 s7, s19  }
0x21: {  	s12 =	simm.s32 $0x1C100;
	s19 =	simm.s32 $0x8000;
	s11 =	simm.s32 $0x14000  }
0x22: {  	[dreg:$0x12] =	wrdreg s0;
	s0 =	sadd.s32 s7, s24;
	s7 =	simm.s32 $0x10000  }
0x23: {  	s24 =	simm.s32 $0x5;
	[dreg:$0x14] =	wrdreg s0;
	s0 =	simm.s32 $0xC000  }
.LBB2_10:
0x24: {  	_ =	swait.ge [sflag:s25], $0x4000  }
0x25: {  	[sflag:s25] =	ssyncset.done $0x0  }
0x26: {  	s5 =	simm.s32 $0x7;
	[sflag:s25] =	ssyncadd.s32 $0xFFFFC000  }
0x27: {  	_ =	swait.ge [sflag:s5], $0x2000  }
0x28: {  	[sflag:s5] =	ssyncset.done $0x0  }
0x29: {  	[sflag:s5] =	ssyncadd.s32 $0xFFFFE000  }
0x2a: {  	_ =	swait.ge [sflag:s5], $0x2000  }
0x2b: {  	[sflag:s5] =	ssyncset.done $0x0  }
0x2c: {  	s26 =	rddreg [dreg:$0x9];
	[sflag:s5] =	ssyncadd.s32 $0xFFFFE000  }
0x2d: {  	[tilespmem:s6], [sflag:$0x8] =	stream.linear.gather [hbm4b:s26+s6], $0x80, $0x38;
	[tilespmem:$0x1C200] =	vst v63  }
0x2e: {  	_ =	swait.ge [sflag:s30], $0x80  }
0x2f: {  	[sflag:s30] =	ssyncset.done $0x0  }
0x30: {  	[sflag:s30] =	ssyncadd.s32 $0xFFFFFF80  }
0x31: {  	s17 =	simm.s32 $0x18000;
	s5 =	rddreg [dreg:$0x6]  }
0x32: {  	[tilespmem:s17], [sflag:$0x3] =	stream.indirect.gather [hbm4b:s5+s18], $0x80, s6, s18, $0xb8;
	[tilespmem:$0x1C200] =	vst v63  }
0x33: {  	_ =	swait.ge [sflag:s22], $0x4000  }
0x34: {  	[sflag:s22] =	ssyncset.done $0x0  }
0x35: {  	s16 =	rddreg [dreg:$0x15];
	[sflag:s22] =	ssyncadd.s32 $0xFFFFC000  }
0x36: {  	[hbm4b:s16+s6] =	stream.linear.scatter [tilespmem:s17], [sflag:$0x8], $0x4000, $0x38;
	[tilespmem:$0x1C200] =	vst v63  }
0x37: {  	_ =	swait.ge [sflag:s30], $0x4000  }
0x38: {  	[sflag:s30] =	ssyncset.done $0x0  }
0x39: {  	s28 =	rddreg [dreg:$0xa];
	[sflag:s30] =	ssyncadd.s32 $0xFFFFC000  }
0x3a: {  	[tilespmem:s6], [sflag:$0x8] =	stream.linear.gather [hbm4b:s28+s6], $0x80, $0x38;
	[tilespmem:$0x1C200] =	vst v63  }
0x3b: {  	_ =	swait.ge [sflag:s30], $0x80  }
0x3c: {  	[sflag:s30] =	ssyncset.done $0x0  }
0x3d: {  	[sflag:s30] =	ssyncadd.s32 $0xFFFFFF80  }
0x3e: {  	[tilespmem:s17], [sflag:$0x4] =	stream.indirect.gather [hbm4b:s5+s18], $0x80, s6, s18, $0xb8;
	[tilespmem:$0x1C200] =	vst v63  }
0x3f: {  	_ =	swait.ge [sflag:s23], $0x4000  }
0x40: {  	[sflag:s23] =	ssyncset.done $0x0  }
0x41: {  	s26 =	rddreg [dreg:$0x12];
	[sflag:s23] =	ssyncadd.s32 $0xFFFFC000  }
0x42: {  	[hbm4b:s26+s6] =	stream.linear.scatter [tilespmem:s17], [sflag:$0x8], $0x4000, $0x38;
	[tilespmem:$0x1C200] =	vst v63  }
0x43: {  	_ =	swait.ge [sflag:s30], $0x4000  }
0x44: {  	[sflag:s30] =	ssyncset.done $0x0  }
0x45: {  	s28 =	rddreg [dreg:$0xb];
	[sflag:s30] =	ssyncadd.s32 $0xFFFFC000  }
0x46: {  	[tilespmem:s6], [sflag:$0x8] =	stream.linear.gather [hbm4b:s28+s6], $0x80, $0x38;
	[tilespmem:$0x1C200] =	vst v63  }
0x47: {  	_ =	swait.ge [sflag:s30], $0x80  }
0x48: {  	[sflag:s30] =	ssyncset.done $0x0  }
0x49: {  	[sflag:s30] =	ssyncadd.s32 $0xFFFFFF80  }
0x4a: {  	[tilespmem:s17], [sflag:$0x3] =	stream.indirect.gather [hbm4b:s5+s18], $0x80, s6, s18, $0xb8;
	[tilespmem:$0x1C200] =	vst v63  }
0x4b: {  	_ =	swait.ge [sflag:s22], $0x4000  }
0x4c: {  	[sflag:s22] =	ssyncset.done $0x0  }
0x4d: {  	s26 =	rddreg [dreg:$0x13];
	[sflag:s22] =	ssyncadd.s32 $0xFFFFC000  }
0x4e: {  	[hbm4b:s26+s6] =	stream.linear.scatter [tilespmem:s17], [sflag:$0x8], $0x4000, $0x38;
	[tilespmem:$0x1C200] =	vst v63  }
0x4f: {  	_ =	swait.ge [sflag:s30], $0x4000  }
0x50: {  	[sflag:s30] =	ssyncset.done $0x0  }
0x51: {  	s28 =	rddreg [dreg:$0xc];
	[sflag:s30] =	ssyncadd.s32 $0xFFFFC000  }
0x52: {  	[tilespmem:s6], [sflag:$0x8] =	stream.linear.gather [hbm4b:s28+s6], $0x80, $0x38;
	[tilespmem:$0x1C200] =	vst v63  }
0x53: {  	_ =	swait.ge [sflag:s30], $0x80  }
0x54: {  	[sflag:s30] =	ssyncset.done $0x0  }
0x55: {  	[sflag:s30] =	ssyncadd.s32 $0xFFFFFF80  }
0x56: {  	[tilespmem:s17], [sflag:$0x4] =	stream.indirect.gather [hbm4b:s5+s18], $0x80, s6, s18, $0xb8;
	[tilespmem:$0x1C200] =	vst v63  }
0x57: {  	_ =	swait.ge [sflag:s23], $0x4000  }
0x58: {  	[sflag:s23] =	ssyncset.done $0x0  }
0x59: {  	s26 =	rddreg [dreg:$0x14];
	[sflag:s23] =	ssyncadd.s32 $0xFFFFC000  }
0x5a: {  	[hbm4b:s26+s6] =	stream.linear.scatter [tilespmem:s17], [sflag:$0x8], $0x4000, $0x38;
	[tilespmem:$0x1C200] =	vst v63  }
0x5b: {  	_ =	swait.ge [sflag:s30], $0x4000  }
0x5c: {  	s15 =	sadd.s32 $0x1, s15;
	s28 =	rddreg [dreg:$0x16]  }
0x5d: {  	p0 =	sne.s32 s15, s28  }
.Ltmp1:
0x5e: {  	_ = 	snop;
	(pc) =	sbr.rel @!p0 .LBB2_11-.Ltmp1, $3  }
0x5f: {  	_ =	sdelay $0x1  }
0x60: {  	[sflag:s30] =	ssyncset.done $0x0  }
0x61: {  	[sflag:s30] =	ssyncadd.s32 $0xFFFFC000  }
.LBB2_1:
0x62: {  	s5 =	rddreg [dreg:$0xd]  }
0x63: {  	[tilespmem:s29], [sflag:$0x8] =	stream.linear.gather [hbm4b:s5+s6], $0x100, $0x38;
	[tilespmem:$0x1C200] =	vst v63  }
0x64: {  	_ =	swait.ge [sflag:s30], $0x100  }
0x65: {  	[sflag:s30] =	ssyncset.done $0x0  }
0x66: {  	[sflag:s30] =	ssyncadd.s32 $0xFFFFFF00  }
0x67: {  	[tilespmem:s6], [sflag:$0x1] =	stream.indirect.gather [hbm4b:s1+s31], $0x1, s29, s31, $0xb8;
	[tilespmem:$0x1C200] =	vst v63  }
0x68: {  	s17 =	simm.s32 $0x2000  }
0x69: {  	[tilespmem:s17], [sflag:$0x1] =	stream.indirect.gather [hbm4b:s2+s31], $0x1, s29, s31, $0xb8;
	[tilespmem:$0x1C200] =	vst v63  }
0x6a: {  	s26 =	simm.s32 $0x4000  }
0x6b: {  	[tilespmem:s26], [sflag:$0x1] =	stream.indirect.gather [hbm4b:s3+s31], $0x1, s29, s31, $0xb8;
	[tilespmem:$0x1C200] =	vst v63  }
0x6c: {  	s28 =	simm.s32 $0x6000  }
0x6d: {  	[tilespmem:s28], [sflag:$0x1] =	stream.indirect.gather [hbm4b:s4+s31], $0x1, s29, s31, $0xb8;
	[tilespmem:$0x1C200] =	vst v63  }
0x6e: {  	s17 =	rddreg [dreg:$0xf]  }
0x6f: {  	[tilespmem:s12], [sflag:$0x8] =	stream.linear.gather [hbm4b:s17+s6], $0x100, $0x38;
	[tilespmem:$0x1C200] =	vst v63  }
0x70: {  	_ =	swait.ge [sflag:s30], $0x100  }
0x71: {  	[sflag:s30] =	ssyncset.done $0x0  }
0x72: {  	s16 =	simm.s32 $0x100;
	[sflag:s30] =	ssyncadd.s32 $0xFFFFFF00  }
0x73: {  	[tilespmem:s16], [sflag:$0x2] =	stream.indirect.gather [hbm4b:s1+s31], $0x1, s12, s31, $0xb8;
	[tilespmem:$0x1C200] =	vst v63  }
0x74: {  	s26 =	simm.s32 $0x2100  }
0x75: {  	[tilespmem:s26], [sflag:$0x2] =	stream.indirect.gather [hbm4b:s2+s31], $0x1, s12, s31, $0xb8;
	[tilespmem:$0x1C200] =	vst v63  }
0x76: {  	s28 =	simm.s32 $0x4100  }
0x77: {  	[tilespmem:s28], [sflag:$0x2] =	stream.indirect.gather [hbm4b:s3+s31], $0x1, s12, s31, $0xb8;
	[tilespmem:$0x1C200] =	vst v63  }
0x78: {  	s16 =	simm.s32 $0x6100  }
0x79: {  	[tilespmem:s16], [sflag:$0x2] =	stream.indirect.gather [hbm4b:s4+s31], $0x1, s12, s31, $0xb8;
	[tilespmem:$0x1C200] =	vst v63  }
0x7a: {  	_ =	swait.ge [sflag:s13], $0x100  }
0x7b: {  	[sflag:s13] =	ssyncset.done $0x0  }
0x7c: {  	[sflag:s13] =	ssyncadd.s32 $0xFFFFFF00  }
0x7d: {  	_ =	swait.ge [sflag:s13], $0x100  }
0x7e: {  	[sflag:s13] =	ssyncset.done $0x0  }
0x7f: {  	[sflag:s13] =	ssyncadd.s32 $0xFFFFFF00  }
0x80: {  	_ =	swait.ge [sflag:s13], $0x100  }
0x81: {  	[sflag:s13] =	ssyncset.done $0x0  }
0x82: {  	[sflag:s13] =	ssyncadd.s32 $0xFFFFFF00  }
0x83: {  	_ =	swait.ge [sflag:s13], $0x100  }
0x84: {  	[sflag:s13] =	ssyncset.done $0x0  }
0x85: {  	s16 =	rddreg [dreg:$0xe];
	[sflag:s13] =	ssyncadd.s32 $0xFFFFFF00  }
0x86: {  	[tilespmem:s29], [sflag:$0x8] =	stream.linear.gather [hbm4b:s16+s6], $0x100, $0x38;
	[tilespmem:$0x1C200] =	vst v63  }
0x87: {  	_ =	swait.ge [sflag:s30], $0x100  }
0x88: {  	[sflag:s30] =	ssyncset.done $0x0  }
0x89: {  	s26 =	simm.s32 $0x200;
	[sflag:s30] =	ssyncadd.s32 $0xFFFFFF00  }
0x8a: {  	[tilespmem:s26], [sflag:$0x1] =	stream.indirect.gather [hbm4b:s1+s31], $0x1, s29, s31, $0xb8;
	[tilespmem:$0x1C200] =	vst v63  }
0x8b: {  	s28 =	simm.s32 $0x2200  }
0x8c: {  	[tilespmem:s28], [sflag:$0x1] =	stream.indirect.gather [hbm4b:s2+s31], $0x1, s29, s31, $0xb8;
	[tilespmem:$0x1C200] =	vst v63  }
0x8d: {  	s26 =	simm.s32 $0x4200  }
0x8e: {  	[tilespmem:s26], [sflag:$0x1] =	stream.indirect.gather [hbm4b:s3+s31], $0x1, s29, s31, $0xb8;
	[tilespmem:$0x1C200] =	vst v63  }
0x8f: {  	s28 =	simm.s32 $0x6200  }
0x90: {  	[tilespmem:s28], [sflag:$0x1] =	stream.indirect.gather [hbm4b:s4+s31], $0x1, s29, s31, $0xb8;
	[tilespmem:$0x1C200] =	vst v63  }
0x91: {  	_ =	swait.ge [sflag:s14], $0x100  }
0x92: {  	[sflag:s14] =	ssyncset.done $0x0  }
0x93: {  	[sflag:s14] =	ssyncadd.s32 $0xFFFFFF00  }
0x94: {  	_ =	swait.ge [sflag:s14], $0x100  }
0x95: {  	[sflag:s14] =	ssyncset.done $0x0  }
0x96: {  	[sflag:s14] =	ssyncadd.s32 $0xFFFFFF00  }
0x97: {  	_ =	swait.ge [sflag:s14], $0x100  }
0x98: {  	[sflag:s14] =	ssyncset.done $0x0  }
0x99: {  	[sflag:s14] =	ssyncadd.s32 $0xFFFFFF00  }
0x9a: {  	_ =	swait.ge [sflag:s14], $0x100  }
0x9b: {  	s5 =	simm.s32 $0x800;
	[sflag:s14] =	ssyncset.done $0x0  }
.LBB2_2:
0x9c: {  	[sflag:s14] =	ssyncadd.s32 $0xFFFFFF00  }
0x9d: {  	s16 =	sadd.s32 $0x40, s16;
	s17 =	sadd.s32 $0x40, s17;
	s26 =	smov.u32 s5  }
0x9e: {  	[tilespmem:s12], [sflag:$0x8] =	stream.linear.gather [hbm4b:s17+s6], $0x100, $0x38;
	[tilespmem:$0x1C200] =	vst v63  }
0x9f: {  	p0 =	sne.s32 s5, $0x7000;
	s5 =	sadd.s32 $0x800, s5;
	_ =	swait.ge [sflag:s30], $0x100  }
0xa0: {  	s26 =	sshra.s32 s26, $0x2;
	[sflag:s30] =	ssyncset.done $0x0  }
0xa1: {  	s28 =	sadd.s32 $0x100, s26;
	[sflag:s30] =	ssyncadd.s32 $0xFFFFFF00  }
0xa2: {  	[tilespmem:s28], [sflag:$0x2] =	stream.indirect.gather [hbm4b:s1+s31], $0x1, s12, s31, $0xb8;
	[tilespmem:$0x1C200] =	vst v63  }
0xa3: {  	s28 =	sadd.s32 $0x2100, s26  }
0xa4: {  	[tilespmem:s28], [sflag:$0x2] =	stream.indirect.gather [hbm4b:s2+s31], $0x1, s12, s31, $0xb8;
	[tilespmem:$0x1C200] =	vst v63  }
0xa5: {  	s28 =	sadd.s32 $0x4100, s26  }
0xa6: {  	[tilespmem:s28], [sflag:$0x2] =	stream.indirect.gather [hbm4b:s3+s31], $0x1, s12, s31, $0xb8;
	[tilespmem:$0x1C200] =	vst v63  }
0xa7: {  	s28 =	sadd.s32 $0x6100, s26  }
0xa8: {  	[tilespmem:s28], [sflag:$0x2] =	stream.indirect.gather [hbm4b:s4+s31], $0x1, s12, s31, $0xb8;
	[tilespmem:$0x1C200] =	vst v63  }
0xa9: {  	_ =	swait.ge [sflag:s13], $0x100  }
0xaa: {  	[sflag:s13] =	ssyncset.done $0x0  }
0xab: {  	[sflag:s13] =	ssyncadd.s32 $0xFFFFFF00  }
0xac: {  	_ =	swait.ge [sflag:s13], $0x100  }
0xad: {  	[sflag:s13] =	ssyncset.done $0x0  }
0xae: {  	[sflag:s13] =	ssyncadd.s32 $0xFFFFFF00  }
0xaf: {  	_ =	swait.ge [sflag:s13], $0x100  }
0xb0: {  	[sflag:s13] =	ssyncset.done $0x0  }
0xb1: {  	[sflag:s13] =	ssyncadd.s32 $0xFFFFFF00  }
0xb2: {  	_ =	swait.ge [sflag:s13], $0x100  }
0xb3: {  	[sflag:s13] =	ssyncset.done $0x0  }
0xb4: {  	[sflag:s13] =	ssyncadd.s32 $0xFFFFFF00  }
0xb5: {  	[tilespmem:s29], [sflag:$0x8] =	stream.linear.gather [hbm4b:s16+s6], $0x100, $0x38;
	[tilespmem:$0x1C200] =	vst v63  }
0xb6: {  	_ =	swait.ge [sflag:s30], $0x100  }
0xb7: {  	[sflag:s30] =	ssyncset.done $0x0  }
0xb8: {  	s28 =	sadd.s32 $0x200, s26;
	[sflag:s30] =	ssyncadd.s32 $0xFFFFFF00  }
0xb9: {  	[tilespmem:s28], [sflag:$0x1] =	stream.indirect.gather [hbm4b:s1+s31], $0x1, s29, s31, $0xb8;
	[tilespmem:$0x1C200] =	vst v63  }
0xba: {  	s28 =	sadd.s32 $0x2200, s26  }
0xbb: {  	[tilespmem:s28], [sflag:$0x1] =	stream.indirect.gather [hbm4b:s2+s31], $0x1, s29, s31, $0xb8;
	[tilespmem:$0x1C200] =	vst v63  }
0xbc: {  	s28 =	sadd.s32 $0x4200, s26  }
0xbd: {  	[tilespmem:s28], [sflag:$0x1] =	stream.indirect.gather [hbm4b:s3+s31], $0x1, s29, s31, $0xb8;
	[tilespmem:$0x1C200] =	vst v63  }
0xbe: {  	s26 =	sadd.s32 $0x6200, s26  }
0xbf: {  	[tilespmem:s26], [sflag:$0x1] =	stream.indirect.gather [hbm4b:s4+s31], $0x1, s29, s31, $0xb8;
	[tilespmem:$0x1C200] =	vst v63  }
0xc0: {  	_ =	swait.ge [sflag:s14], $0x100  }
0xc1: {  	[sflag:s14] =	ssyncset.done $0x0  }
0xc2: {  	[sflag:s14] =	ssyncadd.s32 $0xFFFFFF00  }
0xc3: {  	_ =	swait.ge [sflag:s14], $0x100  }
0xc4: {  	[sflag:s14] =	ssyncset.done $0x0  }
0xc5: {  	[sflag:s14] =	ssyncadd.s32 $0xFFFFFF00  }
.Ltmp2:
0xc6: {  	_ =	swait.ge [sflag:s14], $0x100;
	(pc) =	sbr.rel @p0 .LBB2_2-.Ltmp2, $4  }
0xc7: {  	[sflag:s14] =	ssyncset.done $0x0  }
0xc8: {  	[sflag:s14] =	ssyncadd.s32 $0xFFFFFF00  }
0xc9: {  	_ =	swait.ge [sflag:s14], $0x100  }
0xca: {  	[sflag:s14] =	ssyncset.done $0x0  }
0xcb: {  	[sflag:s14] =	ssyncadd.s32 $0xFFFFFF00;
	s5 =	simm.s32 $0x0;
	s16 =	rddreg [dreg:$0x17]  }
0xcc: {  	[tilespmem:s12], [sflag:$0x8] =	stream.linear.gather [hbm4b:s16+s5], $0x100, $0x38;
	[tilespmem:$0x1C200] =	vst v63  }
0xcd: {  	_ =	swait.ge [sflag:s30], $0x100  }
0xce: {  	[sflag:s30] =	ssyncset.done $0x0  }
0xcf: {  	s26 =	simm.s32 $0x1F00;
	[sflag:s30] =	ssyncadd.s32 $0xFFFFFF00  }
0xd0: {  	[tilespmem:s26], [sflag:$0x2] =	stream.indirect.gather [hbm4b:s1+s31], $0x1, s12, s31, $0xb8;
	[tilespmem:$0x1C200] =	vst v63  }
0xd1: {  	s28 =	simm.s32 $0x3F00  }
0xd2: {  	[tilespmem:s28], [sflag:$0x2] =	stream.indirect.gather [hbm4b:s2+s31], $0x1, s12, s31, $0xb8;
	[tilespmem:$0x1C200] =	vst v63  }
0xd3: {  	s17 =	simm.s32 $0x5F00  }
0xd4: {  	[tilespmem:s17], [sflag:$0x2] =	stream.indirect.gather [hbm4b:s3+s31], $0x1, s12, s31, $0xb8;
	[tilespmem:$0x1C200] =	vst v63  }
0xd5: {  	s26 =	simm.s32 $0x7F00  }
0xd6: {  	[tilespmem:s26], [sflag:$0x2] =	stream.indirect.gather [hbm4b:s4+s31], $0x1, s12, s31, $0xb8;
	[tilespmem:$0x1C200] =	vst v63  }
0xd7: {  	_ =	swait.ge [sflag:s13], $0x100  }
0xd8: {  	[sflag:s13] =	ssyncset.done $0x0  }
0xd9: {  	[sflag:s13] =	ssyncadd.s32 $0xFFFFFF00  }
0xda: {  	_ =	swait.ge [sflag:s13], $0x100  }
0xdb: {  	[sflag:s13] =	ssyncset.done $0x0  }
0xdc: {  	[sflag:s13] =	ssyncadd.s32 $0xFFFFFF00  }
0xdd: {  	_ =	swait.ge [sflag:s13], $0x100  }
0xde: {  	[sflag:s13] =	ssyncset.done $0x0  }
0xdf: {  	[sflag:s13] =	ssyncadd.s32 $0xFFFFFF00  }
0xe0: {  	_ =	swait.ge [sflag:s13], $0x100  }
0xe1: {  	[sflag:s13] =	ssyncset.done $0x0  }
0xe2: {  	[sflag:s13] =	ssyncadd.s32 $0xFFFFFF00  }
0xe3: {  	_ =	swait.ge [sflag:s14], $0x100  }
0xe4: {  	[sflag:s14] =	ssyncset.done $0x0  }
0xe5: {  	[sflag:s14] =	ssyncadd.s32 $0xFFFFFF00  }
0xe6: {  	_ =	swait.ge [sflag:s14], $0x100  }
0xe7: {  	[sflag:s14] =	ssyncset.done $0x0  }
0xe8: {  	[sflag:s14] =	ssyncadd.s32 $0xFFFFFF00  }
0xe9: {  	_ =	swait.ge [sflag:s14], $0x100  }
0xea: {  	[sflag:s14] =	ssyncset.done $0x0  }
0xeb: {  	[sflag:s14] =	ssyncadd.s32 $0xFFFFFF00  }
0xec: {  	_ =	swait.ge [sflag:s14], $0x100  }
0xed: {  	[sflag:s14] =	ssyncset.done $0x0  }
0xee: {  	s17 =	simm.s32 $0x4000;
	s28 =	rddreg [dreg:$0x10];
	[sflag:s14] =	ssyncadd.s32 $0xFFFFFF00  }
0xef: {  	[hbm4b:s28+s5] =	stream.linear.scatter [tilespmem:s17], [sflag:$0x7], $0x2000, $0x38;
	[tilespmem:$0x1C200] =	vst v63  }
0xf0: {  	s26 =	rddreg [dreg:$0x11];
	s28 =	simm.s32 $0x6000  }
0xf1: {  	[hbm4b:s26+s5] =	stream.linear.scatter [tilespmem:s28], [sflag:$0x7], $0x2000, $0x38;
	[tilespmem:$0x1C200] =	vst v63  }
0xf2: {  	_ = 	snop  }
0xf3: {  	[tilespmem:s19], [sflag:$0x3] =	stream.indirect.gather [hbm4b:s8+s18], $0x80, s5, s18, $0xb8;
	[tilespmem:$0x1C200] =	vst v63  }
0xf4: {  	s26 =	simm.s32 $0x2000  }
0xf5: {  	[tilespmem:s0], [sflag:$0x3] =	stream.indirect.gather [hbm4b:s9+s18], $0x80, s26, s18, $0xb8;
	[tilespmem:$0x1C200] =	vst v63  }
0xf6: {  	_ = 	snop  }
0xf7: {  	[tilespmem:s7], [sflag:$0x4] =	stream.indirect.gather [hbm4b:s8+s18], $0x80, s18, s18, $0xb8;
	[tilespmem:$0x1C200] =	vst v63  }
0xf8: {  	s28 =	simm.s32 $0x2080  }
0xf9: {  	[tilespmem:s11], [sflag:$0x4] =	stream.indirect.gather [hbm4b:s9+s18], $0x80, s28, s18, $0xb8;
	[tilespmem:$0x1C200] =	vst v63  }
.LBB2_4:
0xfa: {  	_ =	swait.ge [sflag:s22], $0x4000  }
0xfb: {  	[sflag:s22] =	ssyncset.done $0x0  }
0xfc: {  	[sflag:s22] =	ssyncadd.s32 $0xFFFFC000  }
0xfd: {  	_ =	swait.ge [sflag:s22], $0x4000  }
0xfe: {  	[sflag:s22] =	ssyncset.done $0x0  }
0xff: {  	s16 =	simm.s32 $0x8080;
	[sflag:s22] =	ssyncadd.s32 $0xFFFFC000  }
0x100: {  	s17 =	simm.s32 $0xC080;
	v0 =	vld [tilespmem:s16+$0xFFFFFF80]  }
0x101: {  	v1 =	vld [tilespmem:s17+$0xFFFFFF80];
	_ =	sdelay $0x4  }
0x102: {  	v0 =	vadd.f32 v1, v0;
	_ =	sdelay $0x1  }
0x103: {  	[tilespmem:s16+$0xFFFFFF80] =	vst v0;
	v0 =	vld [tilespmem:s16+$0xFFFFFF90]  }
0x104: {  	v1 =	vld [tilespmem:s17+$0xFFFFFF90];
	_ =	sdelay $0x4  }
0x105: {  	v0 =	vadd.f32 v1, v0;
	_ =	sdelay $0x1  }
0x106: {  	[tilespmem:s16+$0xFFFFFF90] =	vst v0;
	v0 =	vld [tilespmem:s16+$0xFFFFFFA0]  }
0x107: {  	v1 =	vld [tilespmem:s17+$0xFFFFFFA0];
	_ =	sdelay $0x4  }
0x108: {  	v0 =	vadd.f32 v1, v0;
	_ =	sdelay $0x1  }
0x109: {  	[tilespmem:s16+$0xFFFFFFA0] =	vst v0;
	v0 =	vld [tilespmem:s16+$0xFFFFFFB0]  }
0x10a: {  	v1 =	vld [tilespmem:s17+$0xFFFFFFB0];
	_ =	sdelay $0x4  }
0x10b: {  	v0 =	vadd.f32 v1, v0;
	_ =	sdelay $0x1  }
0x10c: {  	[tilespmem:s16+$0xFFFFFFB0] =	vst v0;
	v0 =	vld [tilespmem:s16+$0xFFFFFFC0]  }
0x10d: {  	v1 =	vld [tilespmem:s17+$0xFFFFFFC0];
	_ =	sdelay $0x4  }
0x10e: {  	v0 =	vadd.f32 v1, v0;
	_ =	sdelay $0x1  }
0x10f: {  	[tilespmem:s16+$0xFFFFFFC0] =	vst v0;
	v0 =	vld [tilespmem:s16+$0xFFFFFFD0]  }
0x110: {  	v1 =	vld [tilespmem:s17+$0xFFFFFFD0];
	_ =	sdelay $0x4  }
0x111: {  	v0 =	vadd.f32 v1, v0;
	_ =	sdelay $0x1  }
0x112: {  	[tilespmem:s16+$0xFFFFFFD0] =	vst v0;
	v0 =	vld [tilespmem:s16+$0xFFFFFFE0]  }
0x113: {  	v1 =	vld [tilespmem:s17+$0xFFFFFFE0];
	_ =	sdelay $0x4  }
0x114: {  	v0 =	vadd.f32 v1, v0;
	_ =	sdelay $0x1  }
0x115: {  	[tilespmem:s16+$0xFFFFFFE0] =	vst v0;
	v0 =	vld [tilespmem:s16+$0xFFFFFFF0]  }
0x116: {  	v1 =	vld [tilespmem:s17+$0xFFFFFFF0];
	_ =	sdelay $0x4  }
0x117: {  	v0 =	vadd.f32 v1, v0;
	_ =	sdelay $0x1  }
0x118: {  	[tilespmem:s16+$0xFFFFFFF0] =	vst v0;
	v0 =	vld [tilespmem:s16+$0x0]  }
0x119: {  	v1 =	vld [tilespmem:s17+$0x0];
	_ =	sdelay $0x4  }
0x11a: {  	v0 =	vadd.f32 v1, v0;
	_ =	sdelay $0x1  }
0x11b: {  	[tilespmem:s16+$0x0] =	vst v0;
	v0 =	vld [tilespmem:s16+$0x10]  }
0x11c: {  	v1 =	vld [tilespmem:s17+$0x10];
	_ =	sdelay $0x4  }
0x11d: {  	v0 =	vadd.f32 v1, v0;
	_ =	sdelay $0x1  }
0x11e: {  	[tilespmem:s16+$0x10] =	vst v0;
	v0 =	vld [tilespmem:s16+$0x20]  }
0x11f: {  	v1 =	vld [tilespmem:s17+$0x20];
	_ =	sdelay $0x4  }
0x120: {  	v0 =	vadd.f32 v1, v0;
	_ =	sdelay $0x1  }
0x121: {  	[tilespmem:s16+$0x20] =	vst v0;
	v0 =	vld [tilespmem:s16+$0x30]  }
0x122: {  	v1 =	vld [tilespmem:s17+$0x30];
	_ =	sdelay $0x4  }
0x123: {  	v0 =	vadd.f32 v1, v0;
	_ =	sdelay $0x1  }
0x124: {  	[tilespmem:s16+$0x30] =	vst v0;
	v0 =	vld [tilespmem:s16+$0x40]  }
0x125: {  	v1 =	vld [tilespmem:s17+$0x40];
	_ =	sdelay $0x4  }
0x126: {  	v0 =	vadd.f32 v1, v0;
	_ =	sdelay $0x1  }
0x127: {  	[tilespmem:s16+$0x40] =	vst v0;
	v0 =	vld [tilespmem:s16+$0x50]  }
0x128: {  	v1 =	vld [tilespmem:s17+$0x50];
	_ =	sdelay $0x4  }
0x129: {  	v0 =	vadd.f32 v1, v0;
	_ =	sdelay $0x1  }
0x12a: {  	[tilespmem:s16+$0x50] =	vst v0;
	v0 =	vld [tilespmem:s16+$0x60]  }
0x12b: {  	v1 =	vld [tilespmem:s17+$0x60];
	_ =	sdelay $0x4  }
0x12c: {  	v0 =	vadd.f32 v1, v0;
	_ =	sdelay $0x1  }
0x12d: {  	[tilespmem:s16+$0x60] =	vst v0;
	v0 =	vld [tilespmem:s16+$0x70]  }
0x12e: {  	v1 =	vld [tilespmem:s17+$0x70];
	_ =	sdelay $0x4  }
0x12f: {  	v0 =	vadd.f32 v1, v0  }
0x130: {  	s26 =	simm.s32 $0x0;
	s28 =	simm.s32 $0x8180  }
.LBB2_5:
0x131: {  	v1 =	vld [tilespmem:s28+$0xFFFFFF80];
	[tilespmem:s16+$0x70] =	vst v0;
	s17 =	sadd.s32 $0x100, s17;
	s16 =	smov.u32 s28  }
0x132: {  	s26 =	sadd.s32 $0x2, s26;
	v0 =	vld [tilespmem:s17+$0xFFFFFF80]  }
0x133: {  	p0 =	slt.u32 s26, $0x7E;
	_ =	sdelay $0x3  }
0x134: {  	v0 =	vadd.f32 v0, v1;
	_ =	sdelay $0x1  }
0x135: {  	[tilespmem:s28+$0xFFFFFF80] =	vst v0;
	v0 =	vld [tilespmem:s28+$0xFFFFFF90]  }
0x136: {  	v1 =	vld [tilespmem:s17+$0xFFFFFF90];
	_ =	sdelay $0x4  }
0x137: {  	v0 =	vadd.f32 v1, v0;
	_ =	sdelay $0x1  }
0x138: {  	[tilespmem:s28+$0xFFFFFF90] =	vst v0;
	v0 =	vld [tilespmem:s28+$0xFFFFFFA0]  }
0x139: {  	v1 =	vld [tilespmem:s17+$0xFFFFFFA0];
	_ =	sdelay $0x4  }
0x13a: {  	v0 =	vadd.f32 v1, v0;
	_ =	sdelay $0x1  }
0x13b: {  	[tilespmem:s28+$0xFFFFFFA0] =	vst v0;
	v0 =	vld [tilespmem:s28+$0xFFFFFFB0]  }
0x13c: {  	v1 =	vld [tilespmem:s17+$0xFFFFFFB0];
	_ =	sdelay $0x4  }
0x13d: {  	v0 =	vadd.f32 v1, v0;
	_ =	sdelay $0x1  }
0x13e: {  	[tilespmem:s28+$0xFFFFFFB0] =	vst v0;
	v0 =	vld [tilespmem:s28+$0xFFFFFFC0]  }
0x13f: {  	v1 =	vld [tilespmem:s17+$0xFFFFFFC0];
	_ =	sdelay $0x4  }
0x140: {  	v0 =	vadd.f32 v1, v0;
	_ =	sdelay $0x1  }
0x141: {  	[tilespmem:s28+$0xFFFFFFC0] =	vst v0;
	v0 =	vld [tilespmem:s28+$0xFFFFFFD0]  }
0x142: {  	v1 =	vld [tilespmem:s17+$0xFFFFFFD0];
	_ =	sdelay $0x4  }
0x143: {  	v0 =	vadd.f32 v1, v0;
	_ =	sdelay $0x1  }
0x144: {  	[tilespmem:s28+$0xFFFFFFD0] =	vst v0;
	v0 =	vld [tilespmem:s28+$0xFFFFFFE0]  }
0x145: {  	v1 =	vld [tilespmem:s17+$0xFFFFFFE0];
	_ =	sdelay $0x4  }
0x146: {  	v0 =	vadd.f32 v1, v0;
	_ =	sdelay $0x1  }
0x147: {  	[tilespmem:s28+$0xFFFFFFE0] =	vst v0;
	v0 =	vld [tilespmem:s28+$0xFFFFFFF0]  }
0x148: {  	v1 =	vld [tilespmem:s17+$0xFFFFFFF0];
	_ =	sdelay $0x4  }
0x149: {  	v0 =	vadd.f32 v1, v0;
	_ =	sdelay $0x1  }
0x14a: {  	[tilespmem:s28+$0xFFFFFFF0] =	vst v0;
	v0 =	vld [tilespmem:s28+$0x0]  }
0x14b: {  	v1 =	vld [tilespmem:s17+$0x0];
	_ =	sdelay $0x4  }
0x14c: {  	v0 =	vadd.f32 v1, v0;
	_ =	sdelay $0x1  }
0x14d: {  	[tilespmem:s28+$0x0] =	vst v0;
	v0 =	vld [tilespmem:s28+$0x10]  }
0x14e: {  	v1 =	vld [tilespmem:s17+$0x10];
	_ =	sdelay $0x4  }
0x14f: {  	v0 =	vadd.f32 v1, v0;
	_ =	sdelay $0x1  }
0x150: {  	[tilespmem:s28+$0x10] =	vst v0;
	v0 =	vld [tilespmem:s28+$0x20]  }
0x151: {  	v1 =	vld [tilespmem:s17+$0x20];
	_ =	sdelay $0x4  }
0x152: {  	v0 =	vadd.f32 v1, v0;
	_ =	sdelay $0x1  }
0x153: {  	[tilespmem:s28+$0x20] =	vst v0;
	v0 =	vld [tilespmem:s28+$0x30]  }
0x154: {  	v1 =	vld [tilespmem:s17+$0x30];
	_ =	sdelay $0x4  }
0x155: {  	v0 =	vadd.f32 v1, v0;
	_ =	sdelay $0x1  }
0x156: {  	[tilespmem:s28+$0x30] =	vst v0;
	v0 =	vld [tilespmem:s28+$0x40]  }
0x157: {  	v1 =	vld [tilespmem:s17+$0x40];
	_ =	sdelay $0x4  }
0x158: {  	v0 =	vadd.f32 v1, v0;
	_ =	sdelay $0x1  }
0x159: {  	[tilespmem:s28+$0x40] =	vst v0;
	v0 =	vld [tilespmem:s28+$0x50]  }
0x15a: {  	v1 =	vld [tilespmem:s17+$0x50];
	_ =	sdelay $0x4  }
0x15b: {  	v0 =	vadd.f32 v1, v0;
	_ =	sdelay $0x1  }
0x15c: {  	[tilespmem:s28+$0x50] =	vst v0;
	v0 =	vld [tilespmem:s28+$0x60]  }
0x15d: {  	v1 =	vld [tilespmem:s17+$0x60];
	_ =	sdelay $0x4  }
0x15e: {  	v0 =	vadd.f32 v1, v0;
	_ =	sdelay $0x1  }
0x15f: {  	[tilespmem:s28+$0x60] =	vst v0;
	v0 =	vld [tilespmem:s28+$0x70]  }
0x160: {  	v1 =	vld [tilespmem:s17+$0x70];
	_ =	sdelay $0x1  }
.Ltmp3:
0x161: {  	(pc) =	sbr.rel @p0 .LBB2_5-.Ltmp3, $3  }
0x162: {  	_ =	sdelay $0x1  }
0x163: {  	v0 =	vadd.f32 v1, v0  }
0x164: {  	s28 =	sadd.s32 $0x100, s28  }
0x165: {  	s17 =	sshll.u32 s5, $0xC  }
0x166: {  	[tilespmem:s16+$0x70] =	vst v0;
	s26 =	sadd.s32 s17, s21  }
0x167: {  	[hbm4b:s26+s6] =	stream.linear.scatter [tilespmem:s19], [sflag:$0x5], $0x4000, $0x38;
	[tilespmem:$0x1C200] =	vst v63  }
0x168: {  	_ =	swait.ge [sflag:s23], $0x4000  }
0x169: {  	[sflag:s23] =	ssyncset.done $0x0  }
0x16a: {  	[sflag:s23] =	ssyncadd.s32 $0xFFFFC000  }
0x16b: {  	_ =	swait.ge [sflag:s23], $0x4000  }
0x16c: {  	[sflag:s23] =	ssyncset.done $0x0  }
0x16d: {  	s16 =	simm.s32 $0x10080;
	[sflag:s23] =	ssyncadd.s32 $0xFFFFC000  }
0x16e: {  	s17 =	simm.s32 $0x14080;
	v0 =	vld [tilespmem:s16+$0xFFFFFF80]  }
0x16f: {  	v1 =	vld [tilespmem:s17+$0xFFFFFF80];
	_ =	sdelay $0x4  }
0x170: {  	v0 =	vadd.f32 v1, v0;
	_ =	sdelay $0x1  }
0x171: {  	[tilespmem:s16+$0xFFFFFF80] =	vst v0;
	v0 =	vld [tilespmem:s16+$0xFFFFFF90]  }
0x172: {  	v1 =	vld [tilespmem:s17+$0xFFFFFF90];
	_ =	sdelay $0x4  }
0x173: {  	v0 =	vadd.f32 v1, v0;
	_ =	sdelay $0x1  }
0x174: {  	[tilespmem:s16+$0xFFFFFF90] =	vst v0;
	v0 =	vld [tilespmem:s16+$0xFFFFFFA0]  }
0x175: {  	v1 =	vld [tilespmem:s17+$0xFFFFFFA0];
	_ =	sdelay $0x4  }
0x176: {  	v0 =	vadd.f32 v1, v0;
	_ =	sdelay $0x1  }
0x177: {  	[tilespmem:s16+$0xFFFFFFA0] =	vst v0;
	v0 =	vld [tilespmem:s16+$0xFFFFFFB0]  }
0x178: {  	v1 =	vld [tilespmem:s17+$0xFFFFFFB0];
	_ =	sdelay $0x4  }
0x179: {  	v0 =	vadd.f32 v1, v0;
	_ =	sdelay $0x1  }
0x17a: {  	[tilespmem:s16+$0xFFFFFFB0] =	vst v0;
	v0 =	vld [tilespmem:s16+$0xFFFFFFC0]  }
0x17b: {  	v1 =	vld [tilespmem:s17+$0xFFFFFFC0];
	_ =	sdelay $0x4  }
0x17c: {  	v0 =	vadd.f32 v1, v0;
	_ =	sdelay $0x1  }
0x17d: {  	[tilespmem:s16+$0xFFFFFFC0] =	vst v0;
	v0 =	vld [tilespmem:s16+$0xFFFFFFD0]  }
0x17e: {  	v1 =	vld [tilespmem:s17+$0xFFFFFFD0];
	_ =	sdelay $0x4  }
0x17f: {  	v0 =	vadd.f32 v1, v0;
	_ =	sdelay $0x1  }
0x180: {  	[tilespmem:s16+$0xFFFFFFD0] =	vst v0;
	v0 =	vld [tilespmem:s16+$0xFFFFFFE0]  }
0x181: {  	v1 =	vld [tilespmem:s17+$0xFFFFFFE0];
	_ =	sdelay $0x4  }
0x182: {  	v0 =	vadd.f32 v1, v0;
	_ =	sdelay $0x1  }
0x183: {  	[tilespmem:s16+$0xFFFFFFE0] =	vst v0;
	v0 =	vld [tilespmem:s16+$0xFFFFFFF0]  }
0x184: {  	v1 =	vld [tilespmem:s17+$0xFFFFFFF0];
	_ =	sdelay $0x4  }
0x185: {  	v0 =	vadd.f32 v1, v0;
	_ =	sdelay $0x1  }
0x186: {  	[tilespmem:s16+$0xFFFFFFF0] =	vst v0;
	v0 =	vld [tilespmem:s16+$0x0]  }
0x187: {  	v1 =	vld [tilespmem:s17+$0x0];
	_ =	sdelay $0x4  }
0x188: {  	v0 =	vadd.f32 v1, v0;
	_ =	sdelay $0x1  }
0x189: {  	[tilespmem:s16+$0x0] =	vst v0;
	v0 =	vld [tilespmem:s16+$0x10]  }
0x18a: {  	v1 =	vld [tilespmem:s17+$0x10];
	_ =	sdelay $0x4  }
0x18b: {  	v0 =	vadd.f32 v1, v0;
	_ =	sdelay $0x1  }
0x18c: {  	[tilespmem:s16+$0x10] =	vst v0;
	v0 =	vld [tilespmem:s16+$0x20]  }
0x18d: {  	v1 =	vld [tilespmem:s17+$0x20];
	_ =	sdelay $0x4  }
0x18e: {  	v0 =	vadd.f32 v1, v0;
	_ =	sdelay $0x1  }
0x18f: {  	[tilespmem:s16+$0x20] =	vst v0;
	v0 =	vld [tilespmem:s16+$0x30]  }
0x190: {  	v1 =	vld [tilespmem:s17+$0x30];
	_ =	sdelay $0x4  }
0x191: {  	v0 =	vadd.f32 v1, v0;
	_ =	sdelay $0x1  }
0x192: {  	[tilespmem:s16+$0x30] =	vst v0;
	v0 =	vld [tilespmem:s16+$0x40]  }
0x193: {  	v1 =	vld [tilespmem:s17+$0x40];
	_ =	sdelay $0x4  }
0x194: {  	v0 =	vadd.f32 v1, v0;
	_ =	sdelay $0x1  }
0x195: {  	[tilespmem:s16+$0x40] =	vst v0;
	v0 =	vld [tilespmem:s16+$0x50]  }
0x196: {  	v1 =	vld [tilespmem:s17+$0x50];
	_ =	sdelay $0x4  }
0x197: {  	v0 =	vadd.f32 v1, v0;
	_ =	sdelay $0x1  }
0x198: {  	[tilespmem:s16+$0x50] =	vst v0;
	v0 =	vld [tilespmem:s16+$0x60]  }
0x199: {  	v1 =	vld [tilespmem:s17+$0x60];
	_ =	sdelay $0x4  }
0x19a: {  	v0 =	vadd.f32 v1, v0;
	_ =	sdelay $0x1  }
0x19b: {  	[tilespmem:s16+$0x60] =	vst v0;
	v0 =	vld [tilespmem:s16+$0x70]  }
0x19c: {  	v1 =	vld [tilespmem:s17+$0x70];
	_ =	sdelay $0x4  }
0x19d: {  	v0 =	vadd.f32 v1, v0  }
0x19e: {  	s28 =	simm.s32 $0x10180;
	s26 =	simm.s32 $0x0  }
.LBB2_7:
0x19f: {  	v1 =	vld [tilespmem:s28+$0xFFFFFF80];
	[tilespmem:s16+$0x70] =	vst v0;
	s17 =	sadd.s32 $0x100, s17;
	s16 =	smov.u32 s28  }
0x1a0: {  	s26 =	sadd.s32 $0x2, s26;
	v0 =	vld [tilespmem:s17+$0xFFFFFF80]  }
0x1a1: {  	p0 =	slt.u32 s26, $0x7E;
	_ =	sdelay $0x3  }
0x1a2: {  	v0 =	vadd.f32 v0, v1;
	_ =	sdelay $0x1  }
0x1a3: {  	[tilespmem:s28+$0xFFFFFF80] =	vst v0;
	v0 =	vld [tilespmem:s28+$0xFFFFFF90]  }
0x1a4: {  	v1 =	vld [tilespmem:s17+$0xFFFFFF90];
	_ =	sdelay $0x4  }
0x1a5: {  	v0 =	vadd.f32 v1, v0;
	_ =	sdelay $0x1  }
0x1a6: {  	[tilespmem:s28+$0xFFFFFF90] =	vst v0;
	v0 =	vld [tilespmem:s28+$0xFFFFFFA0]  }
0x1a7: {  	v1 =	vld [tilespmem:s17+$0xFFFFFFA0];
	_ =	sdelay $0x4  }
0x1a8: {  	v0 =	vadd.f32 v1, v0;
	_ =	sdelay $0x1  }
0x1a9: {  	[tilespmem:s28+$0xFFFFFFA0] =	vst v0;
	v0 =	vld [tilespmem:s28+$0xFFFFFFB0]  }
0x1aa: {  	v1 =	vld [tilespmem:s17+$0xFFFFFFB0];
	_ =	sdelay $0x4  }
0x1ab: {  	v0 =	vadd.f32 v1, v0;
	_ =	sdelay $0x1  }
0x1ac: {  	[tilespmem:s28+$0xFFFFFFB0] =	vst v0;
	v0 =	vld [tilespmem:s28+$0xFFFFFFC0]  }
0x1ad: {  	v1 =	vld [tilespmem:s17+$0xFFFFFFC0];
	_ =	sdelay $0x4  }
0x1ae: {  	v0 =	vadd.f32 v1, v0;
	_ =	sdelay $0x1  }
0x1af: {  	[tilespmem:s28+$0xFFFFFFC0] =	vst v0;
	v0 =	vld [tilespmem:s28+$0xFFFFFFD0]  }
0x1b0: {  	v1 =	vld [tilespmem:s17+$0xFFFFFFD0];
	_ =	sdelay $0x4  }
0x1b1: {  	v0 =	vadd.f32 v1, v0;
	_ =	sdelay $0x1  }
0x1b2: {  	[tilespmem:s28+$0xFFFFFFD0] =	vst v0;
	v0 =	vld [tilespmem:s28+$0xFFFFFFE0]  }
0x1b3: {  	v1 =	vld [tilespmem:s17+$0xFFFFFFE0];
	_ =	sdelay $0x4  }
0x1b4: {  	v0 =	vadd.f32 v1, v0;
	_ =	sdelay $0x1  }
0x1b5: {  	[tilespmem:s28+$0xFFFFFFE0] =	vst v0;
	v0 =	vld [tilespmem:s28+$0xFFFFFFF0]  }
0x1b6: {  	v1 =	vld [tilespmem:s17+$0xFFFFFFF0];
	_ =	sdelay $0x4  }
0x1b7: {  	v0 =	vadd.f32 v1, v0;
	_ =	sdelay $0x1  }
0x1b8: {  	[tilespmem:s28+$0xFFFFFFF0] =	vst v0;
	v0 =	vld [tilespmem:s28+$0x0]  }
0x1b9: {  	v1 =	vld [tilespmem:s17+$0x0];
	_ =	sdelay $0x4  }
0x1ba: {  	v0 =	vadd.f32 v1, v0;
	_ =	sdelay $0x1  }
0x1bb: {  	[tilespmem:s28+$0x0] =	vst v0;
	v0 =	vld [tilespmem:s28+$0x10]  }
0x1bc: {  	v1 =	vld [tilespmem:s17+$0x10];
	_ =	sdelay $0x4  }
0x1bd: {  	v0 =	vadd.f32 v1, v0;
	_ =	sdelay $0x1  }
0x1be: {  	[tilespmem:s28+$0x10] =	vst v0;
	v0 =	vld [tilespmem:s28+$0x20]  }
0x1bf: {  	v1 =	vld [tilespmem:s17+$0x20];
	_ =	sdelay $0x4  }
0x1c0: {  	v0 =	vadd.f32 v1, v0;
	_ =	sdelay $0x1  }
0x1c1: {  	[tilespmem:s28+$0x20] =	vst v0;
	v0 =	vld [tilespmem:s28+$0x30]  }
0x1c2: {  	v1 =	vld [tilespmem:s17+$0x30];
	_ =	sdelay $0x4  }
0x1c3: {  	v0 =	vadd.f32 v1, v0;
	_ =	sdelay $0x1  }
0x1c4: {  	[tilespmem:s28+$0x30] =	vst v0;
	v0 =	vld [tilespmem:s28+$0x40]  }
0x1c5: {  	v1 =	vld [tilespmem:s17+$0x40];
	_ =	sdelay $0x4  }
0x1c6: {  	v0 =	vadd.f32 v1, v0;
	_ =	sdelay $0x1  }
0x1c7: {  	[tilespmem:s28+$0x40] =	vst v0;
	v0 =	vld [tilespmem:s28+$0x50]  }
0x1c8: {  	v1 =	vld [tilespmem:s17+$0x50];
	_ =	sdelay $0x4  }
0x1c9: {  	v0 =	vadd.f32 v1, v0;
	_ =	sdelay $0x1  }
0x1ca: {  	[tilespmem:s28+$0x50] =	vst v0;
	v0 =	vld [tilespmem:s28+$0x60]  }
0x1cb: {  	v1 =	vld [tilespmem:s17+$0x60];
	_ =	sdelay $0x4  }
0x1cc: {  	v0 =	vadd.f32 v1, v0;
	_ =	sdelay $0x1  }
0x1cd: {  	[tilespmem:s28+$0x60] =	vst v0;
	v0 =	vld [tilespmem:s28+$0x70]  }
0x1ce: {  	v1 =	vld [tilespmem:s17+$0x70];
	_ =	sdelay $0x1  }
.Ltmp4:
0x1cf: {  	(pc) =	sbr.rel @p0 .LBB2_7-.Ltmp4, $3  }
0x1d0: {  	_ =	sdelay $0x1  }
0x1d1: {  	v0 =	vadd.f32 v1, v0  }
0x1d2: {  	s28 =	sadd.s32 $0x100, s28  }
0x1d3: {  	s17 =	sshll.u32 s5, $0x8  }
0x1d4: {  	s26 =	sadd.s32 s17, s20  }
0x1d5: {  	s26 =	sshll.u32 s26, $0x4  }
0x1d6: {  	p0 =	seq.s32 s5, $0x1F;
	s26 =	sadd.s32 s10, s26  }
.Ltmp5:
0x1d7: {  	[tilespmem:s16+$0x70] =	vst v0;
	s28 =	sadd.s32 $0x800, s26;
	(pc) =	sbr.rel @p0 .LBB2_10-.Ltmp5, $4  }
0x1d8: {  	[hbm4b:s28+s6] =	stream.linear.scatter [tilespmem:s7], [sflag:$0x6], $0x4000, $0x38;
	[tilespmem:$0x1C200] =	vst v63  }
0x1d9: {  	_ =	swait.ge [sflag:s24], $0x4000  }
0x1da: {  	[sflag:s24] =	ssyncset.done $0x0  }
0x1db: {  	[sflag:s24] =	ssyncadd.s32 $0xFFFFC000  }
0x1dc: {  	s16 =	sadd.s32 $0x100, s17  }
0x1dd: {  	[tilespmem:s19], [sflag:$0x3] =	stream.indirect.gather [hbm4b:s8+s18], $0x80, s16, s18, $0xb8;
	[tilespmem:$0x1C200] =	vst v63  }
0x1de: {  	s28 =	sadd.s32 $0x2100, s17  }
0x1df: {  	[tilespmem:s0], [sflag:$0x3] =	stream.indirect.gather [hbm4b:s9+s18], $0x80, s28, s18, $0xb8;
	[tilespmem:$0x1C200] =	vst v63  }
0x1e0: {  	_ =	swait.ge [sflag:s25], $0x4000  }
.Ltmp6:
0x1e1: {  	[sflag:s25] =	ssyncset.done $0x0;
	(pc) =	sbr.rel .LBB2_4-.Ltmp6, $4  }
0x1e2: {  	s26 =	sadd.s32 $0x180, s17;
	[sflag:s25] =	ssyncadd.s32 $0xFFFFC000  }
0x1e3: {  	[tilespmem:s7], [sflag:$0x4] =	stream.indirect.gather [hbm4b:s8+s18], $0x80, s26, s18, $0xb8;
	[tilespmem:$0x1C200] =	vst v63  }
0x1e4: {  	s5 =	sadd.s32 $0x1, s5;
	s28 =	sadd.s32 $0x2180, s17  }
0x1e5: {  	[tilespmem:s11], [sflag:$0x4] =	stream.indirect.gather [hbm4b:s9+s18], $0x80, s28, s18, $0xb8;
	[tilespmem:$0x1C200] =	vst v63  }
.LBB2_11:
0x1e6: {  	_ =	sfence.sel $0x180000  }
0x1e7: {  	[bflag:$0x0] =	sbarrier.arrive $0xFFFF  }
0x1e8: {  	_ =	strace $0x90000047  }
0x1e9: {  	s0 =	stileid.u32;
	[bflag:$0x2] =	sbarrier.arrive $0xFFFF  }
0x1ea: {  	p0 =	sne.s32 s0, $0x0;
	s0 =	rddreg [dreg:$0x8]  }
0x1eb: {  	s0 =	sadd.s32 @!p0 $0x100000, s0  }
0x1ec: {  	[sflag:s0] =	ssyncadd.tile.s32 @!p0 $0x1;
	_ =	shalt  }
.Lfunc_end2:
_tile_overlayer_lowered:
.L_overlay_start_2:
0x1ed: {  	(tag) =	ssettag $0x2  }
0x1ee: {  	s0 =	rddreg [dreg:$0x0];
	s2 =	stileid.u32  }
0x1ef: {  	s1 =	rddreg [dreg:$0x1];
	p0 =	sne.s32 s2, $0x0  }
0x1f0: {  	s3 =	rddreg [dreg:$0x2];
	[bflag:$0x3] =	sbarrier.arrive $0xFFFF;
	s2 =	simm.s32 @!p0 $0x1C08  }
0x1f1: {  	[timem:s3], [sflag:s2] =	dma.local @!p0 [hbm:s0], s1  }
0x1f2: {  	s0 =	simm.s32 @!p0 $0x8  }
0x1f3: {  	_ =	swait.ge @!p0 [sflag:s0], s1  }
0x1f4: {  	s1 =	ssub.s32 @!p0 $0x0, s1;
	[sflag:s0] =	ssyncset.done @!p0 $0x0  }
0x1f5: {  	[sflag:s0] =	ssyncadd.s32 @!p0 s1  }
0x1f6: {  	[bflag:$0x3] =	sbarrier.arrive $0xFFFF  }
0x1f7: {  	_ =	shalt  }

</sc_bundles>
